<compile_context>
chip_gen: v7x
topology: tpu7x:2x2x1
jax: 0.10.2.dev20260603
libtpu: 0.0.44.dev20260713+nightly
codegen_flags: <defaults>
</compile_context>

<pallas_src>
import functools

import jax
import jax.numpy as jnp
from jax import lax
from jax.experimental import pallas as pl
from jax.experimental.pallas import tpu as pltpu
from jax.experimental.pallas import tpu_sc as plsc

NC = 2
NS = 16
CH = 128


def _round_up(v, m):
    return (v + m - 1) // m * m


def _sc_mesh():
    return plsc.VectorSubcoreMesh(
        core_axis_name="c", subcore_axis_name="s",
        num_cores=NC, num_subcores=NS)


def _load_idx(edges_hbm, pads_hbm, RE, which, r, buf):
    @pl.when(r < RE)
    def _():
        pltpu.sync_copy(edges_hbm.at[which, r], buf)

    @pl.when(r >= RE)
    def _():
        pltpu.sync_copy(pads_hbm.at[which, r - RE], buf)


def _make_sc_degree(NP, EPAD, RE):
    nchunks = EPAD // (NC * NS * CH)
    rpt = NP // NS

    @functools.partial(
        pl.kernel,
        mesh=_sc_mesh(),
        compiler_params=pltpu.CompilerParams(use_tc_tiling_on_sc=False),
        out_type=jax.ShapeDtypeStruct((NC, NP, 8), jnp.float32),
        scratch_types=[
            pltpu.VMEM_SHARED((NP, 8), jnp.float32),
            pltpu.VMEM((CH,), jnp.int32),
            pltpu.VMEM((CH,), jnp.int32),
            pltpu.VMEM((CH, 8), jnp.float32),
            pltpu.SemaphoreType.DMA,
        ],
    )
    def body(edges_hbm, pads_hbm, ones_hbm, zrow_hbm, out_hbm,
             acc, dsti0, dsti1, rows, s0):
        cid = lax.axis_index("c")
        sid = lax.axis_index("s")
        w = cid * NS + sid
        def zloop(i, c):
            pltpu.sync_copy(zrow_hbm, acc.at[pl.ds(sid * rpt + i * CH, CH)])
            return c
        lax.fori_loop(0, rpt // CH, zloop, 0)
        pltpu.sync_copy(ones_hbm, rows)
        plsc.subcore_barrier()
        base = w * nchunks
        last = EPAD // CH - 1
        dstis = (dsti0, dsti1)
        _load_idx(edges_hbm, pads_hbm, RE, 1, base, dsti0)
        def eloop(i, c):
            for b in range(2):
                jj = 2 * i + b
                pltpu.async_copy(rows, acc.at[dstis[b]], s0, add=True)
                nxt = jnp.minimum(base + jj + 1, last)
                _load_idx(edges_hbm, pads_hbm, RE, 1, nxt, dstis[1 - b])
                pltpu.make_async_copy(rows, acc.at[dstis[b]], s0).wait()
            return c
        lax.fori_loop(0, nchunks // 2, eloop, 0)
        plsc.subcore_barrier()
        pltpu.sync_copy(acc.at[pl.ds(sid * rpt, rpt)],
                        out_hbm.at[cid, pl.ds(sid * rpt, rpt)])

    return body


def _make_sc_agg(NP, EPAD, D, RE):
    nchunks = EPAD // (NC * NS * CH)
    rpt = NP // NS

    @functools.partial(
        pl.kernel,
        mesh=_sc_mesh(),
        compiler_params=pltpu.CompilerParams(use_tc_tiling_on_sc=False),
        out_type=jax.ShapeDtypeStruct((NC, NP, D), jnp.float32),
        scratch_types=[
            pltpu.VMEM_SHARED((NP, D), jnp.float32),
            pltpu.VMEM((CH,), jnp.int32),
            pltpu.VMEM((CH,), jnp.int32),
            pltpu.VMEM((CH,), jnp.int32),
            pltpu.VMEM((CH,), jnp.int32),
            pltpu.VMEM((CH, D), jnp.float32),
            pltpu.VMEM((CH, D), jnp.float32),
            pltpu.SemaphoreType.DMA,
            pltpu.SemaphoreType.DMA,
            pltpu.SemaphoreType.DMA,
            pltpu.SemaphoreType.DMA,
        ],
    )
    def body(z_hbm, edges_hbm, pads_hbm, zrow_hbm, out_hbm,
             acc, srci0, srci1, dsti0, dsti1, rows0, rows1, g0, g1, s0, s1):
        cid = lax.axis_index("c")
        sid = lax.axis_index("s")
        w = cid * NS + sid
        def zloop(i, c):
            pltpu.sync_copy(zrow_hbm, acc.at[pl.ds(sid * rpt + i * CH, CH)])
            return c
        lax.fori_loop(0, rpt // CH, zloop, 0)
        plsc.subcore_barrier()

        base = w * nchunks
        bufs = ((srci0, dsti0, rows0, g0, s0), (srci1, dsti1, rows1, g1, s1))
        for b, (srci, dsti, rows, g, _) in enumerate(bufs):
            _load_idx(edges_hbm, pads_hbm, RE, 0, base + b, srci)
            pltpu.async_copy(z_hbm.at[srci], rows, g)

        last = EPAD // CH - 1
        def eloop(i, c):
            for b, (srci, dsti, rows, g, s) in enumerate(bufs):
                jj = 2 * i + b
                _load_idx(edges_hbm, pads_hbm, RE, 1, base + jj, dsti)
                pltpu.make_async_copy(z_hbm.at[srci], rows, g).wait()
                pltpu.async_copy(rows, acc.at[dsti], s, add=True)
                nxt = jnp.minimum(base + jj + 2, last)
                _load_idx(edges_hbm, pads_hbm, RE, 0, nxt, srci)
                pltpu.make_async_copy(rows, acc.at[dsti], s).wait()
                @pl.when(jj + 2 < nchunks)
                def _():
                    pltpu.async_copy(z_hbm.at[srci], rows, g)
            return c
        lax.fori_loop(0, nchunks // 2, eloop, 0)
        plsc.subcore_barrier()
        pltpu.sync_copy(acc.at[pl.ds(sid * rpt, rpt)],
                        out_hbm.at[cid, pl.ds(sid * rpt, rpt)])

    return body


def _dinv_from(dp_ref):
    deg = 1.0 + dp_ref[0, :, 0:1] + dp_ref[1, :, 0:1]
    return lax.rsqrt(deg)


def _tc1(xp, W1, degp, NP, BM=512):
    D_IN, H1 = W1.shape

    def body(x_ref, w_ref, dp_ref, z_ref):
        dinv = _dinv_from(dp_ref)
        z_ref[...] = jnp.dot(x_ref[...], w_ref[...],
                             preferred_element_type=jnp.float32) * dinv

    return pl.pallas_call(
        body,
        grid=(NP // BM,),
        in_specs=[
            pl.BlockSpec((BM, D_IN), lambda i: (i, 0)),
            pl.BlockSpec((D_IN, H1), lambda i: (0, 0)),
            pl.BlockSpec((2, BM, 8), lambda i: (0, i, 0)),
        ],
        out_specs=pl.BlockSpec((BM, H1), lambda i: (i, 0)),
        out_shape=jax.ShapeDtypeStruct((NP, H1), jnp.float32),
    )(xp, W1, degp)


def _tc2(z1, p1, degp, b1, W2, NP, BM=512):
    H1, H2 = W2.shape

    def body(z_ref, p_ref, dp_ref, b_ref, w_ref, o_ref):
        dinv = _dinv_from(dp_ref)
        agg = z_ref[...] + p_ref[0] + p_ref[1]
        h = jnp.maximum(agg * dinv + b_ref[...], 0.0)
        o_ref[...] = jnp.dot(h, w_ref[...],
                             preferred_element_type=jnp.float32) * dinv

    return pl.pallas_call(
        body,
        grid=(NP // BM,),
        in_specs=[
            pl.BlockSpec((BM, H1), lambda i: (i, 0)),
            pl.BlockSpec((2, BM, H1), lambda i: (0, i, 0)),
            pl.BlockSpec((2, BM, 8), lambda i: (0, i, 0)),
            pl.BlockSpec((1, H1), lambda i: (0, 0)),
            pl.BlockSpec((H1, H2), lambda i: (0, 0)),
        ],
        out_specs=pl.BlockSpec((BM, H2), lambda i: (i, 0)),
        out_shape=jax.ShapeDtypeStruct((NP, H2), jnp.float32),
    )(z1, p1, degp, b1, W2)


def _tc3(z2, p2, degp, b2, Wl, bl, N, BM=400):
    H2, D_OUT = Wl.shape

    def body(z_ref, p_ref, dp_ref, b_ref, w_ref, bl_ref, lg_ref, pr_ref):
        dinv = _dinv_from(dp_ref)
        agg = z_ref[...] + p_ref[0] + p_ref[1]
        h = jnp.maximum(agg * dinv + b_ref[...], 0.0)
        logits = jnp.dot(h, w_ref[...],
                         preferred_element_type=jnp.float32) + bl_ref[...]
        m = jnp.max(logits, axis=1, keepdims=True)
        e = jnp.exp(logits - m)
        lg_ref[...] = logits
        pr_ref[...] = e / jnp.sum(e, axis=1, keepdims=True)

    return pl.pallas_call(
        body,
        grid=(N // BM,),
        in_specs=[
            pl.BlockSpec((BM, H2), lambda i: (i, 0)),
            pl.BlockSpec((2, BM, H2), lambda i: (0, i, 0)),
            pl.BlockSpec((2, BM, 8), lambda i: (0, i, 0)),
            pl.BlockSpec((1, H2), lambda i: (0, 0)),
            pl.BlockSpec((H2, D_OUT), lambda i: (0, 0)),
            pl.BlockSpec((1, D_OUT), lambda i: (0, 0)),
        ],
        out_specs=[
            pl.BlockSpec((BM, D_OUT), lambda i: (i, 0)),
            pl.BlockSpec((BM, D_OUT), lambda i: (i, 0)),
        ],
        out_shape=[
            jax.ShapeDtypeStruct((N, D_OUT), jnp.float32),
            jax.ShapeDtypeStruct((N, D_OUT), jnp.float32),
        ],
    )(z2, p2, degp, b2, Wl, bl)


def kernel(x, edge_index, W1, b1, W2, b2, Wl, bl):
    N, D_IN = x.shape
    H1 = W1.shape[1]
    H2 = W2.shape[1]
    E = edge_index.shape[1]

    NP = _round_up(N + 1, NS * CH)
    EPAD = _round_up(E, NC * NS * CH * 2)

    E_main = E // CH * CH
    RE = E_main // CH
    npadc = EPAD // CH - RE
    dummy = N + jnp.arange(EPAD - E, dtype=edge_index.dtype) % (NP - N)
    if npadc > 0:
        pads = jnp.concatenate(
            [edge_index[:, E_main:],
             jnp.stack([dummy, dummy])], axis=1).reshape(2, npadc, CH)
    else:
        pads = jnp.zeros((2, 1, CH), edge_index.dtype)
    edges = edge_index[:, :E_main].reshape(2, RE, CH)
    xp = jnp.pad(x, ((0, NP - N), (0, 0)))

    ones8 = jnp.ones((CH, 8), jnp.float32)
    zrow8 = jnp.zeros((CH, 8), jnp.float32)
    zrow1 = jnp.zeros((CH, H1), jnp.float32)
    zrow2 = jnp.zeros((CH, H2), jnp.float32)

    degp = _make_sc_degree(NP, EPAD, RE)(edges, pads, ones8, zrow8)
    z1 = _tc1(xp, W1, degp, NP)
    p1 = _make_sc_agg(NP, EPAD, H1, RE)(z1, edges, pads, zrow1)
    z2 = _tc2(z1, p1, degp, b1.reshape(1, H1), W2, NP)
    p2 = _make_sc_agg(NP, EPAD, H2, RE)(z2, edges, pads, zrow2)
    logits, probs = _tc3(z2, p2, degp, b2.reshape(1, H2),
                         Wl, bl.reshape(1, -1), N)
    return logits, probs

# --- scband reference (transcript-rebuilt; emitter-appended) ---
"""Pipeline reference for scband-gcn-64424509440202 (READ-ONLY COPY).

The authoritative reference and input builder live on the scoring server;
editing this copy changes nothing except your own understanding.
"""

import jax, jax.numpy as jnp
import numpy as np

N, D_IN, H1, H2, D_OUT, E = 10000, 128, 128, 64, 40, 320000


def _gcn_conv(x, edge_index, W, b):
    # PyG-style GCNConv: add self-loops, symmetric degree normalization,
    # x' = D^{-1/2} (A + I) D^{-1/2} X W + b
    n = x.shape[0]
    loop = jnp.arange(n, dtype=edge_index.dtype)
    src = jnp.concatenate([edge_index[0], loop])
    dst = jnp.concatenate([edge_index[1], loop])
    h = x @ W
    deg = jnp.zeros((n,), dtype=h.dtype).at[dst].add(1.0)
    dinv = jnp.where(deg > 0, 1.0 / jnp.sqrt(deg), 0.0)
    norm = dinv[src] * dinv[dst]
    msg = h[src] * norm[:, None]
    out = jnp.zeros((n, W.shape[1]), dtype=h.dtype).at[dst].add(msg)
    return out + b


def setup_inputs(seed: int = 0) -> dict:
    key = jax.random.key(seed)
    ks = jax.random.split(key, 8)
    x = jax.random.normal(ks[0], (N, D_IN), dtype=jnp.float32)
    edge_index = jax.random.randint(ks[1], (2, E), 0, N, dtype=jnp.int32)
    W1 = jax.random.normal(ks[2], (D_IN, H1), dtype=jnp.float32) * (1.0 / np.sqrt(D_IN))
    b1 = jnp.zeros((H1,), dtype=jnp.float32)
    W2 = jax.random.normal(ks[3], (H1, H2), dtype=jnp.float32) * (1.0 / np.sqrt(H1))
    b2 = jnp.zeros((H2,), dtype=jnp.float32)
    Wl = jax.random.normal(ks[4], (H2, D_OUT), dtype=jnp.float32) * (1.0 / np.sqrt(H2))
    bl = jnp.zeros((D_OUT,), dtype=jnp.float32)
    return {"x": x, "edge_index": edge_index, "W1": W1, "b1": b1, "W2": W2, "b2": b2, "Wl": Wl, "bl": bl}


def reference(x, edge_index, W1, b1, W2, b2, Wl, bl):
    # GCN.forward with to_transform=False, eval mode (dropout = identity)
    h = _gcn_conv(x, edge_index, W1, b1)
    h = jax.nn.relu(h)
    h = _gcn_conv(h, edge_index, W2, b2)
    h = jax.nn.relu(h)
    logits = h @ Wl + bl
    probs = jax.nn.softmax(logits, axis=1)
    return (logits, probs)

if __name__ == "__main__":
    import jax
    _d = setup_inputs()
    print(jax.jit(kernel)(*tuple(_d.values())))

</pallas_src>

<mosaic_0001>
#map = affine_map<(d0, d1) -> (0, 0, 0)>
#map1 = affine_map<(d0, d1) -> (0, 0)>
module attributes {stable_mosaic.version = 14 : i64} {
  func.func @body(%arg0: i32, %arg1: i32, %arg2: memref<2x2500x128xi32, #tpu.memory_space<hbm>>, %arg3: memref<2x60x128xi32, #tpu.memory_space<hbm>>, %arg4: memref<128x8xf32, #tpu.memory_space<hbm>>, %arg5: memref<128x8xf32, #tpu.memory_space<hbm>>, %arg6: memref<2x10240x8xf32, #tpu.memory_space<hbm>>, %arg7: memref<10240x8xf32, #tpu.memory_space<vmem_shared>>, %arg8: memref<128xi32, #tpu.memory_space<vmem>>, %arg9: memref<128xi32, #tpu.memory_space<vmem>>, %arg10: memref<128x8xf32, #tpu.memory_space<vmem>>, %arg11: memref<!tpu.dma_semaphore, #tpu.memory_space<semaphore_mem>>) attributes {dimension_semantics = [#tpu.dimension_semantics<core_parallel>, #tpu.dimension_semantics<subcore_parallel>], iteration_bounds = array<i64: 2, 16>, scalar_prefetch = 0 : i64, scratch_operands = 5 : i64, tpu.core_type = #tpu.core_type<sc_vector_subcore>, window_params = [{transform_indices = #map}, {transform_indices = #map}, {transform_indices = #map1}, {transform_indices = #map1}, {transform_indices = #map}]} {
    %mul3A = arith.constant 16 : i32
    %mul3A_0 = arith.muli %arg0, %mul3A : i32
    %add3A = arith.addi %mul3A_0, %arg1 : i32
    %scan3A = arith.constant 0 : i32
    %scan3A_1 = arith.constant 0 : i32
    %scan3A_2 = arith.constant 5 : i32
    %scan3A_3 = arith.addi %scan3A_1, %scan3A_2 : i32
    %scan3A_4 = arith.constant 1 : i32
    scf.for %scan3A_25 = %scan3A_1 to %scan3A_3 step %scan3A_4  : i32 {
      %mul3A_26 = arith.constant 640 : i32
      %mul3A_27 = arith.muli %arg1, %mul3A_26 : i32
      %mul3A_28 = arith.constant 128 : i32
      %mul3A_29 = arith.muli %scan3A_25, %mul3A_28 : i32
      %add3A_30 = arith.addi %mul3A_27, %mul3A_29 : i32
      "tpu.region"() ({
        %run_scoped3A = tpu.sem_alloc : memref<!tpu.dma_semaphore, #tpu.memory_space<semaphore_mem>>
        %dma_start3A = arith.constant 0 : i32
        %dma_start3A_31 = tpu.memref_slice %arg7[%add3A_30, %dma_start3A] : memref<10240x8xf32, #tpu.memory_space<vmem_shared>> -> memref<128x8xf32, #tpu.memory_space<vmem_shared>>
        tpu.enqueue_dma source(%arg5 : memref<128x8xf32, #tpu.memory_space<hbm>>) target(%dma_start3A_31 : memref<128x8xf32, #tpu.memory_space<vmem_shared>>) target_semaphore(%run_scoped3A : memref<!tpu.dma_semaphore, #tpu.memory_space<semaphore_mem>>)
        %dma_wait3A = arith.constant 0 : i32
        %dma_wait3A_32 = tpu.memref_slice %arg7[%add3A_30, %dma_wait3A] : memref<10240x8xf32, #tpu.memory_space<vmem_shared>> -> memref<128x8xf32, #tpu.memory_space<vmem_shared>>
        tpu.wait_dma2 semaphore(%run_scoped3A : memref<!tpu.dma_semaphore, #tpu.memory_space<semaphore_mem>>) src(%arg5 : memref<128x8xf32, #tpu.memory_space<hbm>>) dst(%dma_wait3A_32 : memref<128x8xf32, #tpu.memory_space<vmem_shared>>)
        tpu.yield
      }) : () -> ()
    }
    %scan3A_5 = arith.constant 5 : i32
    "tpu.region"() ({
      %run_scoped3A = tpu.sem_alloc : memref<!tpu.dma_semaphore, #tpu.memory_space<semaphore_mem>>
      tpu.enqueue_dma source(%arg4 : memref<128x8xf32, #tpu.memory_space<hbm>>) target(%arg10 : memref<128x8xf32, #tpu.memory_space<vmem>>) target_semaphore(%run_scoped3A : memref<!tpu.dma_semaphore, #tpu.memory_space<semaphore_mem>>)
      tpu.wait_dma2 semaphore(%run_scoped3A : memref<!tpu.dma_semaphore, #tpu.memory_space<semaphore_mem>>) src(%arg4 : memref<128x8xf32, #tpu.memory_space<hbm>>) dst(%arg10 : memref<128x8xf32, #tpu.memory_space<vmem>>)
      tpu.yield
    }) : () -> ()
    %barrier3A = arith.constant 0 : index
    tpu.barrier barrier_id(%barrier3A)
    %mul3A_6 = arith.constant 80 : i32
    %mul3A_7 = arith.muli %add3A, %mul3A_6 : i32
    %lt3A = arith.constant 2500 : i32
    %lt3A_8 = arith.cmpi slt, %mul3A_7, %lt3A : i32
    %convert_element_type3A = arith.extui %lt3A_8 : i1 to i32
    %cond3A = arith.constant 0 : i32
    %cond3A_9 = arith.cmpi ne, %convert_element_type3A, %cond3A : i32
    scf.if %cond3A_9 {
      %run_scoped3A = arith.constant 1 : i32
      "tpu.region"() ({
        %run_scoped3A_25 = tpu.sem_alloc : memref<!tpu.dma_semaphore, #tpu.memory_space<semaphore_mem>>
        %dma_start3A = arith.constant 0 : i32
        %dma_start3A_26 = tpu.memref_slice %arg2[%run_scoped3A, %mul3A_7, %dma_start3A] : memref<2x2500x128xi32, #tpu.memory_space<hbm>> -> memref<1x1x128xi32, #tpu.memory_space<hbm>>
        %dma_start3A_27 = tpu.memref_squeeze %dma_start3A_26 : memref<1x1x128xi32, #tpu.memory_space<hbm>> -> memref<128xi32, #tpu.memory_space<hbm>>
        %dma_start3A_28 = arith.constant 0 : i32
        %dma_start3A_29 = tpu.memref_slice %arg2[%run_scoped3A, %mul3A_7, %dma_start3A_28] : memref<2x2500x128xi32, #tpu.memory_space<hbm>> -> memref<1x1x128xi32, #tpu.memory_space<hbm>>
        %dma_start3A_30 = tpu.memref_squeeze %dma_start3A_29 : memref<1x1x128xi32, #tpu.memory_space<hbm>> -> memref<128xi32, #tpu.memory_space<hbm>>
        tpu.enqueue_dma source(%dma_start3A_30 : memref<128xi32, #tpu.memory_space<hbm>>) target(%arg8 : memref<128xi32, #tpu.memory_space<vmem>>) target_semaphore(%run_scoped3A_25 : memref<!tpu.dma_semaphore, #tpu.memory_space<semaphore_mem>>)
        %dma_wait3A = arith.constant 0 : i32
        %dma_wait3A_31 = tpu.memref_slice %arg2[%run_scoped3A, %mul3A_7, %dma_wait3A] : memref<2x2500x128xi32, #tpu.memory_space<hbm>> -> memref<1x1x128xi32, #tpu.memory_space<hbm>>
        %dma_wait3A_32 = tpu.memref_squeeze %dma_wait3A_31 : memref<1x1x128xi32, #tpu.memory_space<hbm>> -> memref<128xi32, #tpu.memory_space<hbm>>
        %dma_wait3A_33 = arith.constant 0 : i32
        %dma_wait3A_34 = tpu.memref_slice %arg2[%run_scoped3A, %mul3A_7, %dma_wait3A_33] : memref<2x2500x128xi32, #tpu.memory_space<hbm>> -> memref<1x1x128xi32, #tpu.memory_space<hbm>>
        %dma_wait3A_35 = tpu.memref_squeeze %dma_wait3A_34 : memref<1x1x128xi32, #tpu.memory_space<hbm>> -> memref<128xi32, #tpu.memory_space<hbm>>
        tpu.wait_dma2 semaphore(%run_scoped3A_25 : memref<!tpu.dma_semaphore, #tpu.memory_space<semaphore_mem>>) src(%dma_wait3A_35 : memref<128xi32, #tpu.memory_space<hbm>>) dst(%arg8 : memref<128xi32, #tpu.memory_space<vmem>>)
        tpu.yield
      }) : () -> ()
    } else {
    }
    %ge3A = arith.constant 2500 : i32
    %ge3A_10 = arith.cmpi sge, %mul3A_7, %ge3A : i32
    %convert_element_type3A_11 = arith.extui %ge3A_10 : i1 to i32
    %cond3A_12 = arith.constant 0 : i32
    %cond3A_13 = arith.cmpi ne, %convert_element_type3A_11, %cond3A_12 : i32
    scf.if %cond3A_13 {
      %sub3A = arith.constant 2500 : i32
      %sub3A_25 = arith.subi %mul3A_7, %sub3A : i32
      %run_scoped3A = arith.constant 1 : i32
      "tpu.region"() ({
        %run_scoped3A_26 = tpu.sem_alloc : memref<!tpu.dma_semaphore, #tpu.memory_space<semaphore_mem>>
        %dma_start3A = arith.constant 0 : i32
        %dma_start3A_27 = tpu.memref_slice %arg3[%run_scoped3A, %sub3A_25, %dma_start3A] : memref<2x60x128xi32, #tpu.memory_space<hbm>> -> memref<1x1x128xi32, #tpu.memory_space<hbm>>
        %dma_start3A_28 = tpu.memref_squeeze %dma_start3A_27 : memref<1x1x128xi32, #tpu.memory_space<hbm>> -> memref<128xi32, #tpu.memory_space<hbm>>
        %dma_start3A_29 = arith.constant 0 : i32
        %dma_start3A_30 = tpu.memref_slice %arg3[%run_scoped3A, %sub3A_25, %dma_start3A_29] : memref<2x60x128xi32, #tpu.memory_space<hbm>> -> memref<1x1x128xi32, #tpu.memory_space<hbm>>
        %dma_start3A_31 = tpu.memref_squeeze %dma_start3A_30 : memref<1x1x128xi32, #tpu.memory_space<hbm>> -> memref<128xi32, #tpu.memory_space<hbm>>
        tpu.enqueue_dma source(%dma_start3A_31 : memref<128xi32, #tpu.memory_space<hbm>>) target(%arg8 : memref<128xi32, #tpu.memory_space<vmem>>) target_semaphore(%run_scoped3A_26 : memref<!tpu.dma_semaphore, #tpu.memory_space<semaphore_mem>>)
        %dma_wait3A = arith.constant 0 : i32
        %dma_wait3A_32 = tpu.memref_slice %arg3[%run_scoped3A, %sub3A_25, %dma_wait3A] : memref<2x60x128xi32, #tpu.memory_space<hbm>> -> memref<1x1x128xi32, #tpu.memory_space<hbm>>
        %dma_wait3A_33 = tpu.memref_squeeze %dma_wait3A_32 : memref<1x1x128xi32, #tpu.memory_space<hbm>> -> memref<128xi32, #tpu.memory_space<hbm>>
        %dma_wait3A_34 = arith.constant 0 : i32
        %dma_wait3A_35 = tpu.memref_slice %arg3[%run_scoped3A, %sub3A_25, %dma_wait3A_34] : memref<2x60x128xi32, #tpu.memory_space<hbm>> -> memref<1x1x128xi32, #tpu.memory_space<hbm>>
        %dma_wait3A_36 = tpu.memref_squeeze %dma_wait3A_35 : memref<1x1x128xi32, #tpu.memory_space<hbm>> -> memref<128xi32, #tpu.memory_space<hbm>>
        tpu.wait_dma2 semaphore(%run_scoped3A_26 : memref<!tpu.dma_semaphore, #tpu.memory_space<semaphore_mem>>) src(%dma_wait3A_36 : memref<128xi32, #tpu.memory_space<hbm>>) dst(%arg8 : memref<128xi32, #tpu.memory_space<vmem>>)
        tpu.yield
      }) : () -> ()
    } else {
    }
    %scan3A_14 = arith.constant 0 : i32
    %scan3A_15 = arith.constant 0 : i32
    %scan3A_16 = arith.constant 40 : i32
    %scan3A_17 = arith.addi %scan3A_15, %scan3A_16 : i32
    %scan3A_18 = arith.constant 1 : i32
    scf.for %scan3A_25 = %scan3A_15 to %scan3A_17 step %scan3A_18  : i32 {
      %mul3A_26 = arith.constant 2 : i32
      %mul3A_27 = arith.muli %mul3A_26, %scan3A_25 : i32
      %add3A_28 = arith.constant 0 : i32
      %add3A_29 = arith.addi %mul3A_27, %add3A_28 : i32
      %dma_start3A = arith.constant 0 : i32
      %dma_start3A_30 = arith.constant 0 : i32
      %dma_start3A_31 = tpu.memref_slice %arg7[%dma_start3A, %dma_start3A_30] : memref<10240x8xf32, #tpu.memory_space<vmem_shared>> -> memref<10240x8xf32, #tpu.memory_space<vmem_shared>>
      tpu.enqueue_indirect_dma source(%arg10 : memref<128x8xf32, #tpu.memory_space<vmem>>) target(%dma_start3A_31 : memref<10240x8xf32, #tpu.memory_space<vmem_shared>>) offsets(%arg8 : memref<128xi32, #tpu.memory_space<vmem>>) semaphore(%arg11 : memref<!tpu.dma_semaphore, #tpu.memory_space<semaphore_mem>>) {add = true}
      %add3A_32 = arith.addi %mul3A_7, %add3A_29 : i32
      %add3A_33 = arith.constant 1 : i32
      %add3A_34 = arith.addi %add3A_32, %add3A_33 : i32
      %min3A = arith.constant 2559 : i32
      %min3A_35 = arith.minsi %add3A_34, %min3A : i32
      %lt3A_36 = arith.constant 2500 : i32
      %lt3A_37 = arith.cmpi slt, %min3A_35, %lt3A_36 : i32
      %convert_element_type3A_38 = arith.extui %lt3A_37 : i1 to i32
      %cond3A_39 = arith.constant 0 : i32
      %cond3A_40 = arith.cmpi ne, %convert_element_type3A_38, %cond3A_39 : i32
      scf.if %cond3A_40 {
        %run_scoped3A = arith.constant 1 : i32
        "tpu.region"() ({
          %run_scoped3A_73 = tpu.sem_alloc : memref<!tpu.dma_semaphore, #tpu.memory_space<semaphore_mem>>
          %dma_start3A_74 = arith.constant 0 : i32
          %dma_start3A_75 = tpu.memref_slice %arg2[%run_scoped3A, %min3A_35, %dma_start3A_74] : memref<2x2500x128xi32, #tpu.memory_space<hbm>> -> memref<1x1x128xi32, #tpu.memory_space<hbm>>
          %dma_start3A_76 = tpu.memref_squeeze %dma_start3A_75 : memref<1x1x128xi32, #tpu.memory_space<hbm>> -> memref<128xi32, #tpu.memory_space<hbm>>
          %dma_start3A_77 = arith.constant 0 : i32
          %dma_start3A_78 = tpu.memref_slice %arg2[%run_scoped3A, %min3A_35, %dma_start3A_77] : memref<2x2500x128xi32, #tpu.memory_space<hbm>> -> memref<1x1x128xi32, #tpu.memory_space<hbm>>
          %dma_start3A_79 = tpu.memref_squeeze %dma_start3A_78 : memref<1x1x128xi32, #tpu.memory_space<hbm>> -> memref<128xi32, #tpu.memory_space<hbm>>
          tpu.enqueue_dma source(%dma_start3A_79 : memref<128xi32, #tpu.memory_space<hbm>>) target(%arg9 : memref<128xi32, #tpu.memory_space<vmem>>) target_semaphore(%run_scoped3A_73 : memref<!tpu.dma_semaphore, #tpu.memory_space<semaphore_mem>>)
          %dma_wait3A_80 = arith.constant 0 : i32
          %dma_wait3A_81 = tpu.memref_slice %arg2[%run_scoped3A, %min3A_35, %dma_wait3A_80] : memref<2x2500x128xi32, #tpu.memory_space<hbm>> -> memref<1x1x128xi32, #tpu.memory_space<hbm>>
          %dma_wait3A_82 = tpu.memref_squeeze %dma_wait3A_81 : memref<1x1x128xi32, #tpu.memory_space<hbm>> -> memref<128xi32, #tpu.memory_space<hbm>>
          %dma_wait3A_83 = arith.constant 0 : i32
          %dma_wait3A_84 = tpu.memref_slice %arg2[%run_scoped3A, %min3A_35, %dma_wait3A_83] : memref<2x2500x128xi32, #tpu.memory_space<hbm>> -> memref<1x1x128xi32, #tpu.memory_space<hbm>>
          %dma_wait3A_85 = tpu.memref_squeeze %dma_wait3A_84 : memref<1x1x128xi32, #tpu.memory_space<hbm>> -> memref<128xi32, #tpu.memory_space<hbm>>
          tpu.wait_dma2 semaphore(%run_scoped3A_73 : memref<!tpu.dma_semaphore, #tpu.memory_space<semaphore_mem>>) src(%dma_wait3A_85 : memref<128xi32, #tpu.memory_space<hbm>>) dst(%arg9 : memref<128xi32, #tpu.memory_space<vmem>>)
          tpu.yield
        }) : () -> ()
      } else {
      }
      %ge3A_41 = arith.constant 2500 : i32
      %ge3A_42 = arith.cmpi sge, %min3A_35, %ge3A_41 : i32
      %convert_element_type3A_43 = arith.extui %ge3A_42 : i1 to i32
      %cond3A_44 = arith.constant 0 : i32
      %cond3A_45 = arith.cmpi ne, %convert_element_type3A_43, %cond3A_44 : i32
      scf.if %cond3A_45 {
        %sub3A = arith.constant 2500 : i32
        %sub3A_73 = arith.subi %min3A_35, %sub3A : i32
        %run_scoped3A = arith.constant 1 : i32
        "tpu.region"() ({
          %run_scoped3A_74 = tpu.sem_alloc : memref<!tpu.dma_semaphore, #tpu.memory_space<semaphore_mem>>
          %dma_start3A_75 = arith.constant 0 : i32
          %dma_start3A_76 = tpu.memref_slice %arg3[%run_scoped3A, %sub3A_73, %dma_start3A_75] : memref<2x60x128xi32, #tpu.memory_space<hbm>> -> memref<1x1x128xi32, #tpu.memory_space<hbm>>
          %dma_start3A_77 = tpu.memref_squeeze %dma_start3A_76 : memref<1x1x128xi32, #tpu.memory_space<hbm>> -> memref<128xi32, #tpu.memory_space<hbm>>
          %dma_start3A_78 = arith.constant 0 : i32
          %dma_start3A_79 = tpu.memref_slice %arg3[%run_scoped3A, %sub3A_73, %dma_start3A_78] : memref<2x60x128xi32, #tpu.memory_space<hbm>> -> memref<1x1x128xi32, #tpu.memory_space<hbm>>
          %dma_start3A_80 = tpu.memref_squeeze %dma_start3A_79 : memref<1x1x128xi32, #tpu.memory_space<hbm>> -> memref<128xi32, #tpu.memory_space<hbm>>
          tpu.enqueue_dma source(%dma_start3A_80 : memref<128xi32, #tpu.memory_space<hbm>>) target(%arg9 : memref<128xi32, #tpu.memory_space<vmem>>) target_semaphore(%run_scoped3A_74 : memref<!tpu.dma_semaphore, #tpu.memory_space<semaphore_mem>>)
          %dma_wait3A_81 = arith.constant 0 : i32
          %dma_wait3A_82 = tpu.memref_slice %arg3[%run_scoped3A, %sub3A_73, %dma_wait3A_81] : memref<2x60x128xi32, #tpu.memory_space<hbm>> -> memref<1x1x128xi32, #tpu.memory_space<hbm>>
          %dma_wait3A_83 = tpu.memref_squeeze %dma_wait3A_82 : memref<1x1x128xi32, #tpu.memory_space<hbm>> -> memref<128xi32, #tpu.memory_space<hbm>>
          %dma_wait3A_84 = arith.constant 0 : i32
          %dma_wait3A_85 = tpu.memref_slice %arg3[%run_scoped3A, %sub3A_73, %dma_wait3A_84] : memref<2x60x128xi32, #tpu.memory_space<hbm>> -> memref<1x1x128xi32, #tpu.memory_space<hbm>>
          %dma_wait3A_86 = tpu.memref_squeeze %dma_wait3A_85 : memref<1x1x128xi32, #tpu.memory_space<hbm>> -> memref<128xi32, #tpu.memory_space<hbm>>
          tpu.wait_dma2 semaphore(%run_scoped3A_74 : memref<!tpu.dma_semaphore, #tpu.memory_space<semaphore_mem>>) src(%dma_wait3A_86 : memref<128xi32, #tpu.memory_space<hbm>>) dst(%arg9 : memref<128xi32, #tpu.memory_space<vmem>>)
          tpu.yield
        }) : () -> ()
      } else {
      }
      %dma_wait3A = arith.constant 0 : i32
      %dma_wait3A_46 = arith.constant 0 : i32
      %dma_wait3A_47 = tpu.memref_slice %arg7[%dma_wait3A, %dma_wait3A_46] : memref<10240x8xf32, #tpu.memory_space<vmem_shared>> -> memref<10240x8xf32, #tpu.memory_space<vmem_shared>>
      tpu.wait_indirect_dma semaphore(%arg11 : memref<!tpu.dma_semaphore, #tpu.memory_space<semaphore_mem>>) src(%arg10 : memref<128x8xf32, #tpu.memory_space<vmem>>) dst(%dma_wait3A_47 : memref<10240x8xf32, #tpu.memory_space<vmem_shared>>)
      %mul3A_48 = arith.constant 2 : i32
      %mul3A_49 = arith.muli %mul3A_48, %scan3A_25 : i32
      %add3A_50 = arith.constant 1 : i32
      %add3A_51 = arith.addi %mul3A_49, %add3A_50 : i32
      %dma_start3A_52 = arith.constant 0 : i32
      %dma_start3A_53 = arith.constant 0 : i32
      %dma_start3A_54 = tpu.memref_slice %arg7[%dma_start3A_52, %dma_start3A_53] : memref<10240x8xf32, #tpu.memory_space<vmem_shared>> -> memref<10240x8xf32, #tpu.memory_space<vmem_shared>>
      tpu.enqueue_indirect_dma source(%arg10 : memref<128x8xf32, #tpu.memory_space<vmem>>) target(%dma_start3A_54 : memref<10240x8xf32, #tpu.memory_space<vmem_shared>>) offsets(%arg9 : memref<128xi32, #tpu.memory_space<vmem>>) semaphore(%arg11 : memref<!tpu.dma_semaphore, #tpu.memory_space<semaphore_mem>>) {add = true}
      %add3A_55 = arith.addi %mul3A_7, %add3A_51 : i32
      %add3A_56 = arith.constant 1 : i32
      %add3A_57 = arith.addi %add3A_55, %add3A_56 : i32
      %min3A_58 = arith.constant 2559 : i32
      %min3A_59 = arith.minsi %add3A_57, %min3A_58 : i32
      %lt3A_60 = arith.constant 2500 : i32
      %lt3A_61 = arith.cmpi slt, %min3A_59, %lt3A_60 : i32
      %convert_element_type3A_62 = arith.extui %lt3A_61 : i1 to i32
      %cond3A_63 = arith.constant 0 : i32
      %cond3A_64 = arith.cmpi ne, %convert_element_type3A_62, %cond3A_63 : i32
      scf.if %cond3A_64 {
        %run_scoped3A = arith.constant 1 : i32
        "tpu.region"() ({
          %run_scoped3A_73 = tpu.sem_alloc : memref<!tpu.dma_semaphore, #tpu.memory_space<semaphore_mem>>
          %dma_start3A_74 = arith.constant 0 : i32
          %dma_start3A_75 = tpu.memref_slice %arg2[%run_scoped3A, %min3A_59, %dma_start3A_74] : memref<2x2500x128xi32, #tpu.memory_space<hbm>> -> memref<1x1x128xi32, #tpu.memory_space<hbm>>
          %dma_start3A_76 = tpu.memref_squeeze %dma_start3A_75 : memref<1x1x128xi32, #tpu.memory_space<hbm>> -> memref<128xi32, #tpu.memory_space<hbm>>
          %dma_start3A_77 = arith.constant 0 : i32
          %dma_start3A_78 = tpu.memref_slice %arg2[%run_scoped3A, %min3A_59, %dma_start3A_77] : memref<2x2500x128xi32, #tpu.memory_space<hbm>> -> memref<1x1x128xi32, #tpu.memory_space<hbm>>
          %dma_start3A_79 = tpu.memref_squeeze %dma_start3A_78 : memref<1x1x128xi32, #tpu.memory_space<hbm>> -> memref<128xi32, #tpu.memory_space<hbm>>
          tpu.enqueue_dma source(%dma_start3A_79 : memref<128xi32, #tpu.memory_space<hbm>>) target(%arg8 : memref<128xi32, #tpu.memory_space<vmem>>) target_semaphore(%run_scoped3A_73 : memref<!tpu.dma_semaphore, #tpu.memory_space<semaphore_mem>>)
          %dma_wait3A_80 = arith.constant 0 : i32
          %dma_wait3A_81 = tpu.memref_slice %arg2[%run_scoped3A, %min3A_59, %dma_wait3A_80] : memref<2x2500x128xi32, #tpu.memory_space<hbm>> -> memref<1x1x128xi32, #tpu.memory_space<hbm>>
          %dma_wait3A_82 = tpu.memref_squeeze %dma_wait3A_81 : memref<1x1x128xi32, #tpu.memory_space<hbm>> -> memref<128xi32, #tpu.memory_space<hbm>>
          %dma_wait3A_83 = arith.constant 0 : i32
          %dma_wait3A_84 = tpu.memref_slice %arg2[%run_scoped3A, %min3A_59, %dma_wait3A_83] : memref<2x2500x128xi32, #tpu.memory_space<hbm>> -> memref<1x1x128xi32, #tpu.memory_space<hbm>>
          %dma_wait3A_85 = tpu.memref_squeeze %dma_wait3A_84 : memref<1x1x128xi32, #tpu.memory_space<hbm>> -> memref<128xi32, #tpu.memory_space<hbm>>
          tpu.wait_dma2 semaphore(%run_scoped3A_73 : memref<!tpu.dma_semaphore, #tpu.memory_space<semaphore_mem>>) src(%dma_wait3A_85 : memref<128xi32, #tpu.memory_space<hbm>>) dst(%arg8 : memref<128xi32, #tpu.memory_space<vmem>>)
          tpu.yield
        }) : () -> ()
      } else {
      }
      %ge3A_65 = arith.constant 2500 : i32
      %ge3A_66 = arith.cmpi sge, %min3A_59, %ge3A_65 : i32
      %convert_element_type3A_67 = arith.extui %ge3A_66 : i1 to i32
      %cond3A_68 = arith.constant 0 : i32
      %cond3A_69 = arith.cmpi ne, %convert_element_type3A_67, %cond3A_68 : i32
      scf.if %cond3A_69 {
        %sub3A = arith.constant 2500 : i32
        %sub3A_73 = arith.subi %min3A_59, %sub3A : i32
        %run_scoped3A = arith.constant 1 : i32
        "tpu.region"() ({
          %run_scoped3A_74 = tpu.sem_alloc : memref<!tpu.dma_semaphore, #tpu.memory_space<semaphore_mem>>
          %dma_start3A_75 = arith.constant 0 : i32
          %dma_start3A_76 = tpu.memref_slice %arg3[%run_scoped3A, %sub3A_73, %dma_start3A_75] : memref<2x60x128xi32, #tpu.memory_space<hbm>> -> memref<1x1x128xi32, #tpu.memory_space<hbm>>
          %dma_start3A_77 = tpu.memref_squeeze %dma_start3A_76 : memref<1x1x128xi32, #tpu.memory_space<hbm>> -> memref<128xi32, #tpu.memory_space<hbm>>
          %dma_start3A_78 = arith.constant 0 : i32
          %dma_start3A_79 = tpu.memref_slice %arg3[%run_scoped3A, %sub3A_73, %dma_start3A_78] : memref<2x60x128xi32, #tpu.memory_space<hbm>> -> memref<1x1x128xi32, #tpu.memory_space<hbm>>
          %dma_start3A_80 = tpu.memref_squeeze %dma_start3A_79 : memref<1x1x128xi32, #tpu.memory_space<hbm>> -> memref<128xi32, #tpu.memory_space<hbm>>
          tpu.enqueue_dma source(%dma_start3A_80 : memref<128xi32, #tpu.memory_space<hbm>>) target(%arg8 : memref<128xi32, #tpu.memory_space<vmem>>) target_semaphore(%run_scoped3A_74 : memref<!tpu.dma_semaphore, #tpu.memory_space<semaphore_mem>>)
          %dma_wait3A_81 = arith.constant 0 : i32
          %dma_wait3A_82 = tpu.memref_slice %arg3[%run_scoped3A, %sub3A_73, %dma_wait3A_81] : memref<2x60x128xi32, #tpu.memory_space<hbm>> -> memref<1x1x128xi32, #tpu.memory_space<hbm>>
          %dma_wait3A_83 = tpu.memref_squeeze %dma_wait3A_82 : memref<1x1x128xi32, #tpu.memory_space<hbm>> -> memref<128xi32, #tpu.memory_space<hbm>>
          %dma_wait3A_84 = arith.constant 0 : i32
          %dma_wait3A_85 = tpu.memref_slice %arg3[%run_scoped3A, %sub3A_73, %dma_wait3A_84] : memref<2x60x128xi32, #tpu.memory_space<hbm>> -> memref<1x1x128xi32, #tpu.memory_space<hbm>>
          %dma_wait3A_86 = tpu.memref_squeeze %dma_wait3A_85 : memref<1x1x128xi32, #tpu.memory_space<hbm>> -> memref<128xi32, #tpu.memory_space<hbm>>
          tpu.wait_dma2 semaphore(%run_scoped3A_74 : memref<!tpu.dma_semaphore, #tpu.memory_space<semaphore_mem>>) src(%dma_wait3A_86 : memref<128xi32, #tpu.memory_space<hbm>>) dst(%arg8 : memref<128xi32, #tpu.memory_space<vmem>>)
          tpu.yield
        }) : () -> ()
      } else {
      }
      %dma_wait3A_70 = arith.constant 0 : i32
      %dma_wait3A_71 = arith.constant 0 : i32
      %dma_wait3A_72 = tpu.memref_slice %arg7[%dma_wait3A_70, %dma_wait3A_71] : memref<10240x8xf32, #tpu.memory_space<vmem_shared>> -> memref<10240x8xf32, #tpu.memory_space<vmem_shared>>
      tpu.wait_indirect_dma semaphore(%arg11 : memref<!tpu.dma_semaphore, #tpu.memory_space<semaphore_mem>>) src(%arg10 : memref<128x8xf32, #tpu.memory_space<vmem>>) dst(%dma_wait3A_72 : memref<10240x8xf32, #tpu.memory_space<vmem_shared>>)
    }
    %scan3A_19 = arith.constant 40 : i32
    %barrier3A_20 = arith.constant 0 : index
    tpu.barrier barrier_id(%barrier3A_20)
    %mul3A_21 = arith.constant 640 : i32
    %mul3A_22 = arith.muli %arg1, %mul3A_21 : i32
    %mul3A_23 = arith.constant 640 : i32
    %mul3A_24 = arith.muli %arg1, %mul3A_23 : i32
    "tpu.region"() ({
      %run_scoped3A = tpu.sem_alloc : memref<!tpu.dma_semaphore, #tpu.memory_space<semaphore_mem>>
      %dma_start3A = arith.constant 0 : i32
      %dma_start3A_25 = tpu.memref_slice %arg6[%arg0, %mul3A_24, %dma_start3A] : memref<2x10240x8xf32, #tpu.memory_space<hbm>> -> memref<1x640x8xf32, #tpu.memory_space<hbm>>
      %dma_start3A_26 = tpu.memref_squeeze %dma_start3A_25 : memref<1x640x8xf32, #tpu.memory_space<hbm>> -> memref<640x8xf32, #tpu.memory_space<hbm>>
      %dma_start3A_27 = arith.constant 0 : i32
      %dma_start3A_28 = tpu.memref_slice %arg7[%mul3A_22, %dma_start3A_27] : memref<10240x8xf32, #tpu.memory_space<vmem_shared>> -> memref<640x8xf32, #tpu.memory_space<vmem_shared>>
      tpu.enqueue_dma source(%dma_start3A_28 : memref<640x8xf32, #tpu.memory_space<vmem_shared>>) target(%dma_start3A_26 : memref<640x8xf32, #tpu.memory_space<hbm>>) target_semaphore(%run_scoped3A : memref<!tpu.dma_semaphore, #tpu.memory_space<semaphore_mem>>)
      %dma_wait3A = arith.constant 0 : i32
      %dma_wait3A_29 = tpu.memref_slice %arg6[%arg0, %mul3A_24, %dma_wait3A] : memref<2x10240x8xf32, #tpu.memory_space<hbm>> -> memref<1x640x8xf32, #tpu.memory_space<hbm>>
      %dma_wait3A_30 = tpu.memref_squeeze %dma_wait3A_29 : memref<1x640x8xf32, #tpu.memory_space<hbm>> -> memref<640x8xf32, #tpu.memory_space<hbm>>
      %dma_wait3A_31 = arith.constant 0 : i32
      %dma_wait3A_32 = tpu.memref_slice %arg7[%mul3A_22, %dma_wait3A_31] : memref<10240x8xf32, #tpu.memory_space<vmem_shared>> -> memref<640x8xf32, #tpu.memory_space<vmem_shared>>
      tpu.wait_dma2 semaphore(%run_scoped3A : memref<!tpu.dma_semaphore, #tpu.memory_space<semaphore_mem>>) src(%dma_wait3A_32 : memref<640x8xf32, #tpu.memory_space<vmem_shared>>) dst(%dma_wait3A_30 : memref<640x8xf32, #tpu.memory_space<hbm>>)
      tpu.yield
    }) : () -> ()
    return
  }
}

#map = affine_map<(d0, d1) -> (0, 0)>
#map1 = affine_map<(d0, d1) -> (0, 0, 0)>
module attributes {stable_mosaic.version = 14 : i64} {
  func.func @body(%arg0: i32, %arg1: i32, %arg2: memref<10240x128xf32, #tpu.memory_space<hbm>>, %arg3: memref<2x2500x128xi32, #tpu.memory_space<hbm>>, %arg4: memref<2x60x128xi32, #tpu.memory_space<hbm>>, %arg5: memref<128x128xf32, #tpu.memory_space<hbm>>, %arg6: memref<2x10240x128xf32, #tpu.memory_space<hbm>>, %arg7: memref<10240x128xf32, #tpu.memory_space<vmem_shared>>, %arg8: memref<128xi32, #tpu.memory_space<vmem>>, %arg9: memref<128xi32, #tpu.memory_space<vmem>>, %arg10: memref<128xi32, #tpu.memory_space<vmem>>, %arg11: memref<128xi32, #tpu.memory_space<vmem>>, %arg12: memref<128x128xf32, #tpu.memory_space<vmem>>, %arg13: memref<128x128xf32, #tpu.memory_space<vmem>>, %arg14: memref<!tpu.dma_semaphore, #tpu.memory_space<semaphore_mem>>, %arg15: memref<!tpu.dma_semaphore, #tpu.memory_space<semaphore_mem>>, %arg16: memref<!tpu.dma_semaphore, #tpu.memory_space<semaphore_mem>>, %arg17: memref<!tpu.dma_semaphore, #tpu.memory_space<semaphore_mem>>) attributes {dimension_semantics = [#tpu.dimension_semantics<core_parallel>, #tpu.dimension_semantics<subcore_parallel>], iteration_bounds = array<i64: 2, 16>, scalar_prefetch = 0 : i64, scratch_operands = 11 : i64, tpu.core_type = #tpu.core_type<sc_vector_subcore>, window_params = [{transform_indices = #map}, {transform_indices = #map1}, {transform_indices = #map1}, {transform_indices = #map}, {transform_indices = #map1}]} {
    %mul3A = arith.constant 16 : i32
    %mul3A_0 = arith.muli %arg0, %mul3A : i32
    %add3A = arith.addi %mul3A_0, %arg1 : i32
    %scan3A = arith.constant 0 : i32
    %scan3A_1 = arith.constant 0 : i32
    %scan3A_2 = arith.constant 5 : i32
    %scan3A_3 = arith.addi %scan3A_1, %scan3A_2 : i32
    %scan3A_4 = arith.constant 1 : i32
    scf.for %scan3A_44 = %scan3A_1 to %scan3A_3 step %scan3A_4  : i32 {
      %mul3A_45 = arith.constant 640 : i32
      %mul3A_46 = arith.muli %arg1, %mul3A_45 : i32
      %mul3A_47 = arith.constant 128 : i32
      %mul3A_48 = arith.muli %scan3A_44, %mul3A_47 : i32
      %add3A_49 = arith.addi %mul3A_46, %mul3A_48 : i32
      "tpu.region"() ({
        %run_scoped3A = tpu.sem_alloc : memref<!tpu.dma_semaphore, #tpu.memory_space<semaphore_mem>>
        %dma_start3A_50 = arith.constant 0 : i32
        %dma_start3A_51 = tpu.memref_slice %arg7[%add3A_49, %dma_start3A_50] : memref<10240x128xf32, #tpu.memory_space<vmem_shared>> -> memref<128x128xf32, #tpu.memory_space<vmem_shared>>
        tpu.enqueue_dma source(%arg5 : memref<128x128xf32, #tpu.memory_space<hbm>>) target(%dma_start3A_51 : memref<128x128xf32, #tpu.memory_space<vmem_shared>>) target_semaphore(%run_scoped3A : memref<!tpu.dma_semaphore, #tpu.memory_space<semaphore_mem>>)
        %dma_wait3A = arith.constant 0 : i32
        %dma_wait3A_52 = tpu.memref_slice %arg7[%add3A_49, %dma_wait3A] : memref<10240x128xf32, #tpu.memory_space<vmem_shared>> -> memref<128x128xf32, #tpu.memory_space<vmem_shared>>
        tpu.wait_dma2 semaphore(%run_scoped3A : memref<!tpu.dma_semaphore, #tpu.memory_space<semaphore_mem>>) src(%arg5 : memref<128x128xf32, #tpu.memory_space<hbm>>) dst(%dma_wait3A_52 : memref<128x128xf32, #tpu.memory_space<vmem_shared>>)
        tpu.yield
      }) : () -> ()
    }
    %scan3A_5 = arith.constant 5 : i32
    %barrier3A = arith.constant 0 : index
    tpu.barrier barrier_id(%barrier3A)
    %mul3A_6 = arith.constant 80 : i32
    %mul3A_7 = arith.muli %add3A, %mul3A_6 : i32
    %add3A_8 = arith.constant 0 : i32
    %add3A_9 = arith.addi %mul3A_7, %add3A_8 : i32
    %lt3A = arith.constant 2500 : i32
    %lt3A_10 = arith.cmpi slt, %add3A_9, %lt3A : i32
    %convert_element_type3A = arith.extui %lt3A_10 : i1 to i32
    %cond3A = arith.constant 0 : i32
    %cond3A_11 = arith.cmpi ne, %convert_element_type3A, %cond3A : i32
    scf.if %cond3A_11 {
      %run_scoped3A = arith.constant 0 : i32
      "tpu.region"() ({
        %run_scoped3A_44 = tpu.sem_alloc : memref<!tpu.dma_semaphore, #tpu.memory_space<semaphore_mem>>
        %dma_start3A_45 = arith.constant 0 : i32
        %dma_start3A_46 = tpu.memref_slice %arg3[%run_scoped3A, %add3A_9, %dma_start3A_45] : memref<2x2500x128xi32, #tpu.memory_space<hbm>> -> memref<1x1x128xi32, #tpu.memory_space<hbm>>
        %dma_start3A_47 = tpu.memref_squeeze %dma_start3A_46 : memref<1x1x128xi32, #tpu.memory_space<hbm>> -> memref<128xi32, #tpu.memory_space<hbm>>
        %dma_start3A_48 = arith.constant 0 : i32
        %dma_start3A_49 = tpu.memref_slice %arg3[%run_scoped3A, %add3A_9, %dma_start3A_48] : memref<2x2500x128xi32, #tpu.memory_space<hbm>> -> memref<1x1x128xi32, #tpu.memory_space<hbm>>
        %dma_start3A_50 = tpu.memref_squeeze %dma_start3A_49 : memref<1x1x128xi32, #tpu.memory_space<hbm>> -> memref<128xi32, #tpu.memory_space<hbm>>
        tpu.enqueue_dma source(%dma_start3A_50 : memref<128xi32, #tpu.memory_space<hbm>>) target(%arg8 : memref<128xi32, #tpu.memory_space<vmem>>) target_semaphore(%run_scoped3A_44 : memref<!tpu.dma_semaphore, #tpu.memory_space<semaphore_mem>>)
        %dma_wait3A = arith.constant 0 : i32
        %dma_wait3A_51 = tpu.memref_slice %arg3[%run_scoped3A, %add3A_9, %dma_wait3A] : memref<2x2500x128xi32, #tpu.memory_space<hbm>> -> memref<1x1x128xi32, #tpu.memory_space<hbm>>
        %dma_wait3A_52 = tpu.memref_squeeze %dma_wait3A_51 : memref<1x1x128xi32, #tpu.memory_space<hbm>> -> memref<128xi32, #tpu.memory_space<hbm>>
        %dma_wait3A_53 = arith.constant 0 : i32
        %dma_wait3A_54 = tpu.memref_slice %arg3[%run_scoped3A, %add3A_9, %dma_wait3A_53] : memref<2x2500x128xi32, #tpu.memory_space<hbm>> -> memref<1x1x128xi32, #tpu.memory_space<hbm>>
        %dma_wait3A_55 = tpu.memref_squeeze %dma_wait3A_54 : memref<1x1x128xi32, #tpu.memory_space<hbm>> -> memref<128xi32, #tpu.memory_space<hbm>>
        tpu.wait_dma2 semaphore(%run_scoped3A_44 : memref<!tpu.dma_semaphore, #tpu.memory_space<semaphore_mem>>) src(%dma_wait3A_55 : memref<128xi32, #tpu.memory_space<hbm>>) dst(%arg8 : memref<128xi32, #tpu.memory_space<vmem>>)
        tpu.yield
      }) : () -> ()
    } else {
    }
    %ge3A = arith.constant 2500 : i32
    %ge3A_12 = arith.cmpi sge, %add3A_9, %ge3A : i32
    %convert_element_type3A_13 = arith.extui %ge3A_12 : i1 to i32
    %cond3A_14 = arith.constant 0 : i32
    %cond3A_15 = arith.cmpi ne, %convert_element_type3A_13, %cond3A_14 : i32
    scf.if %cond3A_15 {
      %sub3A = arith.constant 2500 : i32
      %sub3A_44 = arith.subi %add3A_9, %sub3A : i32
      %run_scoped3A = arith.constant 0 : i32
      "tpu.region"() ({
        %run_scoped3A_45 = tpu.sem_alloc : memref<!tpu.dma_semaphore, #tpu.memory_space<semaphore_mem>>
        %dma_start3A_46 = arith.constant 0 : i32
        %dma_start3A_47 = tpu.memref_slice %arg4[%run_scoped3A, %sub3A_44, %dma_start3A_46] : memref<2x60x128xi32, #tpu.memory_space<hbm>> -> memref<1x1x128xi32, #tpu.memory_space<hbm>>
        %dma_start3A_48 = tpu.memref_squeeze %dma_start3A_47 : memref<1x1x128xi32, #tpu.memory_space<hbm>> -> memref<128xi32, #tpu.memory_space<hbm>>
        %dma_start3A_49 = arith.constant 0 : i32
        %dma_start3A_50 = tpu.memref_slice %arg4[%run_scoped3A, %sub3A_44, %dma_start3A_49] : memref<2x60x128xi32, #tpu.memory_space<hbm>> -> memref<1x1x128xi32, #tpu.memory_space<hbm>>
        %dma_start3A_51 = tpu.memref_squeeze %dma_start3A_50 : memref<1x1x128xi32, #tpu.memory_space<hbm>> -> memref<128xi32, #tpu.memory_space<hbm>>
        tpu.enqueue_dma source(%dma_start3A_51 : memref<128xi32, #tpu.memory_space<hbm>>) target(%arg8 : memref<128xi32, #tpu.memory_space<vmem>>) target_semaphore(%run_scoped3A_45 : memref<!tpu.dma_semaphore, #tpu.memory_space<semaphore_mem>>)
        %dma_wait3A = arith.constant 0 : i32
        %dma_wait3A_52 = tpu.memref_slice %arg4[%run_scoped3A, %sub3A_44, %dma_wait3A] : memref<2x60x128xi32, #tpu.memory_space<hbm>> -> memref<1x1x128xi32, #tpu.memory_space<hbm>>
        %dma_wait3A_53 = tpu.memref_squeeze %dma_wait3A_52 : memref<1x1x128xi32, #tpu.memory_space<hbm>> -> memref<128xi32, #tpu.memory_space<hbm>>
        %dma_wait3A_54 = arith.constant 0 : i32
        %dma_wait3A_55 = tpu.memref_slice %arg4[%run_scoped3A, %sub3A_44, %dma_wait3A_54] : memref<2x60x128xi32, #tpu.memory_space<hbm>> -> memref<1x1x128xi32, #tpu.memory_space<hbm>>
        %dma_wait3A_56 = tpu.memref_squeeze %dma_wait3A_55 : memref<1x1x128xi32, #tpu.memory_space<hbm>> -> memref<128xi32, #tpu.memory_space<hbm>>
        tpu.wait_dma2 semaphore(%run_scoped3A_45 : memref<!tpu.dma_semaphore, #tpu.memory_space<semaphore_mem>>) src(%dma_wait3A_56 : memref<128xi32, #tpu.memory_space<hbm>>) dst(%arg8 : memref<128xi32, #tpu.memory_space<vmem>>)
        tpu.yield
      }) : () -> ()
    } else {
    }
    %dma_start3A = arith.constant 0 : i32
    %dma_start3A_16 = arith.constant 0 : i32
    %dma_start3A_17 = tpu.memref_slice %arg2[%dma_start3A, %dma_start3A_16] : memref<10240x128xf32, #tpu.memory_space<hbm>> -> memref<10240x128xf32, #tpu.memory_space<hbm>>
    tpu.enqueue_indirect_dma source(%dma_start3A_17 : memref<10240x128xf32, #tpu.memory_space<hbm>>) target(%arg12 : memref<128x128xf32, #tpu.memory_space<vmem>>) offsets(%arg8 : memref<128xi32, #tpu.memory_space<vmem>>) semaphore(%arg14 : memref<!tpu.dma_semaphore, #tpu.memory_space<semaphore_mem>>)
    %add3A_18 = arith.constant 1 : i32
    %add3A_19 = arith.addi %mul3A_7, %add3A_18 : i32
    %lt3A_20 = arith.constant 2500 : i32
    %lt3A_21 = arith.cmpi slt, %add3A_19, %lt3A_20 : i32
    %convert_element_type3A_22 = arith.extui %lt3A_21 : i1 to i32
    %cond3A_23 = arith.constant 0 : i32
    %cond3A_24 = arith.cmpi ne, %convert_element_type3A_22, %cond3A_23 : i32
    scf.if %cond3A_24 {
      %run_scoped3A = arith.constant 0 : i32
      "tpu.region"() ({
        %run_scoped3A_44 = tpu.sem_alloc : memref<!tpu.dma_semaphore, #tpu.memory_space<semaphore_mem>>
        %dma_start3A_45 = arith.constant 0 : i32
        %dma_start3A_46 = tpu.memref_slice %arg3[%run_scoped3A, %add3A_19, %dma_start3A_45] : memref<2x2500x128xi32, #tpu.memory_space<hbm>> -> memref<1x1x128xi32, #tpu.memory_space<hbm>>
        %dma_start3A_47 = tpu.memref_squeeze %dma_start3A_46 : memref<1x1x128xi32, #tpu.memory_space<hbm>> -> memref<128xi32, #tpu.memory_space<hbm>>
        %dma_start3A_48 = arith.constant 0 : i32
        %dma_start3A_49 = tpu.memref_slice %arg3[%run_scoped3A, %add3A_19, %dma_start3A_48] : memref<2x2500x128xi32, #tpu.memory_space<hbm>> -> memref<1x1x128xi32, #tpu.memory_space<hbm>>
        %dma_start3A_50 = tpu.memref_squeeze %dma_start3A_49 : memref<1x1x128xi32, #tpu.memory_space<hbm>> -> memref<128xi32, #tpu.memory_space<hbm>>
        tpu.enqueue_dma source(%dma_start3A_50 : memref<128xi32, #tpu.memory_space<hbm>>) target(%arg9 : memref<128xi32, #tpu.memory_space<vmem>>) target_semaphore(%run_scoped3A_44 : memref<!tpu.dma_semaphore, #tpu.memory_space<semaphore_mem>>)
        %dma_wait3A = arith.constant 0 : i32
        %dma_wait3A_51 = tpu.memref_slice %arg3[%run_scoped3A, %add3A_19, %dma_wait3A] : memref<2x2500x128xi32, #tpu.memory_space<hbm>> -> memref<1x1x128xi32, #tpu.memory_space<hbm>>
        %dma_wait3A_52 = tpu.memref_squeeze %dma_wait3A_51 : memref<1x1x128xi32, #tpu.memory_space<hbm>> -> memref<128xi32, #tpu.memory_space<hbm>>
        %dma_wait3A_53 = arith.constant 0 : i32
        %dma_wait3A_54 = tpu.memref_slice %arg3[%run_scoped3A, %add3A_19, %dma_wait3A_53] : memref<2x2500x128xi32, #tpu.memory_space<hbm>> -> memref<1x1x128xi32, #tpu.memory_space<hbm>>
        %dma_wait3A_55 = tpu.memref_squeeze %dma_wait3A_54 : memref<1x1x128xi32, #tpu.memory_space<hbm>> -> memref<128xi32, #tpu.memory_space<hbm>>
        tpu.wait_dma2 semaphore(%run_scoped3A_44 : memref<!tpu.dma_semaphore, #tpu.memory_space<semaphore_mem>>) src(%dma_wait3A_55 : memref<128xi32, #tpu.memory_space<hbm>>) dst(%arg9 : memref<128xi32, #tpu.memory_space<vmem>>)
        tpu.yield
      }) : () -> ()
    } else {
    }
    %ge3A_25 = arith.constant 2500 : i32
    %ge3A_26 = arith.cmpi sge, %add3A_19, %ge3A_25 : i32
    %convert_element_type3A_27 = arith.extui %ge3A_26 : i1 to i32
    %cond3A_28 = arith.constant 0 : i32
    %cond3A_29 = arith.cmpi ne, %convert_element_type3A_27, %cond3A_28 : i32
    scf.if %cond3A_29 {
      %sub3A = arith.constant 2500 : i32
      %sub3A_44 = arith.subi %add3A_19, %sub3A : i32
      %run_scoped3A = arith.constant 0 : i32
      "tpu.region"() ({
        %run_scoped3A_45 = tpu.sem_alloc : memref<!tpu.dma_semaphore, #tpu.memory_space<semaphore_mem>>
        %dma_start3A_46 = arith.constant 0 : i32
        %dma_start3A_47 = tpu.memref_slice %arg4[%run_scoped3A, %sub3A_44, %dma_start3A_46] : memref<2x60x128xi32, #tpu.memory_space<hbm>> -> memref<1x1x128xi32, #tpu.memory_space<hbm>>
        %dma_start3A_48 = tpu.memref_squeeze %dma_start3A_47 : memref<1x1x128xi32, #tpu.memory_space<hbm>> -> memref<128xi32, #tpu.memory_space<hbm>>
        %dma_start3A_49 = arith.constant 0 : i32
        %dma_start3A_50 = tpu.memref_slice %arg4[%run_scoped3A, %sub3A_44, %dma_start3A_49] : memref<2x60x128xi32, #tpu.memory_space<hbm>> -> memref<1x1x128xi32, #tpu.memory_space<hbm>>
        %dma_start3A_51 = tpu.memref_squeeze %dma_start3A_50 : memref<1x1x128xi32, #tpu.memory_space<hbm>> -> memref<128xi32, #tpu.memory_space<hbm>>
        tpu.enqueue_dma source(%dma_start3A_51 : memref<128xi32, #tpu.memory_space<hbm>>) target(%arg9 : memref<128xi32, #tpu.memory_space<vmem>>) target_semaphore(%run_scoped3A_45 : memref<!tpu.dma_semaphore, #tpu.memory_space<semaphore_mem>>)
        %dma_wait3A = arith.constant 0 : i32
        %dma_wait3A_52 = tpu.memref_slice %arg4[%run_scoped3A, %sub3A_44, %dma_wait3A] : memref<2x60x128xi32, #tpu.memory_space<hbm>> -> memref<1x1x128xi32, #tpu.memory_space<hbm>>
        %dma_wait3A_53 = tpu.memref_squeeze %dma_wait3A_52 : memref<1x1x128xi32, #tpu.memory_space<hbm>> -> memref<128xi32, #tpu.memory_space<hbm>>
        %dma_wait3A_54 = arith.constant 0 : i32
        %dma_wait3A_55 = tpu.memref_slice %arg4[%run_scoped3A, %sub3A_44, %dma_wait3A_54] : memref<2x60x128xi32, #tpu.memory_space<hbm>> -> memref<1x1x128xi32, #tpu.memory_space<hbm>>
        %dma_wait3A_56 = tpu.memref_squeeze %dma_wait3A_55 : memref<1x1x128xi32, #tpu.memory_space<hbm>> -> memref<128xi32, #tpu.memory_space<hbm>>
        tpu.wait_dma2 semaphore(%run_scoped3A_45 : memref<!tpu.dma_semaphore, #tpu.memory_space<semaphore_mem>>) src(%dma_wait3A_56 : memref<128xi32, #tpu.memory_space<hbm>>) dst(%arg9 : memref<128xi32, #tpu.memory_space<vmem>>)
        tpu.yield
      }) : () -> ()
    } else {
    }
    %dma_start3A_30 = arith.constant 0 : i32
    %dma_start3A_31 = arith.constant 0 : i32
    %dma_start3A_32 = tpu.memref_slice %arg2[%dma_start3A_30, %dma_start3A_31] : memref<10240x128xf32, #tpu.memory_space<hbm>> -> memref<10240x128xf32, #tpu.memory_space<hbm>>
    tpu.enqueue_indirect_dma source(%dma_start3A_32 : memref<10240x128xf32, #tpu.memory_space<hbm>>) target(%arg13 : memref<128x128xf32, #tpu.memory_space<vmem>>) offsets(%arg9 : memref<128xi32, #tpu.memory_space<vmem>>) semaphore(%arg15 : memref<!tpu.dma_semaphore, #tpu.memory_space<semaphore_mem>>)
    %scan3A_33 = arith.constant 0 : i32
    %scan3A_34 = arith.constant 0 : i32
    %scan3A_35 = arith.constant 40 : i32
    %scan3A_36 = arith.addi %scan3A_34, %scan3A_35 : i32
    %scan3A_37 = arith.constant 1 : i32
    scf.for %scan3A_44 = %scan3A_34 to %scan3A_36 step %scan3A_37  : i32 {
      %mul3A_45 = arith.constant 2 : i32
      %mul3A_46 = arith.muli %mul3A_45, %scan3A_44 : i32
      %add3A_47 = arith.constant 0 : i32
      %add3A_48 = arith.addi %mul3A_46, %add3A_47 : i32
      %add3A_49 = arith.addi %mul3A_7, %add3A_48 : i32
      %lt3A_50 = arith.constant 2500 : i32
      %lt3A_51 = arith.cmpi slt, %add3A_49, %lt3A_50 : i32
      %convert_element_type3A_52 = arith.extui %lt3A_51 : i1 to i32
      %cond3A_53 = arith.constant 0 : i32
      %cond3A_54 = arith.cmpi ne, %convert_element_type3A_52, %cond3A_53 : i32
      scf.if %cond3A_54 {
        %run_scoped3A = arith.constant 1 : i32
        "tpu.region"() ({
          %run_scoped3A_135 = tpu.sem_alloc : memref<!tpu.dma_semaphore, #tpu.memory_space<semaphore_mem>>
          %dma_start3A_136 = arith.constant 0 : i32
          %dma_start3A_137 = tpu.memref_slice %arg3[%run_scoped3A, %add3A_49, %dma_start3A_136] : memref<2x2500x128xi32, #tpu.memory_space<hbm>> -> memref<1x1x128xi32, #tpu.memory_space<hbm>>
          %dma_start3A_138 = tpu.memref_squeeze %dma_start3A_137 : memref<1x1x128xi32, #tpu.memory_space<hbm>> -> memref<128xi32, #tpu.memory_space<hbm>>
          %dma_start3A_139 = arith.constant 0 : i32
          %dma_start3A_140 = tpu.memref_slice %arg3[%run_scoped3A, %add3A_49, %dma_start3A_139] : memref<2x2500x128xi32, #tpu.memory_space<hbm>> -> memref<1x1x128xi32, #tpu.memory_space<hbm>>
          %dma_start3A_141 = tpu.memref_squeeze %dma_start3A_140 : memref<1x1x128xi32, #tpu.memory_space<hbm>> -> memref<128xi32, #tpu.memory_space<hbm>>
          tpu.enqueue_dma source(%dma_start3A_141 : memref<128xi32, #tpu.memory_space<hbm>>) target(%arg10 : memref<128xi32, #tpu.memory_space<vmem>>) target_semaphore(%run_scoped3A_135 : memref<!tpu.dma_semaphore, #tpu.memory_space<semaphore_mem>>)
          %dma_wait3A_142 = arith.constant 0 : i32
          %dma_wait3A_143 = tpu.memref_slice %arg3[%run_scoped3A, %add3A_49, %dma_wait3A_142] : memref<2x2500x128xi32, #tpu.memory_space<hbm>> -> memref<1x1x128xi32, #tpu.memory_space<hbm>>
          %dma_wait3A_144 = tpu.memref_squeeze %dma_wait3A_143 : memref<1x1x128xi32, #tpu.memory_space<hbm>> -> memref<128xi32, #tpu.memory_space<hbm>>
          %dma_wait3A_145 = arith.constant 0 : i32
          %dma_wait3A_146 = tpu.memref_slice %arg3[%run_scoped3A, %add3A_49, %dma_wait3A_145] : memref<2x2500x128xi32, #tpu.memory_space<hbm>> -> memref<1x1x128xi32, #tpu.memory_space<hbm>>
          %dma_wait3A_147 = tpu.memref_squeeze %dma_wait3A_146 : memref<1x1x128xi32, #tpu.memory_space<hbm>> -> memref<128xi32, #tpu.memory_space<hbm>>
          tpu.wait_dma2 semaphore(%run_scoped3A_135 : memref<!tpu.dma_semaphore, #tpu.memory_space<semaphore_mem>>) src(%dma_wait3A_147 : memref<128xi32, #tpu.memory_space<hbm>>) dst(%arg10 : memref<128xi32, #tpu.memory_space<vmem>>)
          tpu.yield
        }) : () -> ()
      } else {
      }
      %ge3A_55 = arith.constant 2500 : i32
      %ge3A_56 = arith.cmpi sge, %add3A_49, %ge3A_55 : i32
      %convert_element_type3A_57 = arith.extui %ge3A_56 : i1 to i32
      %cond3A_58 = arith.constant 0 : i32
      %cond3A_59 = arith.cmpi ne, %convert_element_type3A_57, %cond3A_58 : i32
      scf.if %cond3A_59 {
        %sub3A = arith.constant 2500 : i32
        %sub3A_135 = arith.subi %add3A_49, %sub3A : i32
        %run_scoped3A = arith.constant 1 : i32
        "tpu.region"() ({
          %run_scoped3A_136 = tpu.sem_alloc : memref<!tpu.dma_semaphore, #tpu.memory_space<semaphore_mem>>
          %dma_start3A_137 = arith.constant 0 : i32
          %dma_start3A_138 = tpu.memref_slice %arg4[%run_scoped3A, %sub3A_135, %dma_start3A_137] : memref<2x60x128xi32, #tpu.memory_space<hbm>> -> memref<1x1x128xi32, #tpu.memory_space<hbm>>
          %dma_start3A_139 = tpu.memref_squeeze %dma_start3A_138 : memref<1x1x128xi32, #tpu.memory_space<hbm>> -> memref<128xi32, #tpu.memory_space<hbm>>
          %dma_start3A_140 = arith.constant 0 : i32
          %dma_start3A_141 = tpu.memref_slice %arg4[%run_scoped3A, %sub3A_135, %dma_start3A_140] : memref<2x60x128xi32, #tpu.memory_space<hbm>> -> memref<1x1x128xi32, #tpu.memory_space<hbm>>
          %dma_start3A_142 = tpu.memref_squeeze %dma_start3A_141 : memref<1x1x128xi32, #tpu.memory_space<hbm>> -> memref<128xi32, #tpu.memory_space<hbm>>
          tpu.enqueue_dma source(%dma_start3A_142 : memref<128xi32, #tpu.memory_space<hbm>>) target(%arg10 : memref<128xi32, #tpu.memory_space<vmem>>) target_semaphore(%run_scoped3A_136 : memref<!tpu.dma_semaphore, #tpu.memory_space<semaphore_mem>>)
          %dma_wait3A_143 = arith.constant 0 : i32
          %dma_wait3A_144 = tpu.memref_slice %arg4[%run_scoped3A, %sub3A_135, %dma_wait3A_143] : memref<2x60x128xi32, #tpu.memory_space<hbm>> -> memref<1x1x128xi32, #tpu.memory_space<hbm>>
          %dma_wait3A_145 = tpu.memref_squeeze %dma_wait3A_144 : memref<1x1x128xi32, #tpu.memory_space<hbm>> -> memref<128xi32, #tpu.memory_space<hbm>>
          %dma_wait3A_146 = arith.constant 0 : i32
          %dma_wait3A_147 = tpu.memref_slice %arg4[%run_scoped3A, %sub3A_135, %dma_wait3A_146] : memref<2x60x128xi32, #tpu.memory_space<hbm>> -> memref<1x1x128xi32, #tpu.memory_space<hbm>>
          %dma_wait3A_148 = tpu.memref_squeeze %dma_wait3A_147 : memref<1x1x128xi32, #tpu.memory_space<hbm>> -> memref<128xi32, #tpu.memory_space<hbm>>
          tpu.wait_dma2 semaphore(%run_scoped3A_136 : memref<!tpu.dma_semaphore, #tpu.memory_space<semaphore_mem>>) src(%dma_wait3A_148 : memref<128xi32, #tpu.memory_space<hbm>>) dst(%arg10 : memref<128xi32, #tpu.memory_space<vmem>>)
          tpu.yield
        }) : () -> ()
      } else {
      }
      %dma_wait3A = arith.constant 0 : i32
      %dma_wait3A_60 = arith.constant 0 : i32
      %dma_wait3A_61 = tpu.memref_slice %arg2[%dma_wait3A, %dma_wait3A_60] : memref<10240x128xf32, #tpu.memory_space<hbm>> -> memref<10240x128xf32, #tpu.memory_space<hbm>>
      tpu.wait_indirect_dma semaphore(%arg14 : memref<!tpu.dma_semaphore, #tpu.memory_space<semaphore_mem>>) src(%dma_wait3A_61 : memref<10240x128xf32, #tpu.memory_space<hbm>>) dst(%arg12 : memref<128x128xf32, #tpu.memory_space<vmem>>)
      %dma_start3A_62 = arith.constant 0 : i32
      %dma_start3A_63 = arith.constant 0 : i32
      %dma_start3A_64 = tpu.memref_slice %arg7[%dma_start3A_62, %dma_start3A_63] : memref<10240x128xf32, #tpu.memory_space<vmem_shared>> -> memref<10240x128xf32, #tpu.memory_space<vmem_shared>>
      tpu.enqueue_indirect_dma source(%arg12 : memref<128x128xf32, #tpu.memory_space<vmem>>) target(%dma_start3A_64 : memref<10240x128xf32, #tpu.memory_space<vmem_shared>>) offsets(%arg10 : memref<128xi32, #tpu.memory_space<vmem>>) semaphore(%arg16 : memref<!tpu.dma_semaphore, #tpu.memory_space<semaphore_mem>>) {add = true}
      %add3A_65 = arith.addi %mul3A_7, %add3A_48 : i32
      %add3A_66 = arith.constant 2 : i32
      %add3A_67 = arith.addi %add3A_65, %add3A_66 : i32
      %min3A = arith.constant 2559 : i32
      %min3A_68 = arith.minsi %add3A_67, %min3A : i32
      %lt3A_69 = arith.constant 2500 : i32
      %lt3A_70 = arith.cmpi slt, %min3A_68, %lt3A_69 : i32
      %convert_element_type3A_71 = arith.extui %lt3A_70 : i1 to i32
      %cond3A_72 = arith.constant 0 : i32
      %cond3A_73 = arith.cmpi ne, %convert_element_type3A_71, %cond3A_72 : i32
      scf.if %cond3A_73 {
        %run_scoped3A = arith.constant 0 : i32
        "tpu.region"() ({
          %run_scoped3A_135 = tpu.sem_alloc : memref<!tpu.dma_semaphore, #tpu.memory_space<semaphore_mem>>
          %dma_start3A_136 = arith.constant 0 : i32
          %dma_start3A_137 = tpu.memref_slice %arg3[%run_scoped3A, %min3A_68, %dma_start3A_136] : memref<2x2500x128xi32, #tpu.memory_space<hbm>> -> memref<1x1x128xi32, #tpu.memory_space<hbm>>
          %dma_start3A_138 = tpu.memref_squeeze %dma_start3A_137 : memref<1x1x128xi32, #tpu.memory_space<hbm>> -> memref<128xi32, #tpu.memory_space<hbm>>
          %dma_start3A_139 = arith.constant 0 : i32
          %dma_start3A_140 = tpu.memref_slice %arg3[%run_scoped3A, %min3A_68, %dma_start3A_139] : memref<2x2500x128xi32, #tpu.memory_space<hbm>> -> memref<1x1x128xi32, #tpu.memory_space<hbm>>
          %dma_start3A_141 = tpu.memref_squeeze %dma_start3A_140 : memref<1x1x128xi32, #tpu.memory_space<hbm>> -> memref<128xi32, #tpu.memory_space<hbm>>
          tpu.enqueue_dma source(%dma_start3A_141 : memref<128xi32, #tpu.memory_space<hbm>>) target(%arg8 : memref<128xi32, #tpu.memory_space<vmem>>) target_semaphore(%run_scoped3A_135 : memref<!tpu.dma_semaphore, #tpu.memory_space<semaphore_mem>>)
          %dma_wait3A_142 = arith.constant 0 : i32
          %dma_wait3A_143 = tpu.memref_slice %arg3[%run_scoped3A, %min3A_68, %dma_wait3A_142] : memref<2x2500x128xi32, #tpu.memory_space<hbm>> -> memref<1x1x128xi32, #tpu.memory_space<hbm>>
          %dma_wait3A_144 = tpu.memref_squeeze %dma_wait3A_143 : memref<1x1x128xi32, #tpu.memory_space<hbm>> -> memref<128xi32, #tpu.memory_space<hbm>>
          %dma_wait3A_145 = arith.constant 0 : i32
          %dma_wait3A_146 = tpu.memref_slice %arg3[%run_scoped3A, %min3A_68, %dma_wait3A_145] : memref<2x2500x128xi32, #tpu.memory_space<hbm>> -> memref<1x1x128xi32, #tpu.memory_space<hbm>>
          %dma_wait3A_147 = tpu.memref_squeeze %dma_wait3A_146 : memref<1x1x128xi32, #tpu.memory_space<hbm>> -> memref<128xi32, #tpu.memory_space<hbm>>
          tpu.wait_dma2 semaphore(%run_scoped3A_135 : memref<!tpu.dma_semaphore, #tpu.memory_space<semaphore_mem>>) src(%dma_wait3A_147 : memref<128xi32, #tpu.memory_space<hbm>>) dst(%arg8 : memref<128xi32, #tpu.memory_space<vmem>>)
          tpu.yield
        }) : () -> ()
      } else {
      }
      %ge3A_74 = arith.constant 2500 : i32
      %ge3A_75 = arith.cmpi sge, %min3A_68, %ge3A_74 : i32
      %convert_element_type3A_76 = arith.extui %ge3A_75 : i1 to i32
      %cond3A_77 = arith.constant 0 : i32
      %cond3A_78 = arith.cmpi ne, %convert_element_type3A_76, %cond3A_77 : i32
      scf.if %cond3A_78 {
        %sub3A = arith.constant 2500 : i32
        %sub3A_135 = arith.subi %min3A_68, %sub3A : i32
        %run_scoped3A = arith.constant 0 : i32
        "tpu.region"() ({
          %run_scoped3A_136 = tpu.sem_alloc : memref<!tpu.dma_semaphore, #tpu.memory_space<semaphore_mem>>
          %dma_start3A_137 = arith.constant 0 : i32
          %dma_start3A_138 = tpu.memref_slice %arg4[%run_scoped3A, %sub3A_135, %dma_start3A_137] : memref<2x60x128xi32, #tpu.memory_space<hbm>> -> memref<1x1x128xi32, #tpu.memory_space<hbm>>
          %dma_start3A_139 = tpu.memref_squeeze %dma_start3A_138 : memref<1x1x128xi32, #tpu.memory_space<hbm>> -> memref<128xi32, #tpu.memory_space<hbm>>
          %dma_start3A_140 = arith.constant 0 : i32
          %dma_start3A_141 = tpu.memref_slice %arg4[%run_scoped3A, %sub3A_135, %dma_start3A_140] : memref<2x60x128xi32, #tpu.memory_space<hbm>> -> memref<1x1x128xi32, #tpu.memory_space<hbm>>
          %dma_start3A_142 = tpu.memref_squeeze %dma_start3A_141 : memref<1x1x128xi32, #tpu.memory_space<hbm>> -> memref<128xi32, #tpu.memory_space<hbm>>
          tpu.enqueue_dma source(%dma_start3A_142 : memref<128xi32, #tpu.memory_space<hbm>>) target(%arg8 : memref<128xi32, #tpu.memory_space<vmem>>) target_semaphore(%run_scoped3A_136 : memref<!tpu.dma_semaphore, #tpu.memory_space<semaphore_mem>>)
          %dma_wait3A_143 = arith.constant 0 : i32
          %dma_wait3A_144 = tpu.memref_slice %arg4[%run_scoped3A, %sub3A_135, %dma_wait3A_143] : memref<2x60x128xi32, #tpu.memory_space<hbm>> -> memref<1x1x128xi32, #tpu.memory_space<hbm>>
          %dma_wait3A_145 = tpu.memref_squeeze %dma_wait3A_144 : memref<1x1x128xi32, #tpu.memory_space<hbm>> -> memref<128xi32, #tpu.memory_space<hbm>>
          %dma_wait3A_146 = arith.constant 0 : i32
          %dma_wait3A_147 = tpu.memref_slice %arg4[%run_scoped3A, %sub3A_135, %dma_wait3A_146] : memref<2x60x128xi32, #tpu.memory_space<hbm>> -> memref<1x1x128xi32, #tpu.memory_space<hbm>>
          %dma_wait3A_148 = tpu.memref_squeeze %dma_wait3A_147 : memref<1x1x128xi32, #tpu.memory_space<hbm>> -> memref<128xi32, #tpu.memory_space<hbm>>
          tpu.wait_dma2 semaphore(%run_scoped3A_136 : memref<!tpu.dma_semaphore, #tpu.memory_space<semaphore_mem>>) src(%dma_wait3A_148 : memref<128xi32, #tpu.memory_space<hbm>>) dst(%arg8 : memref<128xi32, #tpu.memory_space<vmem>>)
          tpu.yield
        }) : () -> ()
      } else {
      }
      %dma_wait3A_79 = arith.constant 0 : i32
      %dma_wait3A_80 = arith.constant 0 : i32
      %dma_wait3A_81 = tpu.memref_slice %arg7[%dma_wait3A_79, %dma_wait3A_80] : memref<10240x128xf32, #tpu.memory_space<vmem_shared>> -> memref<10240x128xf32, #tpu.memory_space<vmem_shared>>
      tpu.wait_indirect_dma semaphore(%arg16 : memref<!tpu.dma_semaphore, #tpu.memory_space<semaphore_mem>>) src(%arg12 : memref<128x128xf32, #tpu.memory_space<vmem>>) dst(%dma_wait3A_81 : memref<10240x128xf32, #tpu.memory_space<vmem_shared>>)
      %add3A_82 = arith.constant 2 : i32
      %add3A_83 = arith.addi %add3A_48, %add3A_82 : i32
      %lt3A_84 = arith.constant 80 : i32
      %lt3A_85 = arith.cmpi slt, %add3A_83, %lt3A_84 : i32
      %convert_element_type3A_86 = arith.extui %lt3A_85 : i1 to i32
      %cond3A_87 = arith.constant 0 : i32
      %cond3A_88 = arith.cmpi ne, %convert_element_type3A_86, %cond3A_87 : i32
      scf.if %cond3A_88 {
        %dma_start3A_135 = arith.constant 0 : i32
        %dma_start3A_136 = arith.constant 0 : i32
        %dma_start3A_137 = tpu.memref_slice %arg2[%dma_start3A_135, %dma_start3A_136] : memref<10240x128xf32, #tpu.memory_space<hbm>> -> memref<10240x128xf32, #tpu.memory_space<hbm>>
        tpu.enqueue_indirect_dma source(%dma_start3A_137 : memref<10240x128xf32, #tpu.memory_space<hbm>>) target(%arg12 : memref<128x128xf32, #tpu.memory_space<vmem>>) offsets(%arg8 : memref<128xi32, #tpu.memory_space<vmem>>) semaphore(%arg14 : memref<!tpu.dma_semaphore, #tpu.memory_space<semaphore_mem>>)
      } else {
      }
      %mul3A_89 = arith.constant 2 : i32
      %mul3A_90 = arith.muli %mul3A_89, %scan3A_44 : i32
      %add3A_91 = arith.constant 1 : i32
      %add3A_92 = arith.addi %mul3A_90, %add3A_91 : i32
      %add3A_93 = arith.addi %mul3A_7, %add3A_92 : i32
      %lt3A_94 = arith.constant 2500 : i32
      %lt3A_95 = arith.cmpi slt, %add3A_93, %lt3A_94 : i32
      %convert_element_type3A_96 = arith.extui %lt3A_95 : i1 to i32
      %cond3A_97 = arith.constant 0 : i32
      %cond3A_98 = arith.cmpi ne, %convert_element_type3A_96, %cond3A_97 : i32
      scf.if %cond3A_98 {
        %run_scoped3A = arith.constant 1 : i32
        "tpu.region"() ({
          %run_scoped3A_135 = tpu.sem_alloc : memref<!tpu.dma_semaphore, #tpu.memory_space<semaphore_mem>>
          %dma_start3A_136 = arith.constant 0 : i32
          %dma_start3A_137 = tpu.memref_slice %arg3[%run_scoped3A, %add3A_93, %dma_start3A_136] : memref<2x2500x128xi32, #tpu.memory_space<hbm>> -> memref<1x1x128xi32, #tpu.memory_space<hbm>>
          %dma_start3A_138 = tpu.memref_squeeze %dma_start3A_137 : memref<1x1x128xi32, #tpu.memory_space<hbm>> -> memref<128xi32, #tpu.memory_space<hbm>>
          %dma_start3A_139 = arith.constant 0 : i32
          %dma_start3A_140 = tpu.memref_slice %arg3[%run_scoped3A, %add3A_93, %dma_start3A_139] : memref<2x2500x128xi32, #tpu.memory_space<hbm>> -> memref<1x1x128xi32, #tpu.memory_space<hbm>>
          %dma_start3A_141 = tpu.memref_squeeze %dma_start3A_140 : memref<1x1x128xi32, #tpu.memory_space<hbm>> -> memref<128xi32, #tpu.memory_space<hbm>>
          tpu.enqueue_dma source(%dma_start3A_141 : memref<128xi32, #tpu.memory_space<hbm>>) target(%arg11 : memref<128xi32, #tpu.memory_space<vmem>>) target_semaphore(%run_scoped3A_135 : memref<!tpu.dma_semaphore, #tpu.memory_space<semaphore_mem>>)
          %dma_wait3A_142 = arith.constant 0 : i32
          %dma_wait3A_143 = tpu.memref_slice %arg3[%run_scoped3A, %add3A_93, %dma_wait3A_142] : memref<2x2500x128xi32, #tpu.memory_space<hbm>> -> memref<1x1x128xi32, #tpu.memory_space<hbm>>
          %dma_wait3A_144 = tpu.memref_squeeze %dma_wait3A_143 : memref<1x1x128xi32, #tpu.memory_space<hbm>> -> memref<128xi32, #tpu.memory_space<hbm>>
          %dma_wait3A_145 = arith.constant 0 : i32
          %dma_wait3A_146 = tpu.memref_slice %arg3[%run_scoped3A, %add3A_93, %dma_wait3A_145] : memref<2x2500x128xi32, #tpu.memory_space<hbm>> -> memref<1x1x128xi32, #tpu.memory_space<hbm>>
          %dma_wait3A_147 = tpu.memref_squeeze %dma_wait3A_146 : memref<1x1x128xi32, #tpu.memory_space<hbm>> -> memref<128xi32, #tpu.memory_space<hbm>>
          tpu.wait_dma2 semaphore(%run_scoped3A_135 : memref<!tpu.dma_semaphore, #tpu.memory_space<semaphore_mem>>) src(%dma_wait3A_147 : memref<128xi32, #tpu.memory_space<hbm>>) dst(%arg11 : memref<128xi32, #tpu.memory_space<vmem>>)
          tpu.yield
        }) : () -> ()
      } else {
      }
      %ge3A_99 = arith.constant 2500 : i32
      %ge3A_100 = arith.cmpi sge, %add3A_93, %ge3A_99 : i32
      %convert_element_type3A_101 = arith.extui %ge3A_100 : i1 to i32
      %cond3A_102 = arith.constant 0 : i32
      %cond3A_103 = arith.cmpi ne, %convert_element_type3A_101, %cond3A_102 : i32
      scf.if %cond3A_103 {
        %sub3A = arith.constant 2500 : i32
        %sub3A_135 = arith.subi %add3A_93, %sub3A : i32
        %run_scoped3A = arith.constant 1 : i32
        "tpu.region"() ({
          %run_scoped3A_136 = tpu.sem_alloc : memref<!tpu.dma_semaphore, #tpu.memory_space<semaphore_mem>>
          %dma_start3A_137 = arith.constant 0 : i32
          %dma_start3A_138 = tpu.memref_slice %arg4[%run_scoped3A, %sub3A_135, %dma_start3A_137] : memref<2x60x128xi32, #tpu.memory_space<hbm>> -> memref<1x1x128xi32, #tpu.memory_space<hbm>>
          %dma_start3A_139 = tpu.memref_squeeze %dma_start3A_138 : memref<1x1x128xi32, #tpu.memory_space<hbm>> -> memref<128xi32, #tpu.memory_space<hbm>>
          %dma_start3A_140 = arith.constant 0 : i32
          %dma_start3A_141 = tpu.memref_slice %arg4[%run_scoped3A, %sub3A_135, %dma_start3A_140] : memref<2x60x128xi32, #tpu.memory_space<hbm>> -> memref<1x1x128xi32, #tpu.memory_space<hbm>>
          %dma_start3A_142 = tpu.memref_squeeze %dma_start3A_141 : memref<1x1x128xi32, #tpu.memory_space<hbm>> -> memref<128xi32, #tpu.memory_space<hbm>>
          tpu.enqueue_dma source(%dma_start3A_142 : memref<128xi32, #tpu.memory_space<hbm>>) target(%arg11 : memref<128xi32, #tpu.memory_space<vmem>>) target_semaphore(%run_scoped3A_136 : memref<!tpu.dma_semaphore, #tpu.memory_space<semaphore_mem>>)
          %dma_wait3A_143 = arith.constant 0 : i32
          %dma_wait3A_144 = tpu.memref_slice %arg4[%run_scoped3A, %sub3A_135, %dma_wait3A_143] : memref<2x60x128xi32, #tpu.memory_space<hbm>> -> memref<1x1x128xi32, #tpu.memory_space<hbm>>
          %dma_wait3A_145 = tpu.memref_squeeze %dma_wait3A_144 : memref<1x1x128xi32, #tpu.memory_space<hbm>> -> memref<128xi32, #tpu.memory_space<hbm>>
          %dma_wait3A_146 = arith.constant 0 : i32
          %dma_wait3A_147 = tpu.memref_slice %arg4[%run_scoped3A, %sub3A_135, %dma_wait3A_146] : memref<2x60x128xi32, #tpu.memory_space<hbm>> -> memref<1x1x128xi32, #tpu.memory_space<hbm>>
          %dma_wait3A_148 = tpu.memref_squeeze %dma_wait3A_147 : memref<1x1x128xi32, #tpu.memory_space<hbm>> -> memref<128xi32, #tpu.memory_space<hbm>>
          tpu.wait_dma2 semaphore(%run_scoped3A_136 : memref<!tpu.dma_semaphore, #tpu.memory_space<semaphore_mem>>) src(%dma_wait3A_148 : memref<128xi32, #tpu.memory_space<hbm>>) dst(%arg11 : memref<128xi32, #tpu.memory_space<vmem>>)
          tpu.yield
        }) : () -> ()
      } else {
      }
      %dma_wait3A_104 = arith.constant 0 : i32
      %dma_wait3A_105 = arith.constant 0 : i32
      %dma_wait3A_106 = tpu.memref_slice %arg2[%dma_wait3A_104, %dma_wait3A_105] : memref<10240x128xf32, #tpu.memory_space<hbm>> -> memref<10240x128xf32, #tpu.memory_space<hbm>>
      tpu.wait_indirect_dma semaphore(%arg15 : memref<!tpu.dma_semaphore, #tpu.memory_space<semaphore_mem>>) src(%dma_wait3A_106 : memref<10240x128xf32, #tpu.memory_space<hbm>>) dst(%arg13 : memref<128x128xf32, #tpu.memory_space<vmem>>)
      %dma_start3A_107 = arith.constant 0 : i32
      %dma_start3A_108 = arith.constant 0 : i32
      %dma_start3A_109 = tpu.memref_slice %arg7[%dma_start3A_107, %dma_start3A_108] : memref<10240x128xf32, #tpu.memory_space<vmem_shared>> -> memref<10240x128xf32, #tpu.memory_space<vmem_shared>>
      tpu.enqueue_indirect_dma source(%arg13 : memref<128x128xf32, #tpu.memory_space<vmem>>) target(%dma_start3A_109 : memref<10240x128xf32, #tpu.memory_space<vmem_shared>>) offsets(%arg11 : memref<128xi32, #tpu.memory_space<vmem>>) semaphore(%arg17 : memref<!tpu.dma_semaphore, #tpu.memory_space<semaphore_mem>>) {add = true}
      %add3A_110 = arith.addi %mul3A_7, %add3A_92 : i32
      %add3A_111 = arith.constant 2 : i32
      %add3A_112 = arith.addi %add3A_110, %add3A_111 : i32
      %min3A_113 = arith.constant 2559 : i32
      %min3A_114 = arith.minsi %add3A_112, %min3A_113 : i32
      %lt3A_115 = arith.constant 2500 : i32
      %lt3A_116 = arith.cmpi slt, %min3A_114, %lt3A_115 : i32
      %convert_element_type3A_117 = arith.extui %lt3A_116 : i1 to i32
      %cond3A_118 = arith.constant 0 : i32
      %cond3A_119 = arith.cmpi ne, %convert_element_type3A_117, %cond3A_118 : i32
      scf.if %cond3A_119 {
        %run_scoped3A = arith.constant 0 : i32
        "tpu.region"() ({
          %run_scoped3A_135 = tpu.sem_alloc : memref<!tpu.dma_semaphore, #tpu.memory_space<semaphore_mem>>
          %dma_start3A_136 = arith.constant 0 : i32
          %dma_start3A_137 = tpu.memref_slice %arg3[%run_scoped3A, %min3A_114, %dma_start3A_136] : memref<2x2500x128xi32, #tpu.memory_space<hbm>> -> memref<1x1x128xi32, #tpu.memory_space<hbm>>
          %dma_start3A_138 = tpu.memref_squeeze %dma_start3A_137 : memref<1x1x128xi32, #tpu.memory_space<hbm>> -> memref<128xi32, #tpu.memory_space<hbm>>
          %dma_start3A_139 = arith.constant 0 : i32
          %dma_start3A_140 = tpu.memref_slice %arg3[%run_scoped3A, %min3A_114, %dma_start3A_139] : memref<2x2500x128xi32, #tpu.memory_space<hbm>> -> memref<1x1x128xi32, #tpu.memory_space<hbm>>
          %dma_start3A_141 = tpu.memref_squeeze %dma_start3A_140 : memref<1x1x128xi32, #tpu.memory_space<hbm>> -> memref<128xi32, #tpu.memory_space<hbm>>
          tpu.enqueue_dma source(%dma_start3A_141 : memref<128xi32, #tpu.memory_space<hbm>>) target(%arg9 : memref<128xi32, #tpu.memory_space<vmem>>) target_semaphore(%run_scoped3A_135 : memref<!tpu.dma_semaphore, #tpu.memory_space<semaphore_mem>>)
          %dma_wait3A_142 = arith.constant 0 : i32
          %dma_wait3A_143 = tpu.memref_slice %arg3[%run_scoped3A, %min3A_114, %dma_wait3A_142] : memref<2x2500x128xi32, #tpu.memory_space<hbm>> -> memref<1x1x128xi32, #tpu.memory_space<hbm>>
          %dma_wait3A_144 = tpu.memref_squeeze %dma_wait3A_143 : memref<1x1x128xi32, #tpu.memory_space<hbm>> -> memref<128xi32, #tpu.memory_space<hbm>>
          %dma_wait3A_145 = arith.constant 0 : i32
          %dma_wait3A_146 = tpu.memref_slice %arg3[%run_scoped3A, %min3A_114, %dma_wait3A_145] : memref<2x2500x128xi32, #tpu.memory_space<hbm>> -> memref<1x1x128xi32, #tpu.memory_space<hbm>>
          %dma_wait3A_147 = tpu.memref_squeeze %dma_wait3A_146 : memref<1x1x128xi32, #tpu.memory_space<hbm>> -> memref<128xi32, #tpu.memory_space<hbm>>
          tpu.wait_dma2 semaphore(%run_scoped3A_135 : memref<!tpu.dma_semaphore, #tpu.memory_space<semaphore_mem>>) src(%dma_wait3A_147 : memref<128xi32, #tpu.memory_space<hbm>>) dst(%arg9 : memref<128xi32, #tpu.memory_space<vmem>>)
          tpu.yield
        }) : () -> ()
      } else {
      }
      %ge3A_120 = arith.constant 2500 : i32
      %ge3A_121 = arith.cmpi sge, %min3A_114, %ge3A_120 : i32
      %convert_element_type3A_122 = arith.extui %ge3A_121 : i1 to i32
      %cond3A_123 = arith.constant 0 : i32
      %cond3A_124 = arith.cmpi ne, %convert_element_type3A_122, %cond3A_123 : i32
      scf.if %cond3A_124 {
        %sub3A = arith.constant 2500 : i32
        %sub3A_135 = arith.subi %min3A_114, %sub3A : i32
        %run_scoped3A = arith.constant 0 : i32
        "tpu.region"() ({
          %run_scoped3A_136 = tpu.sem_alloc : memref<!tpu.dma_semaphore, #tpu.memory_space<semaphore_mem>>
          %dma_start3A_137 = arith.constant 0 : i32
          %dma_start3A_138 = tpu.memref_slice %arg4[%run_scoped3A, %sub3A_135, %dma_start3A_137] : memref<2x60x128xi32, #tpu.memory_space<hbm>> -> memref<1x1x128xi32, #tpu.memory_space<hbm>>
          %dma_start3A_139 = tpu.memref_squeeze %dma_start3A_138 : memref<1x1x128xi32, #tpu.memory_space<hbm>> -> memref<128xi32, #tpu.memory_space<hbm>>
          %dma_start3A_140 = arith.constant 0 : i32
          %dma_start3A_141 = tpu.memref_slice %arg4[%run_scoped3A, %sub3A_135, %dma_start3A_140] : memref<2x60x128xi32, #tpu.memory_space<hbm>> -> memref<1x1x128xi32, #tpu.memory_space<hbm>>
          %dma_start3A_142 = tpu.memref_squeeze %dma_start3A_141 : memref<1x1x128xi32, #tpu.memory_space<hbm>> -> memref<128xi32, #tpu.memory_space<hbm>>
          tpu.enqueue_dma source(%dma_start3A_142 : memref<128xi32, #tpu.memory_space<hbm>>) target(%arg9 : memref<128xi32, #tpu.memory_space<vmem>>) target_semaphore(%run_scoped3A_136 : memref<!tpu.dma_semaphore, #tpu.memory_space<semaphore_mem>>)
          %dma_wait3A_143 = arith.constant 0 : i32
          %dma_wait3A_144 = tpu.memref_slice %arg4[%run_scoped3A, %sub3A_135, %dma_wait3A_143] : memref<2x60x128xi32, #tpu.memory_space<hbm>> -> memref<1x1x128xi32, #tpu.memory_space<hbm>>
          %dma_wait3A_145 = tpu.memref_squeeze %dma_wait3A_144 : memref<1x1x128xi32, #tpu.memory_space<hbm>> -> memref<128xi32, #tpu.memory_space<hbm>>
          %dma_wait3A_146 = arith.constant 0 : i32
          %dma_wait3A_147 = tpu.memref_slice %arg4[%run_scoped3A, %sub3A_135, %dma_wait3A_146] : memref<2x60x128xi32, #tpu.memory_space<hbm>> -> memref<1x1x128xi32, #tpu.memory_space<hbm>>
          %dma_wait3A_148 = tpu.memref_squeeze %dma_wait3A_147 : memref<1x1x128xi32, #tpu.memory_space<hbm>> -> memref<128xi32, #tpu.memory_space<hbm>>
          tpu.wait_dma2 semaphore(%run_scoped3A_136 : memref<!tpu.dma_semaphore, #tpu.memory_space<semaphore_mem>>) src(%dma_wait3A_148 : memref<128xi32, #tpu.memory_space<hbm>>) dst(%arg9 : memref<128xi32, #tpu.memory_space<vmem>>)
          tpu.yield
        }) : () -> ()
      } else {
      }
      %dma_wait3A_125 = arith.constant 0 : i32
      %dma_wait3A_126 = arith.constant 0 : i32
      %dma_wait3A_127 = tpu.memref_slice %arg7[%dma_wait3A_125, %dma_wait3A_126] : memref<10240x128xf32, #tpu.memory_space<vmem_shared>> -> memref<10240x128xf32, #tpu.memory_space<vmem_shared>>
      tpu.wait_indirect_dma semaphore(%arg17 : memref<!tpu.dma_semaphore, #tpu.memory_space<semaphore_mem>>) src(%arg13 : memref<128x128xf32, #tpu.memory_space<vmem>>) dst(%dma_wait3A_127 : memref<10240x128xf32, #tpu.memory_space<vmem_shared>>)
      %add3A_128 = arith.constant 2 : i32
      %add3A_129 = arith.addi %add3A_92, %add3A_128 : i32
      %lt3A_130 = arith.constant 80 : i32
      %lt3A_131 = arith.cmpi slt, %add3A_129, %lt3A_130 : i32
      %convert_element_type3A_132 = arith.extui %lt3A_131 : i1 to i32
      %cond3A_133 = arith.constant 0 : i32
      %cond3A_134 = arith.cmpi ne, %convert_element_type3A_132, %cond3A_133 : i32
      scf.if %cond3A_134 {
        %dma_start3A_135 = arith.constant 0 : i32
        %dma_start3A_136 = arith.constant 0 : i32
        %dma_start3A_137 = tpu.memref_slice %arg2[%dma_start3A_135, %dma_start3A_136] : memref<10240x128xf32, #tpu.memory_space<hbm>> -> memref<10240x128xf32, #tpu.memory_space<hbm>>
        tpu.enqueue_indirect_dma source(%dma_start3A_137 : memref<10240x128xf32, #tpu.memory_space<hbm>>) target(%arg13 : memref<128x128xf32, #tpu.memory_space<vmem>>) offsets(%arg9 : memref<128xi32, #tpu.memory_space<vmem>>) semaphore(%arg15 : memref<!tpu.dma_semaphore, #tpu.memory_space<semaphore_mem>>)
      } else {
      }
    }
    %scan3A_38 = arith.constant 40 : i32
    %barrier3A_39 = arith.constant 0 : index
    tpu.barrier barrier_id(%barrier3A_39)
    %mul3A_40 = arith.constant 640 : i32
    %mul3A_41 = arith.muli %arg1, %mul3A_40 : i32
    %mul3A_42 = arith.constant 640 : i32
    %mul3A_43 = arith.muli %arg1, %mul3A_42 : i32
    "tpu.region"() ({
      %run_scoped3A = tpu.sem_alloc : memref<!tpu.dma_semaphore, #tpu.memory_space<semaphore_mem>>
      %dma_start3A_44 = arith.constant 0 : i32
      %dma_start3A_45 = tpu.memref_slice %arg6[%arg0, %mul3A_43, %dma_start3A_44] : memref<2x10240x128xf32, #tpu.memory_space<hbm>> -> memref<1x640x128xf32, #tpu.memory_space<hbm>>
      %dma_start3A_46 = tpu.memref_squeeze %dma_start3A_45 : memref<1x640x128xf32, #tpu.memory_space<hbm>> -> memref<640x128xf32, #tpu.memory_space<hbm>>
      %dma_start3A_47 = arith.constant 0 : i32
      %dma_start3A_48 = tpu.memref_slice %arg7[%mul3A_41, %dma_start3A_47] : memref<10240x128xf32, #tpu.memory_space<vmem_shared>> -> memref<640x128xf32, #tpu.memory_space<vmem_shared>>
      tpu.enqueue_dma source(%dma_start3A_48 : memref<640x128xf32, #tpu.memory_space<vmem_shared>>) target(%dma_start3A_46 : memref<640x128xf32, #tpu.memory_space<hbm>>) target_semaphore(%run_scoped3A : memref<!tpu.dma_semaphore, #tpu.memory_space<semaphore_mem>>)
      %dma_wait3A = arith.constant 0 : i32
      %dma_wait3A_49 = tpu.memref_slice %arg6[%arg0, %mul3A_43, %dma_wait3A] : memref<2x10240x128xf32, #tpu.memory_space<hbm>> -> memref<1x640x128xf32, #tpu.memory_space<hbm>>
      %dma_wait3A_50 = tpu.memref_squeeze %dma_wait3A_49 : memref<1x640x128xf32, #tpu.memory_space<hbm>> -> memref<640x128xf32, #tpu.memory_space<hbm>>
      %dma_wait3A_51 = arith.constant 0 : i32
      %dma_wait3A_52 = tpu.memref_slice %arg7[%mul3A_41, %dma_wait3A_51] : memref<10240x128xf32, #tpu.memory_space<vmem_shared>> -> memref<640x128xf32, #tpu.memory_space<vmem_shared>>
      tpu.wait_dma2 semaphore(%run_scoped3A : memref<!tpu.dma_semaphore, #tpu.memory_space<semaphore_mem>>) src(%dma_wait3A_52 : memref<640x128xf32, #tpu.memory_space<vmem_shared>>) dst(%dma_wait3A_50 : memref<640x128xf32, #tpu.memory_space<hbm>>)
      tpu.yield
    }) : () -> ()
    return
  }
}

#map = affine_map<(d0, d1) -> (0, 0)>
#map1 = affine_map<(d0, d1) -> (0, 0, 0)>
module attributes {stable_mosaic.version = 14 : i64} {
  func.func @body(%arg0: i32, %arg1: i32, %arg2: memref<10240x64xf32, #tpu.memory_space<hbm>>, %arg3: memref<2x2500x128xi32, #tpu.memory_space<hbm>>, %arg4: memref<2x60x128xi32, #tpu.memory_space<hbm>>, %arg5: memref<128x64xf32, #tpu.memory_space<hbm>>, %arg6: memref<2x10240x64xf32, #tpu.memory_space<hbm>>, %arg7: memref<10240x64xf32, #tpu.memory_space<vmem_shared>>, %arg8: memref<128xi32, #tpu.memory_space<vmem>>, %arg9: memref<128xi32, #tpu.memory_space<vmem>>, %arg10: memref<128xi32, #tpu.memory_space<vmem>>, %arg11: memref<128xi32, #tpu.memory_space<vmem>>, %arg12: memref<128x64xf32, #tpu.memory_space<vmem>>, %arg13: memref<128x64xf32, #tpu.memory_space<vmem>>, %arg14: memref<!tpu.dma_semaphore, #tpu.memory_space<semaphore_mem>>, %arg15: memref<!tpu.dma_semaphore, #tpu.memory_space<semaphore_mem>>, %arg16: memref<!tpu.dma_semaphore, #tpu.memory_space<semaphore_mem>>, %arg17: memref<!tpu.dma_semaphore, #tpu.memory_space<semaphore_mem>>) attributes {dimension_semantics = [#tpu.dimension_semantics<core_parallel>, #tpu.dimension_semantics<subcore_parallel>], iteration_bounds = array<i64: 2, 16>, scalar_prefetch = 0 : i64, scratch_operands = 11 : i64, tpu.core_type = #tpu.core_type<sc_vector_subcore>, window_params = [{transform_indices = #map}, {transform_indices = #map1}, {transform_indices = #map1}, {transform_indices = #map}, {transform_indices = #map1}]} {
    %mul3A = arith.constant 16 : i32
    %mul3A_0 = arith.muli %arg0, %mul3A : i32
    %add3A = arith.addi %mul3A_0, %arg1 : i32
    %scan3A = arith.constant 0 : i32
    %scan3A_1 = arith.constant 0 : i32
    %scan3A_2 = arith.constant 5 : i32
    %scan3A_3 = arith.addi %scan3A_1, %scan3A_2 : i32
    %scan3A_4 = arith.constant 1 : i32
    scf.for %scan3A_44 = %scan3A_1 to %scan3A_3 step %scan3A_4  : i32 {
      %mul3A_45 = arith.constant 640 : i32
      %mul3A_46 = arith.muli %arg1, %mul3A_45 : i32
      %mul3A_47 = arith.constant 128 : i32
      %mul3A_48 = arith.muli %scan3A_44, %mul3A_47 : i32
      %add3A_49 = arith.addi %mul3A_46, %mul3A_48 : i32
      "tpu.region"() ({
        %run_scoped3A = tpu.sem_alloc : memref<!tpu.dma_semaphore, #tpu.memory_space<semaphore_mem>>
        %dma_start3A_50 = arith.constant 0 : i32
        %dma_start3A_51 = tpu.memref_slice %arg7[%add3A_49, %dma_start3A_50] : memref<10240x64xf32, #tpu.memory_space<vmem_shared>> -> memref<128x64xf32, #tpu.memory_space<vmem_shared>>
        tpu.enqueue_dma source(%arg5 : memref<128x64xf32, #tpu.memory_space<hbm>>) target(%dma_start3A_51 : memref<128x64xf32, #tpu.memory_space<vmem_shared>>) target_semaphore(%run_scoped3A : memref<!tpu.dma_semaphore, #tpu.memory_space<semaphore_mem>>)
        %dma_wait3A = arith.constant 0 : i32
        %dma_wait3A_52 = tpu.memref_slice %arg7[%add3A_49, %dma_wait3A] : memref<10240x64xf32, #tpu.memory_space<vmem_shared>> -> memref<128x64xf32, #tpu.memory_space<vmem_shared>>
        tpu.wait_dma2 semaphore(%run_scoped3A : memref<!tpu.dma_semaphore, #tpu.memory_space<semaphore_mem>>) src(%arg5 : memref<128x64xf32, #tpu.memory_space<hbm>>) dst(%dma_wait3A_52 : memref<128x64xf32, #tpu.memory_space<vmem_shared>>)
        tpu.yield
      }) : () -> ()
    }
    %scan3A_5 = arith.constant 5 : i32
    %barrier3A = arith.constant 0 : index
    tpu.barrier barrier_id(%barrier3A)
    %mul3A_6 = arith.constant 80 : i32
    %mul3A_7 = arith.muli %add3A, %mul3A_6 : i32
    %add3A_8 = arith.constant 0 : i32
    %add3A_9 = arith.addi %mul3A_7, %add3A_8 : i32
    %lt3A = arith.constant 2500 : i32
    %lt3A_10 = arith.cmpi slt, %add3A_9, %lt3A : i32
    %convert_element_type3A = arith.extui %lt3A_10 : i1 to i32
    %cond3A = arith.constant 0 : i32
    %cond3A_11 = arith.cmpi ne, %convert_element_type3A, %cond3A : i32
    scf.if %cond3A_11 {
      %run_scoped3A = arith.constant 0 : i32
      "tpu.region"() ({
        %run_scoped3A_44 = tpu.sem_alloc : memref<!tpu.dma_semaphore, #tpu.memory_space<semaphore_mem>>
        %dma_start3A_45 = arith.constant 0 : i32
        %dma_start3A_46 = tpu.memref_slice %arg3[%run_scoped3A, %add3A_9, %dma_start3A_45] : memref<2x2500x128xi32, #tpu.memory_space<hbm>> -> memref<1x1x128xi32, #tpu.memory_space<hbm>>
        %dma_start3A_47 = tpu.memref_squeeze %dma_start3A_46 : memref<1x1x128xi32, #tpu.memory_space<hbm>> -> memref<128xi32, #tpu.memory_space<hbm>>
        %dma_start3A_48 = arith.constant 0 : i32
        %dma_start3A_49 = tpu.memref_slice %arg3[%run_scoped3A, %add3A_9, %dma_start3A_48] : memref<2x2500x128xi32, #tpu.memory_space<hbm>> -> memref<1x1x128xi32, #tpu.memory_space<hbm>>
        %dma_start3A_50 = tpu.memref_squeeze %dma_start3A_49 : memref<1x1x128xi32, #tpu.memory_space<hbm>> -> memref<128xi32, #tpu.memory_space<hbm>>
        tpu.enqueue_dma source(%dma_start3A_50 : memref<128xi32, #tpu.memory_space<hbm>>) target(%arg8 : memref<128xi32, #tpu.memory_space<vmem>>) target_semaphore(%run_scoped3A_44 : memref<!tpu.dma_semaphore, #tpu.memory_space<semaphore_mem>>)
        %dma_wait3A = arith.constant 0 : i32
        %dma_wait3A_51 = tpu.memref_slice %arg3[%run_scoped3A, %add3A_9, %dma_wait3A] : memref<2x2500x128xi32, #tpu.memory_space<hbm>> -> memref<1x1x128xi32, #tpu.memory_space<hbm>>
        %dma_wait3A_52 = tpu.memref_squeeze %dma_wait3A_51 : memref<1x1x128xi32, #tpu.memory_space<hbm>> -> memref<128xi32, #tpu.memory_space<hbm>>
        %dma_wait3A_53 = arith.constant 0 : i32
        %dma_wait3A_54 = tpu.memref_slice %arg3[%run_scoped3A, %add3A_9, %dma_wait3A_53] : memref<2x2500x128xi32, #tpu.memory_space<hbm>> -> memref<1x1x128xi32, #tpu.memory_space<hbm>>
        %dma_wait3A_55 = tpu.memref_squeeze %dma_wait3A_54 : memref<1x1x128xi32, #tpu.memory_space<hbm>> -> memref<128xi32, #tpu.memory_space<hbm>>
        tpu.wait_dma2 semaphore(%run_scoped3A_44 : memref<!tpu.dma_semaphore, #tpu.memory_space<semaphore_mem>>) src(%dma_wait3A_55 : memref<128xi32, #tpu.memory_space<hbm>>) dst(%arg8 : memref<128xi32, #tpu.memory_space<vmem>>)
        tpu.yield
      }) : () -> ()
    } else {
    }
    %ge3A = arith.constant 2500 : i32
    %ge3A_12 = arith.cmpi sge, %add3A_9, %ge3A : i32
    %convert_element_type3A_13 = arith.extui %ge3A_12 : i1 to i32
    %cond3A_14 = arith.constant 0 : i32
    %cond3A_15 = arith.cmpi ne, %convert_element_type3A_13, %cond3A_14 : i32
    scf.if %cond3A_15 {
      %sub3A = arith.constant 2500 : i32
      %sub3A_44 = arith.subi %add3A_9, %sub3A : i32
      %run_scoped3A = arith.constant 0 : i32
      "tpu.region"() ({
        %run_scoped3A_45 = tpu.sem_alloc : memref<!tpu.dma_semaphore, #tpu.memory_space<semaphore_mem>>
        %dma_start3A_46 = arith.constant 0 : i32
        %dma_start3A_47 = tpu.memref_slice %arg4[%run_scoped3A, %sub3A_44, %dma_start3A_46] : memref<2x60x128xi32, #tpu.memory_space<hbm>> -> memref<1x1x128xi32, #tpu.memory_space<hbm>>
        %dma_start3A_48 = tpu.memref_squeeze %dma_start3A_47 : memref<1x1x128xi32, #tpu.memory_space<hbm>> -> memref<128xi32, #tpu.memory_space<hbm>>
        %dma_start3A_49 = arith.constant 0 : i32
        %dma_start3A_50 = tpu.memref_slice %arg4[%run_scoped3A, %sub3A_44, %dma_start3A_49] : memref<2x60x128xi32, #tpu.memory_space<hbm>> -> memref<1x1x128xi32, #tpu.memory_space<hbm>>
        %dma_start3A_51 = tpu.memref_squeeze %dma_start3A_50 : memref<1x1x128xi32, #tpu.memory_space<hbm>> -> memref<128xi32, #tpu.memory_space<hbm>>
        tpu.enqueue_dma source(%dma_start3A_51 : memref<128xi32, #tpu.memory_space<hbm>>) target(%arg8 : memref<128xi32, #tpu.memory_space<vmem>>) target_semaphore(%run_scoped3A_45 : memref<!tpu.dma_semaphore, #tpu.memory_space<semaphore_mem>>)
        %dma_wait3A = arith.constant 0 : i32
        %dma_wait3A_52 = tpu.memref_slice %arg4[%run_scoped3A, %sub3A_44, %dma_wait3A] : memref<2x60x128xi32, #tpu.memory_space<hbm>> -> memref<1x1x128xi32, #tpu.memory_space<hbm>>
        %dma_wait3A_53 = tpu.memref_squeeze %dma_wait3A_52 : memref<1x1x128xi32, #tpu.memory_space<hbm>> -> memref<128xi32, #tpu.memory_space<hbm>>
        %dma_wait3A_54 = arith.constant 0 : i32
        %dma_wait3A_55 = tpu.memref_slice %arg4[%run_scoped3A, %sub3A_44, %dma_wait3A_54] : memref<2x60x128xi32, #tpu.memory_space<hbm>> -> memref<1x1x128xi32, #tpu.memory_space<hbm>>
        %dma_wait3A_56 = tpu.memref_squeeze %dma_wait3A_55 : memref<1x1x128xi32, #tpu.memory_space<hbm>> -> memref<128xi32, #tpu.memory_space<hbm>>
        tpu.wait_dma2 semaphore(%run_scoped3A_45 : memref<!tpu.dma_semaphore, #tpu.memory_space<semaphore_mem>>) src(%dma_wait3A_56 : memref<128xi32, #tpu.memory_space<hbm>>) dst(%arg8 : memref<128xi32, #tpu.memory_space<vmem>>)
        tpu.yield
      }) : () -> ()
    } else {
    }
    %dma_start3A = arith.constant 0 : i32
    %dma_start3A_16 = arith.constant 0 : i32
    %dma_start3A_17 = tpu.memref_slice %arg2[%dma_start3A, %dma_start3A_16] : memref<10240x64xf32, #tpu.memory_space<hbm>> -> memref<10240x64xf32, #tpu.memory_space<hbm>>
    tpu.enqueue_indirect_dma source(%dma_start3A_17 : memref<10240x64xf32, #tpu.memory_space<hbm>>) target(%arg12 : memref<128x64xf32, #tpu.memory_space<vmem>>) offsets(%arg8 : memref<128xi32, #tpu.memory_space<vmem>>) semaphore(%arg14 : memref<!tpu.dma_semaphore, #tpu.memory_space<semaphore_mem>>)
    %add3A_18 = arith.constant 1 : i32
    %add3A_19 = arith.addi %mul3A_7, %add3A_18 : i32
    %lt3A_20 = arith.constant 2500 : i32
    %lt3A_21 = arith.cmpi slt, %add3A_19, %lt3A_20 : i32
    %convert_element_type3A_22 = arith.extui %lt3A_21 : i1 to i32
    %cond3A_23 = arith.constant 0 : i32
    %cond3A_24 = arith.cmpi ne, %convert_element_type3A_22, %cond3A_23 : i32
    scf.if %cond3A_24 {
      %run_scoped3A = arith.constant 0 : i32
      "tpu.region"() ({
        %run_scoped3A_44 = tpu.sem_alloc : memref<!tpu.dma_semaphore, #tpu.memory_space<semaphore_mem>>
        %dma_start3A_45 = arith.constant 0 : i32
        %dma_start3A_46 = tpu.memref_slice %arg3[%run_scoped3A, %add3A_19, %dma_start3A_45] : memref<2x2500x128xi32, #tpu.memory_space<hbm>> -> memref<1x1x128xi32, #tpu.memory_space<hbm>>
        %dma_start3A_47 = tpu.memref_squeeze %dma_start3A_46 : memref<1x1x128xi32, #tpu.memory_space<hbm>> -> memref<128xi32, #tpu.memory_space<hbm>>
        %dma_start3A_48 = arith.constant 0 : i32
        %dma_start3A_49 = tpu.memref_slice %arg3[%run_scoped3A, %add3A_19, %dma_start3A_48] : memref<2x2500x128xi32, #tpu.memory_space<hbm>> -> memref<1x1x128xi32, #tpu.memory_space<hbm>>
        %dma_start3A_50 = tpu.memref_squeeze %dma_start3A_49 : memref<1x1x128xi32, #tpu.memory_space<hbm>> -> memref<128xi32, #tpu.memory_space<hbm>>
        tpu.enqueue_dma source(%dma_start3A_50 : memref<128xi32, #tpu.memory_space<hbm>>) target(%arg9 : memref<128xi32, #tpu.memory_space<vmem>>) target_semaphore(%run_scoped3A_44 : memref<!tpu.dma_semaphore, #tpu.memory_space<semaphore_mem>>)
        %dma_wait3A = arith.constant 0 : i32
        %dma_wait3A_51 = tpu.memref_slice %arg3[%run_scoped3A, %add3A_19, %dma_wait3A] : memref<2x2500x128xi32, #tpu.memory_space<hbm>> -> memref<1x1x128xi32, #tpu.memory_space<hbm>>
        %dma_wait3A_52 = tpu.memref_squeeze %dma_wait3A_51 : memref<1x1x128xi32, #tpu.memory_space<hbm>> -> memref<128xi32, #tpu.memory_space<hbm>>
        %dma_wait3A_53 = arith.constant 0 : i32
        %dma_wait3A_54 = tpu.memref_slice %arg3[%run_scoped3A, %add3A_19, %dma_wait3A_53] : memref<2x2500x128xi32, #tpu.memory_space<hbm>> -> memref<1x1x128xi32, #tpu.memory_space<hbm>>
        %dma_wait3A_55 = tpu.memref_squeeze %dma_wait3A_54 : memref<1x1x128xi32, #tpu.memory_space<hbm>> -> memref<128xi32, #tpu.memory_space<hbm>>
        tpu.wait_dma2 semaphore(%run_scoped3A_44 : memref<!tpu.dma_semaphore, #tpu.memory_space<semaphore_mem>>) src(%dma_wait3A_55 : memref<128xi32, #tpu.memory_space<hbm>>) dst(%arg9 : memref<128xi32, #tpu.memory_space<vmem>>)
        tpu.yield
      }) : () -> ()
    } else {
    }
    %ge3A_25 = arith.constant 2500 : i32
    %ge3A_26 = arith.cmpi sge, %add3A_19, %ge3A_25 : i32
    %convert_element_type3A_27 = arith.extui %ge3A_26 : i1 to i32
    %cond3A_28 = arith.constant 0 : i32
    %cond3A_29 = arith.cmpi ne, %convert_element_type3A_27, %cond3A_28 : i32
    scf.if %cond3A_29 {
      %sub3A = arith.constant 2500 : i32
      %sub3A_44 = arith.subi %add3A_19, %sub3A : i32
      %run_scoped3A = arith.constant 0 : i32
      "tpu.region"() ({
        %run_scoped3A_45 = tpu.sem_alloc : memref<!tpu.dma_semaphore, #tpu.memory_space<semaphore_mem>>
        %dma_start3A_46 = arith.constant 0 : i32
        %dma_start3A_47 = tpu.memref_slice %arg4[%run_scoped3A, %sub3A_44, %dma_start3A_46] : memref<2x60x128xi32, #tpu.memory_space<hbm>> -> memref<1x1x128xi32, #tpu.memory_space<hbm>>
        %dma_start3A_48 = tpu.memref_squeeze %dma_start3A_47 : memref<1x1x128xi32, #tpu.memory_space<hbm>> -> memref<128xi32, #tpu.memory_space<hbm>>
        %dma_start3A_49 = arith.constant 0 : i32
        %dma_start3A_50 = tpu.memref_slice %arg4[%run_scoped3A, %sub3A_44, %dma_start3A_49] : memref<2x60x128xi32, #tpu.memory_space<hbm>> -> memref<1x1x128xi32, #tpu.memory_space<hbm>>
        %dma_start3A_51 = tpu.memref_squeeze %dma_start3A_50 : memref<1x1x128xi32, #tpu.memory_space<hbm>> -> memref<128xi32, #tpu.memory_space<hbm>>
        tpu.enqueue_dma source(%dma_start3A_51 : memref<128xi32, #tpu.memory_space<hbm>>) target(%arg9 : memref<128xi32, #tpu.memory_space<vmem>>) target_semaphore(%run_scoped3A_45 : memref<!tpu.dma_semaphore, #tpu.memory_space<semaphore_mem>>)
        %dma_wait3A = arith.constant 0 : i32
        %dma_wait3A_52 = tpu.memref_slice %arg4[%run_scoped3A, %sub3A_44, %dma_wait3A] : memref<2x60x128xi32, #tpu.memory_space<hbm>> -> memref<1x1x128xi32, #tpu.memory_space<hbm>>
        %dma_wait3A_53 = tpu.memref_squeeze %dma_wait3A_52 : memref<1x1x128xi32, #tpu.memory_space<hbm>> -> memref<128xi32, #tpu.memory_space<hbm>>
        %dma_wait3A_54 = arith.constant 0 : i32
        %dma_wait3A_55 = tpu.memref_slice %arg4[%run_scoped3A, %sub3A_44, %dma_wait3A_54] : memref<2x60x128xi32, #tpu.memory_space<hbm>> -> memref<1x1x128xi32, #tpu.memory_space<hbm>>
        %dma_wait3A_56 = tpu.memref_squeeze %dma_wait3A_55 : memref<1x1x128xi32, #tpu.memory_space<hbm>> -> memref<128xi32, #tpu.memory_space<hbm>>
        tpu.wait_dma2 semaphore(%run_scoped3A_45 : memref<!tpu.dma_semaphore, #tpu.memory_space<semaphore_mem>>) src(%dma_wait3A_56 : memref<128xi32, #tpu.memory_space<hbm>>) dst(%arg9 : memref<128xi32, #tpu.memory_space<vmem>>)
        tpu.yield
      }) : () -> ()
    } else {
    }
    %dma_start3A_30 = arith.constant 0 : i32
    %dma_start3A_31 = arith.constant 0 : i32
    %dma_start3A_32 = tpu.memref_slice %arg2[%dma_start3A_30, %dma_start3A_31] : memref<10240x64xf32, #tpu.memory_space<hbm>> -> memref<10240x64xf32, #tpu.memory_space<hbm>>
    tpu.enqueue_indirect_dma source(%dma_start3A_32 : memref<10240x64xf32, #tpu.memory_space<hbm>>) target(%arg13 : memref<128x64xf32, #tpu.memory_space<vmem>>) offsets(%arg9 : memref<128xi32, #tpu.memory_space<vmem>>) semaphore(%arg15 : memref<!tpu.dma_semaphore, #tpu.memory_space<semaphore_mem>>)
    %scan3A_33 = arith.constant 0 : i32
    %scan3A_34 = arith.constant 0 : i32
    %scan3A_35 = arith.constant 40 : i32
    %scan3A_36 = arith.addi %scan3A_34, %scan3A_35 : i32
    %scan3A_37 = arith.constant 1 : i32
    scf.for %scan3A_44 = %scan3A_34 to %scan3A_36 step %scan3A_37  : i32 {
      %mul3A_45 = arith.constant 2 : i32
      %mul3A_46 = arith.muli %mul3A_45, %scan3A_44 : i32
      %add3A_47 = arith.constant 0 : i32
      %add3A_48 = arith.addi %mul3A_46, %add3A_47 : i32
      %add3A_49 = arith.addi %mul3A_7, %add3A_48 : i32
      %lt3A_50 = arith.constant 2500 : i32
      %lt3A_51 = arith.cmpi slt, %add3A_49, %lt3A_50 : i32
      %convert_element_type3A_52 = arith.extui %lt3A_51 : i1 to i32
      %cond3A_53 = arith.constant 0 : i32
      %cond3A_54 = arith.cmpi ne, %convert_element_type3A_52, %cond3A_53 : i32
      scf.if %cond3A_54 {
        %run_scoped3A = arith.constant 1 : i32
        "tpu.region"() ({
          %run_scoped3A_135 = tpu.sem_alloc : memref<!tpu.dma_semaphore, #tpu.memory_space<semaphore_mem>>
          %dma_start3A_136 = arith.constant 0 : i32
          %dma_start3A_137 = tpu.memref_slice %arg3[%run_scoped3A, %add3A_49, %dma_start3A_136] : memref<2x2500x128xi32, #tpu.memory_space<hbm>> -> memref<1x1x128xi32, #tpu.memory_space<hbm>>
          %dma_start3A_138 = tpu.memref_squeeze %dma_start3A_137 : memref<1x1x128xi32, #tpu.memory_space<hbm>> -> memref<128xi32, #tpu.memory_space<hbm>>
          %dma_start3A_139 = arith.constant 0 : i32
          %dma_start3A_140 = tpu.memref_slice %arg3[%run_scoped3A, %add3A_49, %dma_start3A_139] : memref<2x2500x128xi32, #tpu.memory_space<hbm>> -> memref<1x1x128xi32, #tpu.memory_space<hbm>>
          %dma_start3A_141 = tpu.memref_squeeze %dma_start3A_140 : memref<1x1x128xi32, #tpu.memory_space<hbm>> -> memref<128xi32, #tpu.memory_space<hbm>>
          tpu.enqueue_dma source(%dma_start3A_141 : memref<128xi32, #tpu.memory_space<hbm>>) target(%arg10 : memref<128xi32, #tpu.memory_space<vmem>>) target_semaphore(%run_scoped3A_135 : memref<!tpu.dma_semaphore, #tpu.memory_space<semaphore_mem>>)
          %dma_wait3A_142 = arith.constant 0 : i32
          %dma_wait3A_143 = tpu.memref_slice %arg3[%run_scoped3A, %add3A_49, %dma_wait3A_142] : memref<2x2500x128xi32, #tpu.memory_space<hbm>> -> memref<1x1x128xi32, #tpu.memory_space<hbm>>
          %dma_wait3A_144 = tpu.memref_squeeze %dma_wait3A_143 : memref<1x1x128xi32, #tpu.memory_space<hbm>> -> memref<128xi32, #tpu.memory_space<hbm>>
          %dma_wait3A_145 = arith.constant 0 : i32
          %dma_wait3A_146 = tpu.memref_slice %arg3[%run_scoped3A, %add3A_49, %dma_wait3A_145] : memref<2x2500x128xi32, #tpu.memory_space<hbm>> -> memref<1x1x128xi32, #tpu.memory_space<hbm>>
          %dma_wait3A_147 = tpu.memref_squeeze %dma_wait3A_146 : memref<1x1x128xi32, #tpu.memory_space<hbm>> -> memref<128xi32, #tpu.memory_space<hbm>>
          tpu.wait_dma2 semaphore(%run_scoped3A_135 : memref<!tpu.dma_semaphore, #tpu.memory_space<semaphore_mem>>) src(%dma_wait3A_147 : memref<128xi32, #tpu.memory_space<hbm>>) dst(%arg10 : memref<128xi32, #tpu.memory_space<vmem>>)
          tpu.yield
        }) : () -> ()
      } else {
      }
      %ge3A_55 = arith.constant 2500 : i32
      %ge3A_56 = arith.cmpi sge, %add3A_49, %ge3A_55 : i32
      %convert_element_type3A_57 = arith.extui %ge3A_56 : i1 to i32
      %cond3A_58 = arith.constant 0 : i32
      %cond3A_59 = arith.cmpi ne, %convert_element_type3A_57, %cond3A_58 : i32
      scf.if %cond3A_59 {
        %sub3A = arith.constant 2500 : i32
        %sub3A_135 = arith.subi %add3A_49, %sub3A : i32
        %run_scoped3A = arith.constant 1 : i32
        "tpu.region"() ({
          %run_scoped3A_136 = tpu.sem_alloc : memref<!tpu.dma_semaphore, #tpu.memory_space<semaphore_mem>>
          %dma_start3A_137 = arith.constant 0 : i32
          %dma_start3A_138 = tpu.memref_slice %arg4[%run_scoped3A, %sub3A_135, %dma_start3A_137] : memref<2x60x128xi32, #tpu.memory_space<hbm>> -> memref<1x1x128xi32, #tpu.memory_space<hbm>>
          %dma_start3A_139 = tpu.memref_squeeze %dma_start3A_138 : memref<1x1x128xi32, #tpu.memory_space<hbm>> -> memref<128xi32, #tpu.memory_space<hbm>>
          %dma_start3A_140 = arith.constant 0 : i32
          %dma_start3A_141 = tpu.memref_slice %arg4[%run_scoped3A, %sub3A_135, %dma_start3A_140] : memref<2x60x128xi32, #tpu.memory_space<hbm>> -> memref<1x1x128xi32, #tpu.memory_space<hbm>>
          %dma_start3A_142 = tpu.memref_squeeze %dma_start3A_141 : memref<1x1x128xi32, #tpu.memory_space<hbm>> -> memref<128xi32, #tpu.memory_space<hbm>>
          tpu.enqueue_dma source(%dma_start3A_142 : memref<128xi32, #tpu.memory_space<hbm>>) target(%arg10 : memref<128xi32, #tpu.memory_space<vmem>>) target_semaphore(%run_scoped3A_136 : memref<!tpu.dma_semaphore, #tpu.memory_space<semaphore_mem>>)
          %dma_wait3A_143 = arith.constant 0 : i32
          %dma_wait3A_144 = tpu.memref_slice %arg4[%run_scoped3A, %sub3A_135, %dma_wait3A_143] : memref<2x60x128xi32, #tpu.memory_space<hbm>> -> memref<1x1x128xi32, #tpu.memory_space<hbm>>
          %dma_wait3A_145 = tpu.memref_squeeze %dma_wait3A_144 : memref<1x1x128xi32, #tpu.memory_space<hbm>> -> memref<128xi32, #tpu.memory_space<hbm>>
          %dma_wait3A_146 = arith.constant 0 : i32
          %dma_wait3A_147 = tpu.memref_slice %arg4[%run_scoped3A, %sub3A_135, %dma_wait3A_146] : memref<2x60x128xi32, #tpu.memory_space<hbm>> -> memref<1x1x128xi32, #tpu.memory_space<hbm>>
          %dma_wait3A_148 = tpu.memref_squeeze %dma_wait3A_147 : memref<1x1x128xi32, #tpu.memory_space<hbm>> -> memref<128xi32, #tpu.memory_space<hbm>>
          tpu.wait_dma2 semaphore(%run_scoped3A_136 : memref<!tpu.dma_semaphore, #tpu.memory_space<semaphore_mem>>) src(%dma_wait3A_148 : memref<128xi32, #tpu.memory_space<hbm>>) dst(%arg10 : memref<128xi32, #tpu.memory_space<vmem>>)
          tpu.yield
        }) : () -> ()
      } else {
      }
      %dma_wait3A = arith.constant 0 : i32
      %dma_wait3A_60 = arith.constant 0 : i32
      %dma_wait3A_61 = tpu.memref_slice %arg2[%dma_wait3A, %dma_wait3A_60] : memref<10240x64xf32, #tpu.memory_space<hbm>> -> memref<10240x64xf32, #tpu.memory_space<hbm>>
      tpu.wait_indirect_dma semaphore(%arg14 : memref<!tpu.dma_semaphore, #tpu.memory_space<semaphore_mem>>) src(%dma_wait3A_61 : memref<10240x64xf32, #tpu.memory_space<hbm>>) dst(%arg12 : memref<128x64xf32, #tpu.memory_space<vmem>>)
      %dma_start3A_62 = arith.constant 0 : i32
      %dma_start3A_63 = arith.constant 0 : i32
      %dma_start3A_64 = tpu.memref_slice %arg7[%dma_start3A_62, %dma_start3A_63] : memref<10240x64xf32, #tpu.memory_space<vmem_shared>> -> memref<10240x64xf32, #tpu.memory_space<vmem_shared>>
      tpu.enqueue_indirect_dma source(%arg12 : memref<128x64xf32, #tpu.memory_space<vmem>>) target(%dma_start3A_64 : memref<10240x64xf32, #tpu.memory_space<vmem_shared>>) offsets(%arg10 : memref<128xi32, #tpu.memory_space<vmem>>) semaphore(%arg16 : memref<!tpu.dma_semaphore, #tpu.memory_space<semaphore_mem>>) {add = true}
      %add3A_65 = arith.addi %mul3A_7, %add3A_48 : i32
      %add3A_66 = arith.constant 2 : i32
      %add3A_67 = arith.addi %add3A_65, %add3A_66 : i32
      %min3A = arith.constant 2559 : i32
      %min3A_68 = arith.minsi %add3A_67, %min3A : i32
      %lt3A_69 = arith.constant 2500 : i32
      %lt3A_70 = arith.cmpi slt, %min3A_68, %lt3A_69 : i32
      %convert_element_type3A_71 = arith.extui %lt3A_70 : i1 to i32
      %cond3A_72 = arith.constant 0 : i32
      %cond3A_73 = arith.cmpi ne, %convert_element_type3A_71, %cond3A_72 : i32
      scf.if %cond3A_73 {
        %run_scoped3A = arith.constant 0 : i32
        "tpu.region"() ({
          %run_scoped3A_135 = tpu.sem_alloc : memref<!tpu.dma_semaphore, #tpu.memory_space<semaphore_mem>>
          %dma_start3A_136 = arith.constant 0 : i32
          %dma_start3A_137 = tpu.memref_slice %arg3[%run_scoped3A, %min3A_68, %dma_start3A_136] : memref<2x2500x128xi32, #tpu.memory_space<hbm>> -> memref<1x1x128xi32, #tpu.memory_space<hbm>>
          %dma_start3A_138 = tpu.memref_squeeze %dma_start3A_137 : memref<1x1x128xi32, #tpu.memory_space<hbm>> -> memref<128xi32, #tpu.memory_space<hbm>>
          %dma_start3A_139 = arith.constant 0 : i32
          %dma_start3A_140 = tpu.memref_slice %arg3[%run_scoped3A, %min3A_68, %dma_start3A_139] : memref<2x2500x128xi32, #tpu.memory_space<hbm>> -> memref<1x1x128xi32, #tpu.memory_space<hbm>>
          %dma_start3A_141 = tpu.memref_squeeze %dma_start3A_140 : memref<1x1x128xi32, #tpu.memory_space<hbm>> -> memref<128xi32, #tpu.memory_space<hbm>>
          tpu.enqueue_dma source(%dma_start3A_141 : memref<128xi32, #tpu.memory_space<hbm>>) target(%arg8 : memref<128xi32, #tpu.memory_space<vmem>>) target_semaphore(%run_scoped3A_135 : memref<!tpu.dma_semaphore, #tpu.memory_space<semaphore_mem>>)
          %dma_wait3A_142 = arith.constant 0 : i32
          %dma_wait3A_143 = tpu.memref_slice %arg3[%run_scoped3A, %min3A_68, %dma_wait3A_142] : memref<2x2500x128xi32, #tpu.memory_space<hbm>> -> memref<1x1x128xi32, #tpu.memory_space<hbm>>
          %dma_wait3A_144 = tpu.memref_squeeze %dma_wait3A_143 : memref<1x1x128xi32, #tpu.memory_space<hbm>> -> memref<128xi32, #tpu.memory_space<hbm>>
          %dma_wait3A_145 = arith.constant 0 : i32
          %dma_wait3A_146 = tpu.memref_slice %arg3[%run_scoped3A, %min3A_68, %dma_wait3A_145] : memref<2x2500x128xi32, #tpu.memory_space<hbm>> -> memref<1x1x128xi32, #tpu.memory_space<hbm>>
          %dma_wait3A_147 = tpu.memref_squeeze %dma_wait3A_146 : memref<1x1x128xi32, #tpu.memory_space<hbm>> -> memref<128xi32, #tpu.memory_space<hbm>>
          tpu.wait_dma2 semaphore(%run_scoped3A_135 : memref<!tpu.dma_semaphore, #tpu.memory_space<semaphore_mem>>) src(%dma_wait3A_147 : memref<128xi32, #tpu.memory_space<hbm>>) dst(%arg8 : memref<128xi32, #tpu.memory_space<vmem>>)
          tpu.yield
        }) : () -> ()
      } else {
      }
      %ge3A_74 = arith.constant 2500 : i32
      %ge3A_75 = arith.cmpi sge, %min3A_68, %ge3A_74 : i32
      %convert_element_type3A_76 = arith.extui %ge3A_75 : i1 to i32
      %cond3A_77 = arith.constant 0 : i32
      %cond3A_78 = arith.cmpi ne, %convert_element_type3A_76, %cond3A_77 : i32
      scf.if %cond3A_78 {
        %sub3A = arith.constant 2500 : i32
        %sub3A_135 = arith.subi %min3A_68, %sub3A : i32
        %run_scoped3A = arith.constant 0 : i32
        "tpu.region"() ({
          %run_scoped3A_136 = tpu.sem_alloc : memref<!tpu.dma_semaphore, #tpu.memory_space<semaphore_mem>>
          %dma_start3A_137 = arith.constant 0 : i32
          %dma_start3A_138 = tpu.memref_slice %arg4[%run_scoped3A, %sub3A_135, %dma_start3A_137] : memref<2x60x128xi32, #tpu.memory_space<hbm>> -> memref<1x1x128xi32, #tpu.memory_space<hbm>>
          %dma_start3A_139 = tpu.memref_squeeze %dma_start3A_138 : memref<1x1x128xi32, #tpu.memory_space<hbm>> -> memref<128xi32, #tpu.memory_space<hbm>>
          %dma_start3A_140 = arith.constant 0 : i32
          %dma_start3A_141 = tpu.memref_slice %arg4[%run_scoped3A, %sub3A_135, %dma_start3A_140] : memref<2x60x128xi32, #tpu.memory_space<hbm>> -> memref<1x1x128xi32, #tpu.memory_space<hbm>>
          %dma_start3A_142 = tpu.memref_squeeze %dma_start3A_141 : memref<1x1x128xi32, #tpu.memory_space<hbm>> -> memref<128xi32, #tpu.memory_space<hbm>>
          tpu.enqueue_dma source(%dma_start3A_142 : memref<128xi32, #tpu.memory_space<hbm>>) target(%arg8 : memref<128xi32, #tpu.memory_space<vmem>>) target_semaphore(%run_scoped3A_136 : memref<!tpu.dma_semaphore, #tpu.memory_space<semaphore_mem>>)
          %dma_wait3A_143 = arith.constant 0 : i32
          %dma_wait3A_144 = tpu.memref_slice %arg4[%run_scoped3A, %sub3A_135, %dma_wait3A_143] : memref<2x60x128xi32, #tpu.memory_space<hbm>> -> memref<1x1x128xi32, #tpu.memory_space<hbm>>
          %dma_wait3A_145 = tpu.memref_squeeze %dma_wait3A_144 : memref<1x1x128xi32, #tpu.memory_space<hbm>> -> memref<128xi32, #tpu.memory_space<hbm>>
          %dma_wait3A_146 = arith.constant 0 : i32
          %dma_wait3A_147 = tpu.memref_slice %arg4[%run_scoped3A, %sub3A_135, %dma_wait3A_146] : memref<2x60x128xi32, #tpu.memory_space<hbm>> -> memref<1x1x128xi32, #tpu.memory_space<hbm>>
          %dma_wait3A_148 = tpu.memref_squeeze %dma_wait3A_147 : memref<1x1x128xi32, #tpu.memory_space<hbm>> -> memref<128xi32, #tpu.memory_space<hbm>>
          tpu.wait_dma2 semaphore(%run_scoped3A_136 : memref<!tpu.dma_semaphore, #tpu.memory_space<semaphore_mem>>) src(%dma_wait3A_148 : memref<128xi32, #tpu.memory_space<hbm>>) dst(%arg8 : memref<128xi32, #tpu.memory_space<vmem>>)
          tpu.yield
        }) : () -> ()
      } else {
      }
      %dma_wait3A_79 = arith.constant 0 : i32
      %dma_wait3A_80 = arith.constant 0 : i32
      %dma_wait3A_81 = tpu.memref_slice %arg7[%dma_wait3A_79, %dma_wait3A_80] : memref<10240x64xf32, #tpu.memory_space<vmem_shared>> -> memref<10240x64xf32, #tpu.memory_space<vmem_shared>>
      tpu.wait_indirect_dma semaphore(%arg16 : memref<!tpu.dma_semaphore, #tpu.memory_space<semaphore_mem>>) src(%arg12 : memref<128x64xf32, #tpu.memory_space<vmem>>) dst(%dma_wait3A_81 : memref<10240x64xf32, #tpu.memory_space<vmem_shared>>)
      %add3A_82 = arith.constant 2 : i32
      %add3A_83 = arith.addi %add3A_48, %add3A_82 : i32
      %lt3A_84 = arith.constant 80 : i32
      %lt3A_85 = arith.cmpi slt, %add3A_83, %lt3A_84 : i32
      %convert_element_type3A_86 = arith.extui %lt3A_85 : i1 to i32
      %cond3A_87 = arith.constant 0 : i32
      %cond3A_88 = arith.cmpi ne, %convert_element_type3A_86, %cond3A_87 : i32
      scf.if %cond3A_88 {
        %dma_start3A_135 = arith.constant 0 : i32
        %dma_start3A_136 = arith.constant 0 : i32
        %dma_start3A_137 = tpu.memref_slice %arg2[%dma_start3A_135, %dma_start3A_136] : memref<10240x64xf32, #tpu.memory_space<hbm>> -> memref<10240x64xf32, #tpu.memory_space<hbm>>
        tpu.enqueue_indirect_dma source(%dma_start3A_137 : memref<10240x64xf32, #tpu.memory_space<hbm>>) target(%arg12 : memref<128x64xf32, #tpu.memory_space<vmem>>) offsets(%arg8 : memref<128xi32, #tpu.memory_space<vmem>>) semaphore(%arg14 : memref<!tpu.dma_semaphore, #tpu.memory_space<semaphore_mem>>)
      } else {
      }
      %mul3A_89 = arith.constant 2 : i32
      %mul3A_90 = arith.muli %mul3A_89, %scan3A_44 : i32
      %add3A_91 = arith.constant 1 : i32
      %add3A_92 = arith.addi %mul3A_90, %add3A_91 : i32
      %add3A_93 = arith.addi %mul3A_7, %add3A_92 : i32
      %lt3A_94 = arith.constant 2500 : i32
      %lt3A_95 = arith.cmpi slt, %add3A_93, %lt3A_94 : i32
      %convert_element_type3A_96 = arith.extui %lt3A_95 : i1 to i32
      %cond3A_97 = arith.constant 0 : i32
      %cond3A_98 = arith.cmpi ne, %convert_element_type3A_96, %cond3A_97 : i32
      scf.if %cond3A_98 {
        %run_scoped3A = arith.constant 1 : i32
        "tpu.region"() ({
          %run_scoped3A_135 = tpu.sem_alloc : memref<!tpu.dma_semaphore, #tpu.memory_space<semaphore_mem>>
          %dma_start3A_136 = arith.constant 0 : i32
          %dma_start3A_137 = tpu.memref_slice %arg3[%run_scoped3A, %add3A_93, %dma_start3A_136] : memref<2x2500x128xi32, #tpu.memory_space<hbm>> -> memref<1x1x128xi32, #tpu.memory_space<hbm>>
          %dma_start3A_138 = tpu.memref_squeeze %dma_start3A_137 : memref<1x1x128xi32, #tpu.memory_space<hbm>> -> memref<128xi32, #tpu.memory_space<hbm>>
          %dma_start3A_139 = arith.constant 0 : i32
          %dma_start3A_140 = tpu.memref_slice %arg3[%run_scoped3A, %add3A_93, %dma_start3A_139] : memref<2x2500x128xi32, #tpu.memory_space<hbm>> -> memref<1x1x128xi32, #tpu.memory_space<hbm>>
          %dma_start3A_141 = tpu.memref_squeeze %dma_start3A_140 : memref<1x1x128xi32, #tpu.memory_space<hbm>> -> memref<128xi32, #tpu.memory_space<hbm>>
          tpu.enqueue_dma source(%dma_start3A_141 : memref<128xi32, #tpu.memory_space<hbm>>) target(%arg11 : memref<128xi32, #tpu.memory_space<vmem>>) target_semaphore(%run_scoped3A_135 : memref<!tpu.dma_semaphore, #tpu.memory_space<semaphore_mem>>)
          %dma_wait3A_142 = arith.constant 0 : i32
          %dma_wait3A_143 = tpu.memref_slice %arg3[%run_scoped3A, %add3A_93, %dma_wait3A_142] : memref<2x2500x128xi32, #tpu.memory_space<hbm>> -> memref<1x1x128xi32, #tpu.memory_space<hbm>>
          %dma_wait3A_144 = tpu.memref_squeeze %dma_wait3A_143 : memref<1x1x128xi32, #tpu.memory_space<hbm>> -> memref<128xi32, #tpu.memory_space<hbm>>
          %dma_wait3A_145 = arith.constant 0 : i32
          %dma_wait3A_146 = tpu.memref_slice %arg3[%run_scoped3A, %add3A_93, %dma_wait3A_145] : memref<2x2500x128xi32, #tpu.memory_space<hbm>> -> memref<1x1x128xi32, #tpu.memory_space<hbm>>
          %dma_wait3A_147 = tpu.memref_squeeze %dma_wait3A_146 : memref<1x1x128xi32, #tpu.memory_space<hbm>> -> memref<128xi32, #tpu.memory_space<hbm>>
          tpu.wait_dma2 semaphore(%run_scoped3A_135 : memref<!tpu.dma_semaphore, #tpu.memory_space<semaphore_mem>>) src(%dma_wait3A_147 : memref<128xi32, #tpu.memory_space<hbm>>) dst(%arg11 : memref<128xi32, #tpu.memory_space<vmem>>)
          tpu.yield
        }) : () -> ()
      } else {
      }
      %ge3A_99 = arith.constant 2500 : i32
      %ge3A_100 = arith.cmpi sge, %add3A_93, %ge3A_99 : i32
      %convert_element_type3A_101 = arith.extui %ge3A_100 : i1 to i32
      %cond3A_102 = arith.constant 0 : i32
      %cond3A_103 = arith.cmpi ne, %convert_element_type3A_101, %cond3A_102 : i32
      scf.if %cond3A_103 {
        %sub3A = arith.constant 2500 : i32
        %sub3A_135 = arith.subi %add3A_93, %sub3A : i32
        %run_scoped3A = arith.constant 1 : i32
        "tpu.region"() ({
          %run_scoped3A_136 = tpu.sem_alloc : memref<!tpu.dma_semaphore, #tpu.memory_space<semaphore_mem>>
          %dma_start3A_137 = arith.constant 0 : i32
          %dma_start3A_138 = tpu.memref_slice %arg4[%run_scoped3A, %sub3A_135, %dma_start3A_137] : memref<2x60x128xi32, #tpu.memory_space<hbm>> -> memref<1x1x128xi32, #tpu.memory_space<hbm>>
          %dma_start3A_139 = tpu.memref_squeeze %dma_start3A_138 : memref<1x1x128xi32, #tpu.memory_space<hbm>> -> memref<128xi32, #tpu.memory_space<hbm>>
          %dma_start3A_140 = arith.constant 0 : i32
          %dma_start3A_141 = tpu.memref_slice %arg4[%run_scoped3A, %sub3A_135, %dma_start3A_140] : memref<2x60x128xi32, #tpu.memory_space<hbm>> -> memref<1x1x128xi32, #tpu.memory_space<hbm>>
          %dma_start3A_142 = tpu.memref_squeeze %dma_start3A_141 : memref<1x1x128xi32, #tpu.memory_space<hbm>> -> memref<128xi32, #tpu.memory_space<hbm>>
          tpu.enqueue_dma source(%dma_start3A_142 : memref<128xi32, #tpu.memory_space<hbm>>) target(%arg11 : memref<128xi32, #tpu.memory_space<vmem>>) target_semaphore(%run_scoped3A_136 : memref<!tpu.dma_semaphore, #tpu.memory_space<semaphore_mem>>)
          %dma_wait3A_143 = arith.constant 0 : i32
          %dma_wait3A_144 = tpu.memref_slice %arg4[%run_scoped3A, %sub3A_135, %dma_wait3A_143] : memref<2x60x128xi32, #tpu.memory_space<hbm>> -> memref<1x1x128xi32, #tpu.memory_space<hbm>>
          %dma_wait3A_145 = tpu.memref_squeeze %dma_wait3A_144 : memref<1x1x128xi32, #tpu.memory_space<hbm>> -> memref<128xi32, #tpu.memory_space<hbm>>
          %dma_wait3A_146 = arith.constant 0 : i32
          %dma_wait3A_147 = tpu.memref_slice %arg4[%run_scoped3A, %sub3A_135, %dma_wait3A_146] : memref<2x60x128xi32, #tpu.memory_space<hbm>> -> memref<1x1x128xi32, #tpu.memory_space<hbm>>
          %dma_wait3A_148 = tpu.memref_squeeze %dma_wait3A_147 : memref<1x1x128xi32, #tpu.memory_space<hbm>> -> memref<128xi32, #tpu.memory_space<hbm>>
          tpu.wait_dma2 semaphore(%run_scoped3A_136 : memref<!tpu.dma_semaphore, #tpu.memory_space<semaphore_mem>>) src(%dma_wait3A_148 : memref<128xi32, #tpu.memory_space<hbm>>) dst(%arg11 : memref<128xi32, #tpu.memory_space<vmem>>)
          tpu.yield
        }) : () -> ()
      } else {
      }
      %dma_wait3A_104 = arith.constant 0 : i32
      %dma_wait3A_105 = arith.constant 0 : i32
      %dma_wait3A_106 = tpu.memref_slice %arg2[%dma_wait3A_104, %dma_wait3A_105] : memref<10240x64xf32, #tpu.memory_space<hbm>> -> memref<10240x64xf32, #tpu.memory_space<hbm>>
      tpu.wait_indirect_dma semaphore(%arg15 : memref<!tpu.dma_semaphore, #tpu.memory_space<semaphore_mem>>) src(%dma_wait3A_106 : memref<10240x64xf32, #tpu.memory_space<hbm>>) dst(%arg13 : memref<128x64xf32, #tpu.memory_space<vmem>>)
      %dma_start3A_107 = arith.constant 0 : i32
      %dma_start3A_108 = arith.constant 0 : i32
      %dma_start3A_109 = tpu.memref_slice %arg7[%dma_start3A_107, %dma_start3A_108] : memref<10240x64xf32, #tpu.memory_space<vmem_shared>> -> memref<10240x64xf32, #tpu.memory_space<vmem_shared>>
      tpu.enqueue_indirect_dma source(%arg13 : memref<128x64xf32, #tpu.memory_space<vmem>>) target(%dma_start3A_109 : memref<10240x64xf32, #tpu.memory_space<vmem_shared>>) offsets(%arg11 : memref<128xi32, #tpu.memory_space<vmem>>) semaphore(%arg17 : memref<!tpu.dma_semaphore, #tpu.memory_space<semaphore_mem>>) {add = true}
      %add3A_110 = arith.addi %mul3A_7, %add3A_92 : i32
      %add3A_111 = arith.constant 2 : i32
      %add3A_112 = arith.addi %add3A_110, %add3A_111 : i32
      %min3A_113 = arith.constant 2559 : i32
      %min3A_114 = arith.minsi %add3A_112, %min3A_113 : i32
      %lt3A_115 = arith.constant 2500 : i32
      %lt3A_116 = arith.cmpi slt, %min3A_114, %lt3A_115 : i32
      %convert_element_type3A_117 = arith.extui %lt3A_116 : i1 to i32
      %cond3A_118 = arith.constant 0 : i32
      %cond3A_119 = arith.cmpi ne, %convert_element_type3A_117, %cond3A_118 : i32
      scf.if %cond3A_119 {
        %run_scoped3A = arith.constant 0 : i32
        "tpu.region"() ({
          %run_scoped3A_135 = tpu.sem_alloc : memref<!tpu.dma_semaphore, #tpu.memory_space<semaphore_mem>>
          %dma_start3A_136 = arith.constant 0 : i32
          %dma_start3A_137 = tpu.memref_slice %arg3[%run_scoped3A, %min3A_114, %dma_start3A_136] : memref<2x2500x128xi32, #tpu.memory_space<hbm>> -> memref<1x1x128xi32, #tpu.memory_space<hbm>>
          %dma_start3A_138 = tpu.memref_squeeze %dma_start3A_137 : memref<1x1x128xi32, #tpu.memory_space<hbm>> -> memref<128xi32, #tpu.memory_space<hbm>>
          %dma_start3A_139 = arith.constant 0 : i32
          %dma_start3A_140 = tpu.memref_slice %arg3[%run_scoped3A, %min3A_114, %dma_start3A_139] : memref<2x2500x128xi32, #tpu.memory_space<hbm>> -> memref<1x1x128xi32, #tpu.memory_space<hbm>>
          %dma_start3A_141 = tpu.memref_squeeze %dma_start3A_140 : memref<1x1x128xi32, #tpu.memory_space<hbm>> -> memref<128xi32, #tpu.memory_space<hbm>>
          tpu.enqueue_dma source(%dma_start3A_141 : memref<128xi32, #tpu.memory_space<hbm>>) target(%arg9 : memref<128xi32, #tpu.memory_space<vmem>>) target_semaphore(%run_scoped3A_135 : memref<!tpu.dma_semaphore, #tpu.memory_space<semaphore_mem>>)
          %dma_wait3A_142 = arith.constant 0 : i32
          %dma_wait3A_143 = tpu.memref_slice %arg3[%run_scoped3A, %min3A_114, %dma_wait3A_142] : memref<2x2500x128xi32, #tpu.memory_space<hbm>> -> memref<1x1x128xi32, #tpu.memory_space<hbm>>
          %dma_wait3A_144 = tpu.memref_squeeze %dma_wait3A_143 : memref<1x1x128xi32, #tpu.memory_space<hbm>> -> memref<128xi32, #tpu.memory_space<hbm>>
          %dma_wait3A_145 = arith.constant 0 : i32
          %dma_wait3A_146 = tpu.memref_slice %arg3[%run_scoped3A, %min3A_114, %dma_wait3A_145] : memref<2x2500x128xi32, #tpu.memory_space<hbm>> -> memref<1x1x128xi32, #tpu.memory_space<hbm>>
          %dma_wait3A_147 = tpu.memref_squeeze %dma_wait3A_146 : memref<1x1x128xi32, #tpu.memory_space<hbm>> -> memref<128xi32, #tpu.memory_space<hbm>>
          tpu.wait_dma2 semaphore(%run_scoped3A_135 : memref<!tpu.dma_semaphore, #tpu.memory_space<semaphore_mem>>) src(%dma_wait3A_147 : memref<128xi32, #tpu.memory_space<hbm>>) dst(%arg9 : memref<128xi32, #tpu.memory_space<vmem>>)
          tpu.yield
        }) : () -> ()
      } else {
      }
      %ge3A_120 = arith.constant 2500 : i32
      %ge3A_121 = arith.cmpi sge, %min3A_114, %ge3A_120 : i32
      %convert_element_type3A_122 = arith.extui %ge3A_121 : i1 to i32
      %cond3A_123 = arith.constant 0 : i32
      %cond3A_124 = arith.cmpi ne, %convert_element_type3A_122, %cond3A_123 : i32
      scf.if %cond3A_124 {
        %sub3A = arith.constant 2500 : i32
        %sub3A_135 = arith.subi %min3A_114, %sub3A : i32
        %run_scoped3A = arith.constant 0 : i32
        "tpu.region"() ({
          %run_scoped3A_136 = tpu.sem_alloc : memref<!tpu.dma_semaphore, #tpu.memory_space<semaphore_mem>>
          %dma_start3A_137 = arith.constant 0 : i32
          %dma_start3A_138 = tpu.memref_slice %arg4[%run_scoped3A, %sub3A_135, %dma_start3A_137] : memref<2x60x128xi32, #tpu.memory_space<hbm>> -> memref<1x1x128xi32, #tpu.memory_space<hbm>>
          %dma_start3A_139 = tpu.memref_squeeze %dma_start3A_138 : memref<1x1x128xi32, #tpu.memory_space<hbm>> -> memref<128xi32, #tpu.memory_space<hbm>>
          %dma_start3A_140 = arith.constant 0 : i32
          %dma_start3A_141 = tpu.memref_slice %arg4[%run_scoped3A, %sub3A_135, %dma_start3A_140] : memref<2x60x128xi32, #tpu.memory_space<hbm>> -> memref<1x1x128xi32, #tpu.memory_space<hbm>>
          %dma_start3A_142 = tpu.memref_squeeze %dma_start3A_141 : memref<1x1x128xi32, #tpu.memory_space<hbm>> -> memref<128xi32, #tpu.memory_space<hbm>>
          tpu.enqueue_dma source(%dma_start3A_142 : memref<128xi32, #tpu.memory_space<hbm>>) target(%arg9 : memref<128xi32, #tpu.memory_space<vmem>>) target_semaphore(%run_scoped3A_136 : memref<!tpu.dma_semaphore, #tpu.memory_space<semaphore_mem>>)
          %dma_wait3A_143 = arith.constant 0 : i32
          %dma_wait3A_144 = tpu.memref_slice %arg4[%run_scoped3A, %sub3A_135, %dma_wait3A_143] : memref<2x60x128xi32, #tpu.memory_space<hbm>> -> memref<1x1x128xi32, #tpu.memory_space<hbm>>
          %dma_wait3A_145 = tpu.memref_squeeze %dma_wait3A_144 : memref<1x1x128xi32, #tpu.memory_space<hbm>> -> memref<128xi32, #tpu.memory_space<hbm>>
          %dma_wait3A_146 = arith.constant 0 : i32
          %dma_wait3A_147 = tpu.memref_slice %arg4[%run_scoped3A, %sub3A_135, %dma_wait3A_146] : memref<2x60x128xi32, #tpu.memory_space<hbm>> -> memref<1x1x128xi32, #tpu.memory_space<hbm>>
          %dma_wait3A_148 = tpu.memref_squeeze %dma_wait3A_147 : memref<1x1x128xi32, #tpu.memory_space<hbm>> -> memref<128xi32, #tpu.memory_space<hbm>>
          tpu.wait_dma2 semaphore(%run_scoped3A_136 : memref<!tpu.dma_semaphore, #tpu.memory_space<semaphore_mem>>) src(%dma_wait3A_148 : memref<128xi32, #tpu.memory_space<hbm>>) dst(%arg9 : memref<128xi32, #tpu.memory_space<vmem>>)
          tpu.yield
        }) : () -> ()
      } else {
      }
      %dma_wait3A_125 = arith.constant 0 : i32
      %dma_wait3A_126 = arith.constant 0 : i32
      %dma_wait3A_127 = tpu.memref_slice %arg7[%dma_wait3A_125, %dma_wait3A_126] : memref<10240x64xf32, #tpu.memory_space<vmem_shared>> -> memref<10240x64xf32, #tpu.memory_space<vmem_shared>>
      tpu.wait_indirect_dma semaphore(%arg17 : memref<!tpu.dma_semaphore, #tpu.memory_space<semaphore_mem>>) src(%arg13 : memref<128x64xf32, #tpu.memory_space<vmem>>) dst(%dma_wait3A_127 : memref<10240x64xf32, #tpu.memory_space<vmem_shared>>)
      %add3A_128 = arith.constant 2 : i32
      %add3A_129 = arith.addi %add3A_92, %add3A_128 : i32
      %lt3A_130 = arith.constant 80 : i32
      %lt3A_131 = arith.cmpi slt, %add3A_129, %lt3A_130 : i32
      %convert_element_type3A_132 = arith.extui %lt3A_131 : i1 to i32
      %cond3A_133 = arith.constant 0 : i32
      %cond3A_134 = arith.cmpi ne, %convert_element_type3A_132, %cond3A_133 : i32
      scf.if %cond3A_134 {
        %dma_start3A_135 = arith.constant 0 : i32
        %dma_start3A_136 = arith.constant 0 : i32
        %dma_start3A_137 = tpu.memref_slice %arg2[%dma_start3A_135, %dma_start3A_136] : memref<10240x64xf32, #tpu.memory_space<hbm>> -> memref<10240x64xf32, #tpu.memory_space<hbm>>
        tpu.enqueue_indirect_dma source(%dma_start3A_137 : memref<10240x64xf32, #tpu.memory_space<hbm>>) target(%arg13 : memref<128x64xf32, #tpu.memory_space<vmem>>) offsets(%arg9 : memref<128xi32, #tpu.memory_space<vmem>>) semaphore(%arg15 : memref<!tpu.dma_semaphore, #tpu.memory_space<semaphore_mem>>)
      } else {
      }
    }
    %scan3A_38 = arith.constant 40 : i32
    %barrier3A_39 = arith.constant 0 : index
    tpu.barrier barrier_id(%barrier3A_39)
    %mul3A_40 = arith.constant 640 : i32
    %mul3A_41 = arith.muli %arg1, %mul3A_40 : i32
    %mul3A_42 = arith.constant 640 : i32
    %mul3A_43 = arith.muli %arg1, %mul3A_42 : i32
    "tpu.region"() ({
      %run_scoped3A = tpu.sem_alloc : memref<!tpu.dma_semaphore, #tpu.memory_space<semaphore_mem>>
      %dma_start3A_44 = arith.constant 0 : i32
      %dma_start3A_45 = tpu.memref_slice %arg6[%arg0, %mul3A_43, %dma_start3A_44] : memref<2x10240x64xf32, #tpu.memory_space<hbm>> -> memref<1x640x64xf32, #tpu.memory_space<hbm>>
      %dma_start3A_46 = tpu.memref_squeeze %dma_start3A_45 : memref<1x640x64xf32, #tpu.memory_space<hbm>> -> memref<640x64xf32, #tpu.memory_space<hbm>>
      %dma_start3A_47 = arith.constant 0 : i32
      %dma_start3A_48 = tpu.memref_slice %arg7[%mul3A_41, %dma_start3A_47] : memref<10240x64xf32, #tpu.memory_space<vmem_shared>> -> memref<640x64xf32, #tpu.memory_space<vmem_shared>>
      tpu.enqueue_dma source(%dma_start3A_48 : memref<640x64xf32, #tpu.memory_space<vmem_shared>>) target(%dma_start3A_46 : memref<640x64xf32, #tpu.memory_space<hbm>>) target_semaphore(%run_scoped3A : memref<!tpu.dma_semaphore, #tpu.memory_space<semaphore_mem>>)
      %dma_wait3A = arith.constant 0 : i32
      %dma_wait3A_49 = tpu.memref_slice %arg6[%arg0, %mul3A_43, %dma_wait3A] : memref<2x10240x64xf32, #tpu.memory_space<hbm>> -> memref<1x640x64xf32, #tpu.memory_space<hbm>>
      %dma_wait3A_50 = tpu.memref_squeeze %dma_wait3A_49 : memref<1x640x64xf32, #tpu.memory_space<hbm>> -> memref<640x64xf32, #tpu.memory_space<hbm>>
      %dma_wait3A_51 = arith.constant 0 : i32
      %dma_wait3A_52 = tpu.memref_slice %arg7[%mul3A_41, %dma_wait3A_51] : memref<10240x64xf32, #tpu.memory_space<vmem_shared>> -> memref<640x64xf32, #tpu.memory_space<vmem_shared>>
      tpu.wait_dma2 semaphore(%run_scoped3A : memref<!tpu.dma_semaphore, #tpu.memory_space<semaphore_mem>>) src(%dma_wait3A_52 : memref<640x64xf32, #tpu.memory_space<vmem_shared>>) dst(%dma_wait3A_50 : memref<640x64xf32, #tpu.memory_space<hbm>>)
      tpu.yield
    }) : () -> ()
    return
  }
}

module attributes {stable_mosaic.version = 14 : i64} {
  func.func @body(%arg0: i32, %arg1: memref<512x128xf32, #tpu.memory_space<vmem>>, %arg2: memref<128x128xf32, #tpu.memory_space<vmem>>, %arg3: memref<2x512x8xf32, #tpu.memory_space<vmem>>, %arg4: memref<512x128xf32, #tpu.memory_space<vmem>>) attributes {dimension_semantics = [#tpu.dimension_semantics<arbitrary>], iteration_bounds = array<i64: 20>, scalar_prefetch = 0 : i64, scratch_operands = 0 : i64, tpu.core_type = #tpu.core_type<tc>, window_params = [{transform_indices = @transform_0, window_bounds = array<i64: 512, 128>}, {pipeline_mode = #tpu.pipeline_mode<synchronous>, transform_indices = @transform_1, window_bounds = array<i64: 128, 128>}, {transform_indices = @transform_2, window_bounds = array<i64: 2, 512, 8>}, {transform_indices = @transform_3, window_bounds = array<i64: 512, 128>}]} {
    %get3A = arith.constant 0 : index
    %get3A_0 = arith.constant 0 : index
    %get3A_1 = arith.constant 0 : index
    %get3A_2 = vector.load %arg3[%get3A, %get3A_0, %get3A_1] : memref<2x512x8xf32, #tpu.memory_space<vmem>>, vector<1x512x1xf32>
    %get3A_3 = vector.shape_cast %get3A_2 : vector<1x512x1xf32> to vector<512x1xf32>
    %add3A = arith.constant 1.000000e+00 : f32
    %add3A_4 = vector.broadcast %add3A : f32 to vector<512x1xf32>
    %add3A_5 = arith.addf %add3A_4, %get3A_3 : vector<512x1xf32>
    %get3A_6 = arith.constant 1 : index
    %get3A_7 = arith.constant 0 : index
    %get3A_8 = arith.constant 0 : index
    %get3A_9 = vector.load %arg3[%get3A_6, %get3A_7, %get3A_8] : memref<2x512x8xf32, #tpu.memory_space<vmem>>, vector<1x512x1xf32>
    %get3A_10 = vector.shape_cast %get3A_9 : vector<1x512x1xf32> to vector<512x1xf32>
    %add3A_11 = arith.addf %add3A_5, %get3A_10 : vector<512x1xf32>
    %rsqrt3A = math.rsqrt %add3A_11 : vector<512x1xf32>
    %get3A_12 = arith.constant 0 : index
    %get3A_13 = arith.constant 0 : index
    %get3A_14 = vector.load %arg1[%get3A_12, %get3A_13] : memref<512x128xf32, #tpu.memory_space<vmem>>, vector<512x128xf32>
    %get3A_15 = arith.constant 0 : index
    %get3A_16 = arith.constant 0 : index
    %get3A_17 = vector.load %arg2[%get3A_15, %get3A_16] : memref<128x128xf32, #tpu.memory_space<vmem>>, vector<128x128xf32>
    %dot_general3A = arith.constant dense<0.000000e+00> : vector<512x128xf32>
    %dot_general3A_18 = tpu.matmul %get3A_14, %get3A_17, %dot_general3A {dimension_numbers = #tpu.dot_dimension_numbers<[1], [0], [0], [1], [0, 0, 1, 1], [], []>, transpose_lhs_hint = false} : vector<512x128xf32>, vector<128x128xf32>, vector<512x128xf32> -> vector<512x128xf32>
    %mul3A = vector.broadcast %rsqrt3A : vector<512x1xf32> to vector<512x128xf32>
    %mul3A_19 = arith.mulf %dot_general3A_18, %mul3A : vector<512x128xf32>
    %swap3A = arith.constant 0 : index
    %swap3A_20 = arith.constant 0 : index
    %swap3A_21 = vector.load %arg4[%swap3A, %swap3A_20] : memref<512x128xf32, #tpu.memory_space<vmem>>, vector<512x128xf32>
    tpu.vector_store %arg4[%swap3A, %swap3A_20], %mul3A_19 {strides = array<i32>} : memref<512x128xf32, #tpu.memory_space<vmem>>, vector<512x128xf32>,
    return
  }
  func.func @transform_0(%arg0: i32) -> (i32, i32) {
    %c0_i32 = arith.constant 0 : i32
    %c0_i32_0 = arith.constant 0 : i32
    return %arg0, %c0_i32 : i32, i32
  }
  func.func @transform_1(%arg0: i32) -> (i32, i32) {
    %c0_i32 = arith.constant 0 : i32
    %c0_i32_0 = arith.constant 0 : i32
    %c0_i32_1 = arith.constant 0 : i32
    return %c0_i32, %c0_i32_0 : i32, i32
  }
  func.func @transform_2(%arg0: i32) -> (i32, i32, i32) {
    %c0_i32 = arith.constant 0 : i32
    %c0_i32_0 = arith.constant 0 : i32
    %c0_i32_1 = arith.constant 0 : i32
    return %c0_i32, %arg0, %c0_i32_0 : i32, i32, i32
  }
  func.func @transform_3(%arg0: i32) -> (i32, i32) {
    %c0_i32 = arith.constant 0 : i32
    %c0_i32_0 = arith.constant 0 : i32
    return %arg0, %c0_i32 : i32, i32
  }
}

module attributes {stable_mosaic.version = 14 : i64} {
  func.func @body(%arg0: i32, %arg1: memref<512x128xf32, #tpu.memory_space<vmem>>, %arg2: memref<2x512x128xf32, #tpu.memory_space<vmem>>, %arg3: memref<2x512x8xf32, #tpu.memory_space<vmem>>, %arg4: memref<1x128xf32, #tpu.memory_space<vmem>>, %arg5: memref<128x64xf32, #tpu.memory_space<vmem>>, %arg6: memref<512x64xf32, #tpu.memory_space<vmem>>) attributes {dimension_semantics = [#tpu.dimension_semantics<arbitrary>], iteration_bounds = array<i64: 20>, scalar_prefetch = 0 : i64, scratch_operands = 0 : i64, tpu.core_type = #tpu.core_type<tc>, window_params = [{transform_indices = @transform_0, window_bounds = array<i64: 512, 128>}, {transform_indices = @transform_1, window_bounds = array<i64: 2, 512, 128>}, {transform_indices = @transform_2, window_bounds = array<i64: 2, 512, 8>}, {pipeline_mode = #tpu.pipeline_mode<synchronous>, transform_indices = @transform_3, window_bounds = array<i64: 1, 128>}, {pipeline_mode = #tpu.pipeline_mode<synchronous>, transform_indices = @transform_4, window_bounds = array<i64: 128, 64>}, {transform_indices = @transform_5, window_bounds = array<i64: 512, 64>}]} {
    %get3A = arith.constant 0 : index
    %get3A_0 = arith.constant 0 : index
    %get3A_1 = arith.constant 0 : index
    %get3A_2 = vector.load %arg3[%get3A, %get3A_0, %get3A_1] : memref<2x512x8xf32, #tpu.memory_space<vmem>>, vector<1x512x1xf32>
    %get3A_3 = vector.shape_cast %get3A_2 : vector<1x512x1xf32> to vector<512x1xf32>
    %add3A = arith.constant 1.000000e+00 : f32
    %add3A_4 = vector.broadcast %add3A : f32 to vector<512x1xf32>
    %add3A_5 = arith.addf %add3A_4, %get3A_3 : vector<512x1xf32>
    %get3A_6 = arith.constant 1 : index
    %get3A_7 = arith.constant 0 : index
    %get3A_8 = arith.constant 0 : index
    %get3A_9 = vector.load %arg3[%get3A_6, %get3A_7, %get3A_8] : memref<2x512x8xf32, #tpu.memory_space<vmem>>, vector<1x512x1xf32>
    %get3A_10 = vector.shape_cast %get3A_9 : vector<1x512x1xf32> to vector<512x1xf32>
    %add3A_11 = arith.addf %add3A_5, %get3A_10 : vector<512x1xf32>
    %rsqrt3A = math.rsqrt %add3A_11 : vector<512x1xf32>
    %get3A_12 = arith.constant 0 : index
    %get3A_13 = arith.constant 0 : index
    %get3A_14 = vector.load %arg1[%get3A_12, %get3A_13] : memref<512x128xf32, #tpu.memory_space<vmem>>, vector<512x128xf32>
    %get3A_15 = arith.constant 0 : index
    %get3A_16 = arith.constant 0 : index
    %get3A_17 = arith.constant 0 : index
    %get3A_18 = vector.load %arg2[%get3A_15, %get3A_16, %get3A_17] : memref<2x512x128xf32, #tpu.memory_space<vmem>>, vector<1x512x128xf32>
    %get3A_19 = vector.shape_cast %get3A_18 : vector<1x512x128xf32> to vector<512x128xf32>
    %add3A_20 = arith.addf %get3A_14, %get3A_19 : vector<512x128xf32>
    %get3A_21 = arith.constant 1 : index
    %get3A_22 = arith.constant 0 : index
    %get3A_23 = arith.constant 0 : index
    %get3A_24 = vector.load %arg2[%get3A_21, %get3A_22, %get3A_23] : memref<2x512x128xf32, #tpu.memory_space<vmem>>, vector<1x512x128xf32>
    %get3A_25 = vector.shape_cast %get3A_24 : vector<1x512x128xf32> to vector<512x128xf32>
    %add3A_26 = arith.addf %add3A_20, %get3A_25 : vector<512x128xf32>
    %mul3A = vector.broadcast %rsqrt3A : vector<512x1xf32> to vector<512x128xf32>
    %mul3A_27 = arith.mulf %add3A_26, %mul3A : vector<512x128xf32>
    %get3A_28 = arith.constant 0 : index
    %get3A_29 = arith.constant 0 : index
    %get3A_30 = vector.load %arg4[%get3A_28, %get3A_29] : memref<1x128xf32, #tpu.memory_space<vmem>>, vector<1x128xf32>
    %add3A_31 = vector.broadcast %get3A_30 : vector<1x128xf32> to vector<512x128xf32>
    %add3A_32 = arith.addf %mul3A_27, %add3A_31 : vector<512x128xf32>
    %max3A = arith.constant 0.000000e+00 : f32
    %max3A_33 = vector.broadcast %max3A : f32 to vector<512x128xf32>
    %max3A_34 = arith.maximumf %add3A_32, %max3A_33 : vector<512x128xf32>
    %get3A_35 = arith.constant 0 : index
    %get3A_36 = arith.constant 0 : index
    %get3A_37 = vector.load %arg5[%get3A_35, %get3A_36] : memref<128x64xf32, #tpu.memory_space<vmem>>, vector<128x64xf32>
    %dot_general3A = arith.constant dense<0.000000e+00> : vector<512x64xf32>
    %dot_general3A_38 = tpu.matmul %max3A_34, %get3A_37, %dot_general3A {dimension_numbers = #tpu.dot_dimension_numbers<[1], [0], [0], [1], [0, 0, 1, 1], [], []>, transpose_lhs_hint = false} : vector<512x128xf32>, vector<128x64xf32>, vector<512x64xf32> -> vector<512x64xf32>
    %mul3A_39 = vector.broadcast %rsqrt3A : vector<512x1xf32> to vector<512x64xf32>
    %mul3A_40 = arith.mulf %dot_general3A_38, %mul3A_39 : vector<512x64xf32>
    %swap3A = arith.constant 0 : index
    %swap3A_41 = arith.constant 0 : index
    %swap3A_42 = vector.load %arg6[%swap3A, %swap3A_41] : memref<512x64xf32, #tpu.memory_space<vmem>>, vector<512x64xf32>
    tpu.vector_store %arg6[%swap3A, %swap3A_41], %mul3A_40 {strides = array<i32>} : memref<512x64xf32, #tpu.memory_space<vmem>>, vector<512x64xf32>,
    return
  }
  func.func @transform_0(%arg0: i32) -> (i32, i32) {
    %c0_i32 = arith.constant 0 : i32
    %c0_i32_0 = arith.constant 0 : i32
    return %arg0, %c0_i32 : i32, i32
  }
  func.func @transform_1(%arg0: i32) -> (i32, i32, i32) {
    %c0_i32 = arith.constant 0 : i32
    %c0_i32_0 = arith.constant 0 : i32
    %c0_i32_1 = arith.constant 0 : i32
    return %c0_i32, %arg0, %c0_i32_0 : i32, i32, i32
  }
  func.func @transform_2(%arg0: i32) -> (i32, i32, i32) {
    %c0_i32 = arith.constant 0 : i32
    %c0_i32_0 = arith.constant 0 : i32
    %c0_i32_1 = arith.constant 0 : i32
    return %c0_i32, %arg0, %c0_i32_0 : i32, i32, i32
  }
  func.func @transform_3(%arg0: i32) -> (i32, i32) {
    %c0_i32 = arith.constant 0 : i32
    %c0_i32_0 = arith.constant 0 : i32
    %c0_i32_1 = arith.constant 0 : i32
    return %c0_i32, %c0_i32_0 : i32, i32
  }
  func.func @transform_4(%arg0: i32) -> (i32, i32) {
    %c0_i32 = arith.constant 0 : i32
    %c0_i32_0 = arith.constant 0 : i32
    %c0_i32_1 = arith.constant 0 : i32
    return %c0_i32, %c0_i32_0 : i32, i32
  }
  func.func @transform_5(%arg0: i32) -> (i32, i32) {
    %c0_i32 = arith.constant 0 : i32
    %c0_i32_0 = arith.constant 0 : i32
    return %arg0, %c0_i32 : i32, i32
  }
}

module attributes {stable_mosaic.version = 14 : i64} {
  func.func @body(%arg0: i32, %arg1: memref<400x64xf32, #tpu.memory_space<vmem>>, %arg2: memref<2x400x64xf32, #tpu.memory_space<vmem>>, %arg3: memref<2x400x8xf32, #tpu.memory_space<vmem>>, %arg4: memref<1x64xf32, #tpu.memory_space<vmem>>, %arg5: memref<64x40xf32, #tpu.memory_space<vmem>>, %arg6: memref<1x40xf32, #tpu.memory_space<vmem>>, %arg7: memref<400x40xf32, #tpu.memory_space<vmem>>, %arg8: memref<400x40xf32, #tpu.memory_space<vmem>>) attributes {dimension_semantics = [#tpu.dimension_semantics<arbitrary>], iteration_bounds = array<i64: 25>, scalar_prefetch = 0 : i64, scratch_operands = 0 : i64, tpu.core_type = #tpu.core_type<tc>, window_params = [{transform_indices = @transform_0, window_bounds = array<i64: 400, 64>}, {transform_indices = @transform_1, window_bounds = array<i64: 2, 400, 64>}, {transform_indices = @transform_2, window_bounds = array<i64: 2, 400, 8>}, {pipeline_mode = #tpu.pipeline_mode<synchronous>, transform_indices = @transform_3, window_bounds = array<i64: 1, 64>}, {pipeline_mode = #tpu.pipeline_mode<synchronous>, transform_indices = @transform_4, window_bounds = array<i64: 64, 40>}, {pipeline_mode = #tpu.pipeline_mode<synchronous>, transform_indices = @transform_5, window_bounds = array<i64: 1, 40>}, {transform_indices = @transform_6, window_bounds = array<i64: 400, 40>}, {transform_indices = @transform_7, window_bounds = array<i64: 400, 40>}]} {
    %get3A = arith.constant 0 : index
    %get3A_0 = arith.constant 0 : index
    %get3A_1 = arith.constant 0 : index
    %get3A_2 = vector.load %arg3[%get3A, %get3A_0, %get3A_1] : memref<2x400x8xf32, #tpu.memory_space<vmem>>, vector<1x400x1xf32>
    %get3A_3 = vector.shape_cast %get3A_2 : vector<1x400x1xf32> to vector<400x1xf32>
    %add3A = arith.constant 1.000000e+00 : f32
    %add3A_4 = vector.broadcast %add3A : f32 to vector<400x1xf32>
    %add3A_5 = arith.addf %add3A_4, %get3A_3 : vector<400x1xf32>
    %get3A_6 = arith.constant 1 : index
    %get3A_7 = arith.constant 0 : index
    %get3A_8 = arith.constant 0 : index
    %get3A_9 = vector.load %arg3[%get3A_6, %get3A_7, %get3A_8] : memref<2x400x8xf32, #tpu.memory_space<vmem>>, vector<1x400x1xf32>
    %get3A_10 = vector.shape_cast %get3A_9 : vector<1x400x1xf32> to vector<400x1xf32>
    %add3A_11 = arith.addf %add3A_5, %get3A_10 : vector<400x1xf32>
    %rsqrt3A = math.rsqrt %add3A_11 : vector<400x1xf32>
    %get3A_12 = arith.constant 0 : index
    %get3A_13 = arith.constant 0 : index
    %get3A_14 = vector.load %arg1[%get3A_12, %get3A_13] : memref<400x64xf32, #tpu.memory_space<vmem>>, vector<400x64xf32>
    %get3A_15 = arith.constant 0 : index
    %get3A_16 = arith.constant 0 : index
    %get3A_17 = arith.constant 0 : index
    %get3A_18 = vector.load %arg2[%get3A_15, %get3A_16, %get3A_17] : memref<2x400x64xf32, #tpu.memory_space<vmem>>, vector<1x400x64xf32>
    %get3A_19 = vector.shape_cast %get3A_18 : vector<1x400x64xf32> to vector<400x64xf32>
    %add3A_20 = arith.addf %get3A_14, %get3A_19 : vector<400x64xf32>
    %get3A_21 = arith.constant 1 : index
    %get3A_22 = arith.constant 0 : index
    %get3A_23 = arith.constant 0 : index
    %get3A_24 = vector.load %arg2[%get3A_21, %get3A_22, %get3A_23] : memref<2x400x64xf32, #tpu.memory_space<vmem>>, vector<1x400x64xf32>
    %get3A_25 = vector.shape_cast %get3A_24 : vector<1x400x64xf32> to vector<400x64xf32>
    %add3A_26 = arith.addf %add3A_20, %get3A_25 : vector<400x64xf32>
    %mul3A = vector.broadcast %rsqrt3A : vector<400x1xf32> to vector<400x64xf32>
    %mul3A_27 = arith.mulf %add3A_26, %mul3A : vector<400x64xf32>
    %get3A_28 = arith.constant 0 : index
    %get3A_29 = arith.constant 0 : index
    %get3A_30 = vector.load %arg4[%get3A_28, %get3A_29] : memref<1x64xf32, #tpu.memory_space<vmem>>, vector<1x64xf32>
    %add3A_31 = vector.broadcast %get3A_30 : vector<1x64xf32> to vector<400x64xf32>
    %add3A_32 = arith.addf %mul3A_27, %add3A_31 : vector<400x64xf32>
    %max3A = arith.constant 0.000000e+00 : f32
    %max3A_33 = vector.broadcast %max3A : f32 to vector<400x64xf32>
    %max3A_34 = arith.maximumf %add3A_32, %max3A_33 : vector<400x64xf32>
    %get3A_35 = arith.constant 0 : index
    %get3A_36 = arith.constant 0 : index
    %get3A_37 = vector.load %arg5[%get3A_35, %get3A_36] : memref<64x40xf32, #tpu.memory_space<vmem>>, vector<64x40xf32>
    %dot_general3A = arith.constant dense<0.000000e+00> : vector<400x40xf32>
    %dot_general3A_38 = tpu.matmul %max3A_34, %get3A_37, %dot_general3A {dimension_numbers = #tpu.dot_dimension_numbers<[1], [0], [0], [1], [0, 0, 1, 1], [], []>, transpose_lhs_hint = false} : vector<400x64xf32>, vector<64x40xf32>, vector<400x40xf32> -> vector<400x40xf32>
    %get3A_39 = arith.constant 0 : index
    %get3A_40 = arith.constant 0 : index
    %get3A_41 = vector.load %arg6[%get3A_39, %get3A_40] : memref<1x40xf32, #tpu.memory_space<vmem>>, vector<1x40xf32>
    %add3A_42 = vector.broadcast %get3A_41 : vector<1x40xf32> to vector<400x40xf32>
    %add3A_43 = arith.addf %dot_general3A_38, %add3A_42 : vector<400x40xf32>
    %reduce_max3A = arith.constant dense<0xFF800000> : vector<400xf32>
    %reduce_max3A_44 = vector.multi_reduction <maximumf>, %add3A_43, %reduce_max3A [1] : vector<400x40xf32> to vector<400xf32>
    %broadcast_in_dim3A = vector.shape_cast %reduce_max3A_44 : vector<400xf32> to vector<400x1xf32>
    %sub3A = vector.broadcast %broadcast_in_dim3A : vector<400x1xf32> to vector<400x40xf32>
    %sub3A_45 = arith.subf %add3A_43, %sub3A : vector<400x40xf32>
    %exp3A = math.exp %sub3A_45 : vector<400x40xf32>
    %swap3A = arith.constant 0 : index
    %swap3A_46 = arith.constant 0 : index
    %swap3A_47 = vector.load %arg7[%swap3A, %swap3A_46] : memref<400x40xf32, #tpu.memory_space<vmem>>, vector<400x40xf32>
    tpu.vector_store %arg7[%swap3A, %swap3A_46], %add3A_43 {strides = array<i32>} : memref<400x40xf32, #tpu.memory_space<vmem>>, vector<400x40xf32>,
    %reduce_sum3A = arith.constant dense<0.000000e+00> : vector<400xf32>
    %reduce_sum3A_48 = vector.multi_reduction <add>, %exp3A, %reduce_sum3A [1] : vector<400x40xf32> to vector<400xf32>
    %broadcast_in_dim3A_49 = vector.shape_cast %reduce_sum3A_48 : vector<400xf32> to vector<400x1xf32>
    %div3A = vector.broadcast %broadcast_in_dim3A_49 : vector<400x1xf32> to vector<400x40xf32>
    %div3A_50 = arith.divf %exp3A, %div3A : vector<400x40xf32>
    %swap3A_51 = arith.constant 0 : index
    %swap3A_52 = arith.constant 0 : index
    %swap3A_53 = vector.load %arg8[%swap3A_51, %swap3A_52] : memref<400x40xf32, #tpu.memory_space<vmem>>, vector<400x40xf32>
    tpu.vector_store %arg8[%swap3A_51, %swap3A_52], %div3A_50 {strides = array<i32>} : memref<400x40xf32, #tpu.memory_space<vmem>>, vector<400x40xf32>,
    return
  }
  func.func @transform_0(%arg0: i32) -> (i32, i32) {
    %c0_i32 = arith.constant 0 : i32
    %c0_i32_0 = arith.constant 0 : i32
    return %arg0, %c0_i32 : i32, i32
  }
  func.func @transform_1(%arg0: i32) -> (i32, i32, i32) {
    %c0_i32 = arith.constant 0 : i32
    %c0_i32_0 = arith.constant 0 : i32
    %c0_i32_1 = arith.constant 0 : i32
    return %c0_i32, %arg0, %c0_i32_0 : i32, i32, i32
  }
  func.func @transform_2(%arg0: i32) -> (i32, i32, i32) {
    %c0_i32 = arith.constant 0 : i32
    %c0_i32_0 = arith.constant 0 : i32
    %c0_i32_1 = arith.constant 0 : i32
    return %c0_i32, %arg0, %c0_i32_0 : i32, i32, i32
  }
  func.func @transform_3(%arg0: i32) -> (i32, i32) {
    %c0_i32 = arith.constant 0 : i32
    %c0_i32_0 = arith.constant 0 : i32
    %c0_i32_1 = arith.constant 0 : i32
    return %c0_i32, %c0_i32_0 : i32, i32
  }
  func.func @transform_4(%arg0: i32) -> (i32, i32) {
    %c0_i32 = arith.constant 0 : i32
    %c0_i32_0 = arith.constant 0 : i32
    %c0_i32_1 = arith.constant 0 : i32
    return %c0_i32, %c0_i32_0 : i32, i32
  }
  func.func @transform_5(%arg0: i32) -> (i32, i32) {
    %c0_i32 = arith.constant 0 : i32
    %c0_i32_0 = arith.constant 0 : i32
    %c0_i32_1 = arith.constant 0 : i32
    return %c0_i32, %c0_i32_0 : i32, i32
  }
  func.func @transform_6(%arg0: i32) -> (i32, i32) {
    %c0_i32 = arith.constant 0 : i32
    %c0_i32_0 = arith.constant 0 : i32
    return %arg0, %c0_i32 : i32, i32
  }
  func.func @transform_7(%arg0: i32) -> (i32, i32) {
    %c0_i32 = arith.constant 0 : i32
    %c0_i32_0 = arith.constant 0 : i32
    return %arg0, %c0_i32 : i32, i32
  }
}

</mosaic_0001>

<sc_bundles>
// kernel: kernel.11.cloned.1.call-start
scs
__scs_entry_jumppad:
0x0: {  	(pc) =	sbr.rel $0x88, $3  }
0x1: {  	(tag) =	ssettag $0x0;
	lr =	simm.s32 $0x1  }
0x2: {  	[smem:$0x3F99] =	sst lr;
	_ =	strace $0xD0000000  }
0x3: {  	_ = 	snop  }
0x4: {  	_ = 	snop  }
0x5: {  	_ = 	snop  }
0x6: {  	_ = 	snop  }
0x7: {  	_ = 	snop  }
__scs_overlays_trampoline_lowered:
0x8: {  	[smem:$0x3FA8] =	sst s0  }
0x9: {  	[smem:$0x3FA9] =	sst s1  }
0xa: {  	[smem:$0x3FAA] =	sst s2  }
0xb: {  	[smem:$0x3FAB] =	sst s3  }
0xc: {  	[smem:$0x3FAC] =	sst s4  }
0xd: {  	[smem:$0x3FAD] =	sst s5  }
0xe: {  	[smem:$0x3FAE] =	sst s6  }
0xf: {  	[smem:$0x3FAF] =	sst s7  }
0x10: {  	[smem:$0x3FB0] =	sst s8  }
0x11: {  	[smem:$0x3FB1] =	sst s9;
	s0 =	simm.s32 @!p0 $0x0  }
0x12: {  	s1 =	sld [smem:$0x3F97];
	s0 =	simm.s32 @p0 $0x1  }
0x13: {  	[smem:$0x3FB2] =	sst s0;
	s0 =	simm.s32 @!p1 $0x0  }
0x14: {  	s2 =	sld [smem:$0x3F96];
	s0 =	simm.s32 @p1 $0x1  }
0x15: {  	[smem:$0x3FB3] =	sst s0;
	s0 =	simm.s32 @!p2 $0x0  }
0x16: {  	s3 =	sld [smem:$0x3FDB];
	s0 =	simm.s32 @p2 $0x1  }
0x17: {  	s4 =	simm.s32 $0x1BF5;
	[smem:$0x3FB5] =	sst s0  }
0x18: {  	s0 =	sld [smem:$0x3F98];
	_ =	swait.ge [sflag:s4], $0x0  }
0x19: {  	s7 =	sld [smem:$0x3F99]  }
0x1a: {  	s8 =	sadd.s32 $0xFFFFE003, lr  }
0x1b: {  	s9 =	sadd.s32 $0xFFFFFEF7, lr;
	s5 =	simm.s32 $0xFFFFFFFF;
	p2 =	slt.u32 s8, $0xFFFFF086  }
0x1c: {  	p1 =	slt.u32 s9, $0xF7A;
	s5 =	simm.s32 @!p2 $0x0  }
0x1d: {  	s5 =	simm.s32 @p1 $0x1;
	p0 =	seq.s32 s7, s2  }
0x1e: {  	s7 =	smul.u32 @!p0 $0xF7A, s2;
	p2 =	seq.s32 @!p0 s5, $0x0  }
0x1f: {  	s9 =	smul.u32 $0xF7A, s1;
	s8 =	simm.s32 @!p0 $0x1BF5;
	p2 =	por !p2, p0  }
0x20: {  	[sflag:s8] =	ssyncset.s32 @!p0 $0xFFFFF086;
	s6 =	sadd.s32 @!p0 s3, s7;
	s7 =	simm.s32 @!p0 $0x108  }
0x21: {  	s3 =	sadd.s32 s3, s9;
	s6 =	sadd.s32 @!p0 $0x88, s6;
	s7 =	simm.s32 @p2 $0x1082  }
0x22: {  	[simem:s7], [sflag:s8] =	dma.local @!p0 [hbm:s6], $0xF7A  }
0x23: {  	s9 =	sor.u32 $0xD0000000, s2;
	s6 =	simm.s32 $0x108;
	_ =	swait.ge @!p0 [sflag:s8], $0x0  }
0x24: {  	s3 =	sadd.s32 $0x88, s3;
	s6 =	simm.s32 @!p1 $0x1082;
	[sflag:s4] =	ssyncset.s32 $0xFFFFF086  }
0x25: {  	[simem:s6], [sflag:s4] =	dma.local [hbm:s3], $0xF7A  }
0x26: {  	[smem:$0x3F99] =	sst s1;
	(tag) =	ssettag s2;
	_ =	strace s9  }
0x27: {  	s1 =	sld [smem:$0x3FA9]  }
0x28: {  	s2 =	sld [smem:$0x3FAA]  }
0x29: {  	s4 =	sld [smem:$0x3FAC]  }
0x2a: {  	p0 =	seq.s32 s5, $0x0;
	s5 =	sld [smem:$0x3FAD]  }
0x2b: {  	s6 =	sld [smem:$0x3FAE]  }
0x2c: {  	s7 =	sld [smem:$0x3FAF]  }
0x2d: {  	s3 =	simm.s32 $0x108;
	s8 =	sld [smem:$0x3FB0]  }
0x2e: {  	s3 =	simm.s32 @!p0 $0x1082;
	s9 =	sld [smem:$0x3FB1]  }
0x2f: {  	lr =	sadd.s32 s0, s3;
	s0 =	sld [smem:$0x3FA8]  }
0x30: {  	s3 =	sld [smem:$0x3FAB]  }
0x31: {  	[smem:$0x3FB4] =	sst s10  }
0x32: {  	s10 =	sld [smem:$0x3FB2];
	_ =	sdelay $0x3  }
0x33: {  	p0 =	seq.s32 s10, $0x1;
	s10 =	sld [smem:$0x3FB4];
	_ =	sdelay $0x3  }
0x34: {  	[smem:$0x3FB4] =	sst s10  }
0x35: {  	s10 =	sld [smem:$0x3FB3];
	_ =	sdelay $0x3  }
0x36: {  	p1 =	seq.s32 s10, $0x1;
	s10 =	sld [smem:$0x3FB4];
	_ =	sdelay $0x3  }
0x37: {  	[smem:$0x3FB4] =	sst s10  }
0x38: {  	s10 =	sld [smem:$0x3FB5]  }
0x39: {  	_ = 	snop;
	(pc) =	sbr.ind lr, $3  }
0x3a: {  	_ = 	snop  }
0x3b: {  	_ = 	snop  }
0x3c: {  	p2 =	seq.s32 s10, $0x1;
	s10 =	sld [smem:$0x3FB4]  }
0x3d: {  	_ =	shalt  }
0x3e: {  	_ =	shalt  }
0x3f: {  	_ =	shalt  }
0x40: {  	_ =	shalt  }
0x41: {  	_ =	shalt  }
0x42: {  	_ =	shalt  }
0x43: {  	_ =	shalt  }
0x44: {  	_ =	shalt  }
0x45: {  	_ =	shalt  }
0x46: {  	_ =	shalt  }
0x47: {  	_ =	shalt  }
0x48: {  	_ =	shalt  }
0x49: {  	_ =	shalt  }
0x4a: {  	_ =	shalt  }
0x4b: {  	_ =	shalt  }
0x4c: {  	_ =	shalt  }
0x4d: {  	_ =	shalt  }
0x4e: {  	_ =	shalt  }
0x4f: {  	_ =	shalt  }
0x50: {  	_ =	shalt  }
0x51: {  	_ =	shalt  }
0x52: {  	_ =	shalt  }
0x53: {  	_ =	shalt  }
0x54: {  	_ =	shalt  }
0x55: {  	_ =	shalt  }
0x56: {  	_ =	shalt  }
0x57: {  	_ =	shalt  }
0x58: {  	_ =	shalt  }
0x59: {  	_ =	shalt  }
0x5a: {  	_ =	shalt  }
0x5b: {  	_ =	shalt  }
0x5c: {  	_ =	shalt  }
0x5d: {  	_ =	shalt  }
0x5e: {  	_ =	shalt  }
0x5f: {  	_ =	shalt  }
0x60: {  	_ =	shalt  }
0x61: {  	_ =	shalt  }
0x62: {  	_ =	shalt  }
0x63: {  	_ =	shalt  }
0x64: {  	_ =	shalt  }
0x65: {  	_ =	shalt  }
0x66: {  	_ =	shalt  }
0x67: {  	_ =	shalt  }
0x68: {  	_ =	shalt  }
0x69: {  	_ =	shalt  }
0x6a: {  	_ =	shalt  }
0x6b: {  	_ =	shalt  }
0x6c: {  	_ =	shalt  }
0x6d: {  	_ =	shalt  }
0x6e: {  	_ =	shalt  }
0x6f: {  	_ =	shalt  }
0x70: {  	_ =	shalt  }
0x71: {  	_ =	shalt  }
0x72: {  	_ =	shalt  }
0x73: {  	_ =	shalt  }
0x74: {  	_ =	shalt  }
0x75: {  	_ =	shalt  }
0x76: {  	_ =	shalt  }
0x77: {  	_ =	shalt  }
0x78: {  	_ =	shalt  }
0x79: {  	_ =	shalt  }
0x7a: {  	_ =	shalt  }
0x7b: {  	_ =	shalt  }
0x7c: {  	_ =	shalt  }
0x7d: {  	_ =	shalt  }
0x7e: {  	_ =	shalt  }
0x7f: {  	_ =	shalt  }
0x80: {  	_ =	shalt  }
0x81: {  	_ =	shalt  }
0x82: {  	_ =	shalt  }
0x83: {  	_ =	shalt  }
0x84: {  	_ =	shalt  }
0x85: {  	_ =	shalt  }
0x86: {  	_ =	shalt  }
0x87: {  	_ =	shalt  }
.Lfunc_end0:
.L_simem_size_0:
called_computation.1_lowered:
.L_overlay_start_0:
0x88: {  	s2 =	sld [smem:$0x3FD9]  }
0x89: {  	s3 =	sld [smem:$0x3FFE];
	_ =	sdelay $0x1  }
0x8a: {  	s1 =	srdreg.scid  }
0x8b: {  	s0 =	sand.u32 $0x1, s1  }
0x8c: {  	s14 =	sshll.u32 s0, $0xA;
	s2 =	sadd.s32 s3, s2  }
0x8d: {  	s2 =	sadd.s32 s2, s14  }
0x8e: {  	[smem:$0x3FC0] =	sst s2  }
0x8f: {  	_ = 	snop  }
0x90: {  	s2 =	sld [smem:$0x3FD0];
	_ =	sdelay $0x2  }
0x91: {  	s15 =	simm.s32 $0xA;
	s4 =	simm.s32 $0x10  }
0x92: {  	[smem:s4], [sflag:s15] =	dma.local [hbm:s2], $0x1  }
0x93: {  	_ =	swait.eq [sflag:s15], $0x1  }
0x94: {  	[sflag:s15] =	ssyncset.done $0x0  }
0x95: {  	s16 =	sld [smem:$0x10];
	[sflag:s15] =	ssyncadd.s32 $0xFFFFFFFF  }
0x96: {  	s17 =	sld [smem:$0x11];
	(tm) =	ssettm $0x1  }
0x97: {  	s18 =	sld [smem:$0x3FFB];
	_ =	sdelay $0x3  }
0x98: {  	_ =	strace s18  }
0x99: {  	s4 =	sld [smem:$0x3FFC];
	_ =	sdelay $0x3  }
0x9a: {  	_ =	strace s4  }
0x9b: {  	s4 =	sld [smem:$0x3FFD];
	_ =	sdelay $0x3  }
0x9c: {  	_ =	strace s4  }
0x9d: {  	_ =	strace $0x8FFFFFFF  }
0x9e: {  	s19 =	sld [smem:$0x3FDB];
	_ =	sdelay $0x1  }
0x9f: {  	s5 =	simm.s32 $_scs_section_size  }
0xa0: {  	s6 =	simm.s32 $_size__tile_overlayer_lowered;
	s7 =	simm.s32 $_tile_overlayer_lowered  }
0xa1: {  	s22 =	simm.s32 $0x1BFF;
	s21 =	sshll.u32 s7, $0x1;
	s4 =	sadd.s32 s5, s19  }
0xa2: {  	s8 =	simm.s32 $0x0;
	s20 =	sshll.u32 s6, $0x1;
	s6 =	sadd.s32 s21, s4  }
0xa3: {  	[timem:s8], [sflag:s22] =	dma.local [hbm:s6], s20  }
0xa4: {  	_ =	swait.ge [sflag:s22], s20  }
0xa5: {  	s5 =	ssub.s32 $0x0, s20;
	[sflag:s22] =	ssyncset.done $0x0  }
0xa6: {  	[sflag:s22] =	ssyncadd.s32 s5;
	_ =	sdelay $0x1  }
0xa7: {  	s23 =	simm.s32 $0x1B8B  }
0xa8: {  	_ =	swait.ge [sflag:s23], $0x1  }
0xa9: {  	[sflag:s23] =	ssyncset.done $0x0  }
0xaa: {  	s25 =	simm.s32 $0x1B8E;
	s24 =	sld [smem:$0x3FFE];
	[sflag:s23] =	ssyncadd.s32 $0xFFFFFFFF  }
0xab: {  	s26 =	simm.s32 $execute0_lowered;
	[smem:$0x3FD2] =	sst s25  }
0xac: {  	s6 =	sshll.u32 s26, $0x1;
	_ =	strace $0x80000049;
	[dreg:$0x1] =	wrdreg $0xFFFFFFFF  }
0xad: {  	s28 =	simm.s32 $_size_execute0_lowered;
	s4 =	sadd.s32 s4, s6;
	[dreg:$0x0] =	wrdreg $0x0  }
0xae: {  	s6 =	sshll.u32 s28, $0x1;
	[dreg:$0x2] =	wrdreg s4  }
0xaf: {  	[dreg:$0x3] =	wrdreg s6  }
0xb0: {  	[dreg:$0x4] =	wrdreg $0xC0  }
0xb1: {  	_ =	task [dreg:s8], $0x5FFFF  }
0xb2: {  	[dreg:$0x1] =	wrdreg $0xFFFFFFFF  }
0xb3: {  	[dreg:$0x0] =	wrdreg $0x60  }
0xb4: {  	[dreg:$0x2] =	wrdreg s24  }
0xb5: {  	[dreg:$0x3] =	wrdreg s16  }
0xb6: {  	[dreg:$0x4] =	wrdreg s17  }
0xb7: {  	[dreg:$0x5] =	wrdreg $0x0  }
0xb8: {  	[dreg:$0x6] =	wrdreg $0x9  }
0xb9: {  	_ =	task.clear_ibuf [dreg:s8], $0x7FFFF;
	_ =	strace $0x90000049  }
0xba: {  	s29 =	simm.s32 $0x9;
	_ =	strace $0x8000004B  }
0xbb: {  	_ =	swait.ge [sflag:s29], $0x1  }
0xbc: {  	[sflag:s29] =	ssyncadd.s32 $0xFFFFFFFF  }
0xbd: {  	_ =	strace $0x9000004B  }
0xbe: {  	_ =	sfence  }
0xbf: {  	s30 =	sld [smem:$0x0];
	_ =	sdelay $0x2  }
0xc0: {  	s31 =	sshll.u32 s1, $0xD;
	s1 =	sshrl.u32 s1, $0x2  }
0xc1: {  	s3 =	sand.u32 $0x4000, s31;
	s1 =	sadd.s32 s1, s30  }
0xc2: {  	s0 =	sor.u32 s3, s0;
	s1 =	sshll.u32 s1, $0x11  }
0xc3: {  	s0 =	sor.u32 s1, s0  }
0xc4: {  	s0 =	sadd.s32 $0x8F2B, s0  }
0xc5: {  	[sflag:s0] =	ssyncadd.remote.s32 $0x1  }
0xc6: {  	_ =	sfence.sel $0xFFFF  }
0xc7: {  	[dreg:$0x0] =	wrdreg $0xFFFFFFFF;
	(pc) =	sbr.abs _section_cstart, $3  }
0xc8: {  	[dreg:$0x1] =	wrdreg $0xFFFFFFFF  }
0xc9: {  	_ =	task.clear_ibuf [dreg:s8], $0x2FFFF;
	_ =	strace $0x9FFFFFFF  }
0xca: {  	(tm) =	ssettm $0x7FFFFFFF  }
0xcb: {  	_ =	shalt  }
tec
execute0_lowered:
.L_overlay_start_1:
0x0: {  	(tag) =	ssettag $0x1  }
0x1: {  	s1 =	rddreg [dreg:$0x0]  }
0x2: {  	s0 =	rddreg [dreg:$0x1]  }
0x3: {  	s3 =	rddreg [dreg:$0x2];
	s16 =	stileid.u32  }
0x4: {  	s2 =	srdreg.scid;
	s9 =	smul.u32 $0x14000, s16  }
0x5: {  	s4 =	rddreg [dreg:$0x3];
	s12 =	smul.u32 $0x50000, s16  }
0x6: {  	s5 =	simm.s32 $0x0;
	s28 =	simm.s32 $0x18200;
	s13 =	smul.u32 $0x2800, s16  }
0x7: {  	s29 =	simm.s32 $0x14100;
	s2 =	sand.u32 $0x1, s2;
	s17 =	smul.u32 $0x500, s16  }
0x8: {  	s30 =	simm.s32 $0x1;
	s31 =	simm.s32 $0x3;
	s7 =	smul.u32 $0x140000, s2  }
0x9: {  	[smem:$0x7FF] =	sst s5;
	s6 =	sadd.s32 $0x66400, s1;
	s24 =	smul.u32 $0x28000, s2  }
0xa: {  	s25 =	sshll.u32 s16, $0x6;
	_ =	strace $0x8000004A;
	s26 =	smul.u32 $0x5000, s2  }
0xb: {  	s10 =	sshll.u32 s2, $0x4;
	s11 =	ssub.s32 $0x2, s2;
	s2 =	smul.u32 $0x500, s2  }
0xc: {  	s10 =	sor.u32 s16, s10;
	s22 =	sshrl.u32 s11, $0x1;
	s23 =	sshrl.u32 s12, $0x2  }
0xd: {  	s18 =	sadd.s32 s9, s4;
	s8 =	sadd.s32 s9, s7;
	s7 =	sadd.s32 $0x2A00, s1  }
0xe: {  	s10 =	smul.u32 $0x500, s10;
	s11 =	ssub.s32 s11, s22;
	s14 =	sadd.s32 s23, s4  }
0xf: {  	s23 =	smul.u32 $0x50, s16;
	s13 =	sadd.s32 s13, s24;
	s8 =	sshrl.u32 s8, $0x3  }
0x10: {  	s21 =	smax.u32 s11, $0x1;
	s22 =	sadd.s32 $0x4000, s14;
	s19 =	sadd.s32 $0x8000, s14  }
0x11: {  	s20 =	sadd.s32 $0xC000, s14;
	s11 =	simm.s32 $0x0;
	s1 =	sadd.s32 s8, s1  }
0x12: {  	s8 =	sor.u32 $0x1C05, s25;
	s15 =	sadd.s32 s7, s10;
	[dreg:$0x8] =	wrdreg s21  }
0x13: {  	s21 =	sadd.s32 $0x10000, s14;
	s10 =	sadd.s32 s26, s7;
	s2 =	sadd.s32 s23, s2  }
0x14: {  	s25 =	sshrl.u32 s14, $0x3;
	s26 =	sshrl.u32 s22, $0x3;
	s19 =	sshrl.u32 s19, $0x3  }
0x15: {  	s20 =	sshrl.u32 s20, $0x3;
	s22 =	simm.s32 $0x14000;
	[dreg:$0x5] =	wrdreg s15  }
0x16: {  	s23 =	simm.s32 $0x80;
	s15 =	sadd.s32 $0x10, s15;
	[dreg:$0xb] =	wrdreg s25  }
0x17: {  	s1 =	sadd.s32 $0x8E400, s1;
	s24 =	sor.u32 $0x1, s2;
	[dreg:$0xc] =	wrdreg s26  }
.Ltmp0:
0x18: {  	s21 =	sshrl.u32 s21, $0x3;
	[dreg:$0x6] =	wrdreg s15;
	(pc) =	sbr.rel .LBB2_1-.Ltmp0, $4  }
0x19: {  	s25 =	sshrl.u32 s18, $0x3;
	s26 =	simm.s32 $0x14080;
	[dreg:$0x7] =	wrdreg s1  }
0x1a: {  	s2 =	simm.s32 $0x2;
	s1 =	sadd.s32 s17, s10;
	[dreg:$0xa] =	wrdreg s24  }
0x1b: {  	s17 =	simm.s32 $0x5;
	s24 =	simm.s32 $0x14200;
	s1 =	sadd.s32 $0x9C50, s1  }
0x1c: {  	s10 =	simm.s32 $0x4;
	[dreg:$0x9] =	wrdreg s1;
	s1 =	simm.s32 $0x14180  }
.LBB2_4:
0x1d: {  	[bflag:$0x0] =	sbarrier.arrive $0xFFFF  }
0x1e: {  	s9 =	rddreg [dreg:$0x7]  }
0x1f: {  	[hbm:s9], [sflag:s8] =	dma.local [spmem:s25], $0x2800  }
0x20: {  	_ =	swait.ge [sflag:s17], $0x2800  }
0x21: {  	s11 =	sadd.s32 $0x1, s11;
	s18 =	rddreg [dreg:$0x8]  }
0x22: {  	p0 =	sne.s32 s11, s18  }
.Ltmp1:
0x23: {  	_ = 	snop;
	(pc) =	sbr.rel @!p0 .LBB2_5-.Ltmp1, $3  }
0x24: {  	_ =	sdelay $0x1  }
0x25: {  	[sflag:s17] =	ssyncset.done $0x0  }
0x26: {  	[sflag:s17] =	ssyncadd.s32 $0xFFFFD800  }
.LBB2_1:
0x27: {  	s9 =	rddreg [dreg:$0xb]  }
0x28: {  	[spmem:s9], [sflag:s8] =	dma.local [hbm:s3], $0x800  }
0x29: {  	_ =	swait.ge [sflag:s17], $0x800  }
0x2a: {  	[sflag:s17] =	ssyncset.done $0x0  }
0x2b: {  	s15 =	rddreg [dreg:$0xc];
	[sflag:s17] =	ssyncadd.s32 $0xFFFFF800  }
0x2c: {  	[spmem:s15], [sflag:s8] =	dma.local [hbm:s3], $0x800  }
0x2d: {  	_ =	swait.ge [sflag:s17], $0x800  }
0x2e: {  	[sflag:s17] =	ssyncset.done $0x0  }
0x2f: {  	[sflag:s17] =	ssyncadd.s32 $0xFFFFF800  }
0x30: {  	[spmem:s19], [sflag:s8] =	dma.local [hbm:s3], $0x800  }
0x31: {  	_ =	swait.ge [sflag:s17], $0x800  }
0x32: {  	[sflag:s17] =	ssyncset.done $0x0  }
0x33: {  	[sflag:s17] =	ssyncadd.s32 $0xFFFFF800  }
0x34: {  	[spmem:s20], [sflag:s8] =	dma.local [hbm:s3], $0x800  }
0x35: {  	_ =	swait.ge [sflag:s17], $0x800  }
0x36: {  	[sflag:s17] =	ssyncset.done $0x0  }
0x37: {  	[sflag:s17] =	ssyncadd.s32 $0xFFFFF800  }
0x38: {  	[spmem:s21], [sflag:s8] =	dma.local [hbm:s3], $0x800  }
0x39: {  	_ =	swait.ge [sflag:s17], $0x800  }
0x3a: {  	[sflag:s17] =	ssyncset.done $0x0  }
0x3b: {  	[sflag:s17] =	ssyncadd.s32 $0xFFFFF800  }
0x3c: {  	[bflag:$0x0] =	sbarrier.arrive $0xFFFF  }
0x3d: {  	s16 =	rddreg [dreg:$0x5]  }
0x3e: {  	[tilespmem:s22], [sflag:$0x5] =	stream.linear.gather [hbm4b:s16+s5], $0x80, $0x38;
	[tilespmem:$0x1C200] =	vst v63  }
0x3f: {  	_ =	swait.ge [sflag:s17], $0x80  }
0x40: {  	[sflag:s17] =	ssyncset.done $0x0  }
0x41: {  	[sflag:s17] =	ssyncadd.s32 $0xFFFFFF80  }
0x42: {  	[tilespmem:s24], [sflag:$0x1] =	stream.indirect.gather [hbm4b:s6+s23], $0x80, s22, s23, $0xb8;
	[tilespmem:$0x1C200] =	vst v63  }
0x43: {  	s18 =	rddreg [dreg:$0x6]  }
0x44: {  	[tilespmem:s26], [sflag:$0x5] =	stream.linear.gather [hbm4b:s18+s5], $0x80, $0x38;
	[tilespmem:$0x1C200] =	vst v63  }
0x45: {  	_ =	swait.ge [sflag:s17], $0x80  }
0x46: {  	[sflag:s17] =	ssyncset.done $0x0;
	s15 =	rddreg [dreg:$0xa]  }
0x47: {  	s12 =	simm.s32 $0x0;
	s14 =	rddreg [dreg:$0x9];
	[sflag:s17] =	ssyncadd.s32 $0xFFFFFF80  }
0x48: {  	[tilespmem:s28], [sflag:$0x2] =	stream.indirect.gather [hbm4b:s6+s23], $0x80, s26, s23, $0xb8;
	[tilespmem:$0x1C200] =	vst v63  }
.LBB2_2:
0x49: {  	s16 =	sadd.s32 $0xFFFFFFFF, s15  }
0x4a: {  	p0 =	sgt.u32 s16, $0x9C3  }
0x4b: {  	s9 =	sadd.s32 @p0 s12, s13  }
0x4c: {  	s9 =	sadd.s32 @p0 $0xFFFB3C00, s9  }
0x4d: {  	s9 =	sshrl.u32 @p0 s9, $0x3  }
0x4e: {  	s18 =	sadd.s32 @!p0 $0xFFFFFFF0, s14;
	s9 =	sadd.s32 @p0 s0, s9  }
0x4f: {  	s18 =	smov.u32 @p0 s9;
	p0 =	slt.s32 s16, $0x9FD  }
0x50: {  	[tilespmem:s29], [sflag:$0x5] =	stream.linear.gather [hbm4b:s18+s5], $0x80, $0x38;
	[tilespmem:$0x1C200] =	vst v63  }
0x51: {  	p1 =	sgt.u32 s16, $0x9C1;
	s16 =	simm.s32 @!p0 $0x9FD;
	_ =	swait.ge [sflag:s17], $0x80  }
0x52: {  	s9 =	sadd.s32 $0x2, s16;
	[sflag:s17] =	ssyncset.done $0x0  }
0x53: {  	s16 =	sshll.u32 @p1 s9, $0x7;
	[sflag:s17] =	ssyncadd.s32 $0xFFFFFF80  }
0x54: {  	s16 =	sadd.s32 @p1 $0xFFFB1E00, s16;
	_ =	swait.ge [sflag:s30], $0x4000  }
0x55: {  	s9 =	sshll.u32 @!p1 s9, $0x4;
	s16 =	sshrl.u32 @p1 s16, $0x3;
	[sflag:s30] =	ssyncset.done $0x0  }
0x56: {  	s9 =	sadd.s32 @!p1 s7, s9;
	s16 =	sadd.s32 @p1 s0, s16;
	[sflag:s30] =	ssyncadd.s32 $0xFFFFC000  }
0x57: {  	[spmem:s4] =	stream.indirect.scatter.add.f32 [tilespmem:s24], [sflag:$0x3], $0x80, s29, s23, $0xb8;
	[tilespmem:$0x1C200] =	vst v63  }
0x58: {  	s9 =	smov.u32 @p1 s16  }
0x59: {  	[tilespmem:s22], [sflag:$0x5] =	stream.linear.gather [hbm4b:s9+s5], $0x80, $0x38;
	[tilespmem:$0x1C200] =	vst v63  }
0x5a: {  	_ =	swait.ge [sflag:s17], $0x80  }
0x5b: {  	[sflag:s17] =	ssyncset.done $0x0  }
0x5c: {  	[sflag:s17] =	ssyncadd.s32 $0xFFFFFF80  }
0x5d: {  	p0 =	seq.s32 s12, $0x2700;
	_ =	swait.ge [sflag:s31], $0x4000  }
0x5e: {  	s18 =	simm.s32 @!p0 $0x14200;
	[sflag:s31] =	ssyncset.done $0x0  }
0x5f: {  	s16 =	simm.s32 @!p0 $0x14000;
	s9 =	simm.s32 @!p0 $0x80;
	[sflag:s31] =	ssyncadd.s32 $0xFFFFC000  }
0x60: {  	[tilespmem:s18], [sflag:$0x1] =	stream.indirect.gather @!p0 [hbm4b:s6+s9], $0x80, s16, s9, $0xb8;
	[tilespmem:$0x1C200] =	vst v63  }
0x61: {  	s18 =	sadd.s32 s12, s13  }
0x62: {  	s9 =	sadd.s32 $0xFFFB3C80, s18  }
0x63: {  	s9 =	sshrl.u32 s9, $0x3  }
0x64: {  	p1 =	slt.u32 s15, $0x9C4;
	s9 =	sadd.s32 s0, s9  }
0x65: {  	s9 =	smov.u32 @p1 s14  }
0x66: {  	[tilespmem:s1], [sflag:$0x5] =	stream.linear.gather [hbm4b:s9+s5], $0x80, $0x38;
	[tilespmem:$0x1C200] =	vst v63  }
0x67: {  	p1 =	slt.s32 s15, $0x9FD;
	s9 =	smov.u32 s15  }
0x68: {  	_ =	swait.ge [sflag:s17], $0x80;
	s9 =	simm.s32 @!p1 $0x9FD  }
0x69: {  	p1 =	sgt.u32 s15, $0x9C1;
	[sflag:s17] =	ssyncset.done $0x0;
	s9 =	sadd.s32 $0x2, s9  }
0x6a: {  	[sflag:s17] =	ssyncadd.s32 $0xFFFFFF80;
	s16 =	sshll.u32 @p1 s9, $0x7  }
0x6b: {  	_ =	swait.ge [sflag:s2], $0x4000;
	s16 =	sadd.s32 @p1 $0xFFFB1E00, s16  }
0x6c: {  	s9 =	sshll.u32 @!p1 s9, $0x4;
	[sflag:s2] =	ssyncset.done $0x0;
	s16 =	sshrl.u32 @p1 s16, $0x3  }
0x6d: {  	s9 =	sadd.s32 @!p1 s7, s9;
	[sflag:s2] =	ssyncadd.s32 $0xFFFFC000;
	s16 =	sadd.s32 @p1 s0, s16  }
0x6e: {  	[spmem:s4] =	stream.indirect.scatter.add.f32 [tilespmem:s28], [sflag:$0x4], $0x80, s1, s23, $0xb8;
	[tilespmem:$0x1C200] =	vst v63  }
0x6f: {  	s9 =	smov.u32 @p1 s16  }
0x70: {  	[tilespmem:s26], [sflag:$0x5] =	stream.linear.gather [hbm4b:s9+s5], $0x80, $0x38;
	[tilespmem:$0x1C200] =	vst v63  }
0x71: {  	_ =	swait.ge [sflag:s17], $0x80  }
.Ltmp2:
0x72: {  	[sflag:s17] =	ssyncset.done $0x0;
	(pc) =	sbr.rel @p0 .LBB2_4-.Ltmp2, $4  }
0x73: {  	[sflag:s17] =	ssyncadd.s32 $0xFFFFFF80  }
0x74: {  	_ =	swait.ge [sflag:s10], $0x4000  }
0x75: {  	[sflag:s10] =	ssyncset.done $0x0  }
0x76: {  	[sflag:s10] =	ssyncadd.s32 $0xFFFFC000  }
.Ltmp3:
0x77: {  	(pc) =	sbr.rel .LBB2_2-.Ltmp3, $3  }
0x78: {  	_ =	sdelay $0x1  }
0x79: {  	[tilespmem:s28], [sflag:$0x2] =	stream.indirect.gather [hbm4b:s6+s23], $0x80, s26, s23, $0xb8;
	[tilespmem:$0x1C200] =	vst v63  }
0x7a: {  	s12 =	sadd.s32 $0x100, s12;
	s14 =	sadd.s32 $0x20, s14;
	s15 =	sadd.s32 $0x2, s15  }
.LBB2_5:
0x7b: {  	_ =	sfence.sel $0x180000  }
0x7c: {  	[bflag:$0x0] =	sbarrier.arrive $0xFFFF  }
0x7d: {  	_ =	strace $0x9000004A  }
0x7e: {  	s0 =	stileid.u32;
	[bflag:$0x2] =	sbarrier.arrive $0xFFFF  }
0x7f: {  	p0 =	sne.s32 s0, $0x0;
	s0 =	rddreg [dreg:$0x4]  }
0x80: {  	s0 =	sadd.s32 @!p0 $0x100000, s0  }
0x81: {  	[sflag:s0] =	ssyncadd.tile.s32 @!p0 $0x1;
	_ =	shalt  }
.Lfunc_end2:
_tile_overlayer_lowered:
.L_overlay_start_2:
0x82: {  	(tag) =	ssettag $0x2  }
0x83: {  	s0 =	rddreg [dreg:$0x0];
	s2 =	stileid.u32  }
0x84: {  	s1 =	rddreg [dreg:$0x1];
	p0 =	sne.s32 s2, $0x0  }
0x85: {  	s3 =	rddreg [dreg:$0x2];
	[bflag:$0x3] =	sbarrier.arrive $0xFFFF;
	s2 =	simm.s32 @!p0 $0x1C05  }
0x86: {  	[timem:s3], [sflag:s2] =	dma.local @!p0 [hbm:s0], s1  }
0x87: {  	s0 =	simm.s32 @!p0 $0x5  }
0x88: {  	_ =	swait.ge @!p0 [sflag:s0], s1  }
0x89: {  	s1 =	ssub.s32 @!p0 $0x0, s1;
	[sflag:s0] =	ssyncset.done @!p0 $0x0  }
0x8a: {  	[sflag:s0] =	ssyncadd.s32 @!p0 s1  }
0x8b: {  	[bflag:$0x3] =	sbarrier.arrive $0xFFFF  }
0x8c: {  	_ =	shalt  }

// kernel: kernel.14.cloned.1.call-start
scs
__scs_entry_jumppad:
0x0: {  	(pc) =	sbr.rel $0x88, $3  }
0x1: {  	(tag) =	ssettag $0x0;
	lr =	simm.s32 $0x1  }
0x2: {  	[smem:$0x3F99] =	sst lr;
	_ =	strace $0xD0000000  }
0x3: {  	_ = 	snop  }
0x4: {  	_ = 	snop  }
0x5: {  	_ = 	snop  }
0x6: {  	_ = 	snop  }
0x7: {  	_ = 	snop  }
__scs_overlays_trampoline_lowered:
0x8: {  	[smem:$0x3FA8] =	sst s0  }
0x9: {  	[smem:$0x3FA9] =	sst s1  }
0xa: {  	[smem:$0x3FAA] =	sst s2  }
0xb: {  	[smem:$0x3FAB] =	sst s3  }
0xc: {  	[smem:$0x3FAC] =	sst s4  }
0xd: {  	[smem:$0x3FAD] =	sst s5  }
0xe: {  	[smem:$0x3FAE] =	sst s6  }
0xf: {  	[smem:$0x3FAF] =	sst s7  }
0x10: {  	[smem:$0x3FB0] =	sst s8  }
0x11: {  	[smem:$0x3FB1] =	sst s9;
	s0 =	simm.s32 @!p0 $0x0  }
0x12: {  	s1 =	sld [smem:$0x3F97];
	s0 =	simm.s32 @p0 $0x1  }
0x13: {  	[smem:$0x3FB2] =	sst s0;
	s0 =	simm.s32 @!p1 $0x0  }
0x14: {  	s2 =	sld [smem:$0x3F96];
	s0 =	simm.s32 @p1 $0x1  }
0x15: {  	[smem:$0x3FB3] =	sst s0;
	s0 =	simm.s32 @!p2 $0x0  }
0x16: {  	s3 =	sld [smem:$0x3FDB];
	s0 =	simm.s32 @p2 $0x1  }
0x17: {  	s4 =	simm.s32 $0x1BF5;
	[smem:$0x3FB5] =	sst s0  }
0x18: {  	s0 =	sld [smem:$0x3F98];
	_ =	swait.ge [sflag:s4], $0x0  }
0x19: {  	s7 =	sld [smem:$0x3F99]  }
0x1a: {  	s8 =	sadd.s32 $0xFFFFE003, lr  }
0x1b: {  	s9 =	sadd.s32 $0xFFFFFEF7, lr;
	s5 =	simm.s32 $0xFFFFFFFF;
	p2 =	slt.u32 s8, $0xFFFFF086  }
0x1c: {  	p1 =	slt.u32 s9, $0xF7A;
	s5 =	simm.s32 @!p2 $0x0  }
0x1d: {  	s5 =	simm.s32 @p1 $0x1;
	p0 =	seq.s32 s7, s2  }
0x1e: {  	s7 =	smul.u32 @!p0 $0xF7A, s2;
	p2 =	seq.s32 @!p0 s5, $0x0  }
0x1f: {  	s9 =	smul.u32 $0xF7A, s1;
	s8 =	simm.s32 @!p0 $0x1BF5;
	p2 =	por !p2, p0  }
0x20: {  	[sflag:s8] =	ssyncset.s32 @!p0 $0xFFFFF086;
	s6 =	sadd.s32 @!p0 s3, s7;
	s7 =	simm.s32 @!p0 $0x108  }
0x21: {  	s3 =	sadd.s32 s3, s9;
	s6 =	sadd.s32 @!p0 $0x88, s6;
	s7 =	simm.s32 @p2 $0x1082  }
0x22: {  	[simem:s7], [sflag:s8] =	dma.local @!p0 [hbm:s6], $0xF7A  }
0x23: {  	s9 =	sor.u32 $0xD0000000, s2;
	s6 =	simm.s32 $0x108;
	_ =	swait.ge @!p0 [sflag:s8], $0x0  }
0x24: {  	s3 =	sadd.s32 $0x88, s3;
	s6 =	simm.s32 @!p1 $0x1082;
	[sflag:s4] =	ssyncset.s32 $0xFFFFF086  }
0x25: {  	[simem:s6], [sflag:s4] =	dma.local [hbm:s3], $0xF7A  }
0x26: {  	[smem:$0x3F99] =	sst s1;
	(tag) =	ssettag s2;
	_ =	strace s9  }
0x27: {  	s1 =	sld [smem:$0x3FA9]  }
0x28: {  	s2 =	sld [smem:$0x3FAA]  }
0x29: {  	s4 =	sld [smem:$0x3FAC]  }
0x2a: {  	p0 =	seq.s32 s5, $0x0;
	s5 =	sld [smem:$0x3FAD]  }
0x2b: {  	s6 =	sld [smem:$0x3FAE]  }
0x2c: {  	s7 =	sld [smem:$0x3FAF]  }
0x2d: {  	s3 =	simm.s32 $0x108;
	s8 =	sld [smem:$0x3FB0]  }
0x2e: {  	s3 =	simm.s32 @!p0 $0x1082;
	s9 =	sld [smem:$0x3FB1]  }
0x2f: {  	lr =	sadd.s32 s0, s3;
	s0 =	sld [smem:$0x3FA8]  }
0x30: {  	s3 =	sld [smem:$0x3FAB]  }
0x31: {  	[smem:$0x3FB4] =	sst s10  }
0x32: {  	s10 =	sld [smem:$0x3FB2];
	_ =	sdelay $0x3  }
0x33: {  	p0 =	seq.s32 s10, $0x1;
	s10 =	sld [smem:$0x3FB4];
	_ =	sdelay $0x3  }
0x34: {  	[smem:$0x3FB4] =	sst s10  }
0x35: {  	s10 =	sld [smem:$0x3FB3];
	_ =	sdelay $0x3  }
0x36: {  	p1 =	seq.s32 s10, $0x1;
	s10 =	sld [smem:$0x3FB4];
	_ =	sdelay $0x3  }
0x37: {  	[smem:$0x3FB4] =	sst s10  }
0x38: {  	s10 =	sld [smem:$0x3FB5]  }
0x39: {  	_ = 	snop;
	(pc) =	sbr.ind lr, $3  }
0x3a: {  	_ = 	snop  }
0x3b: {  	_ = 	snop  }
0x3c: {  	p2 =	seq.s32 s10, $0x1;
	s10 =	sld [smem:$0x3FB4]  }
0x3d: {  	_ =	shalt  }
0x3e: {  	_ =	shalt  }
0x3f: {  	_ =	shalt  }
0x40: {  	_ =	shalt  }
0x41: {  	_ =	shalt  }
0x42: {  	_ =	shalt  }
0x43: {  	_ =	shalt  }
0x44: {  	_ =	shalt  }
0x45: {  	_ =	shalt  }
0x46: {  	_ =	shalt  }
0x47: {  	_ =	shalt  }
0x48: {  	_ =	shalt  }
0x49: {  	_ =	shalt  }
0x4a: {  	_ =	shalt  }
0x4b: {  	_ =	shalt  }
0x4c: {  	_ =	shalt  }
0x4d: {  	_ =	shalt  }
0x4e: {  	_ =	shalt  }
0x4f: {  	_ =	shalt  }
0x50: {  	_ =	shalt  }
0x51: {  	_ =	shalt  }
0x52: {  	_ =	shalt  }
0x53: {  	_ =	shalt  }
0x54: {  	_ =	shalt  }
0x55: {  	_ =	shalt  }
0x56: {  	_ =	shalt  }
0x57: {  	_ =	shalt  }
0x58: {  	_ =	shalt  }
0x59: {  	_ =	shalt  }
0x5a: {  	_ =	shalt  }
0x5b: {  	_ =	shalt  }
0x5c: {  	_ =	shalt  }
0x5d: {  	_ =	shalt  }
0x5e: {  	_ =	shalt  }
0x5f: {  	_ =	shalt  }
0x60: {  	_ =	shalt  }
0x61: {  	_ =	shalt  }
0x62: {  	_ =	shalt  }
0x63: {  	_ =	shalt  }
0x64: {  	_ =	shalt  }
0x65: {  	_ =	shalt  }
0x66: {  	_ =	shalt  }
0x67: {  	_ =	shalt  }
0x68: {  	_ =	shalt  }
0x69: {  	_ =	shalt  }
0x6a: {  	_ =	shalt  }
0x6b: {  	_ =	shalt  }
0x6c: {  	_ =	shalt  }
0x6d: {  	_ =	shalt  }
0x6e: {  	_ =	shalt  }
0x6f: {  	_ =	shalt  }
0x70: {  	_ =	shalt  }
0x71: {  	_ =	shalt  }
0x72: {  	_ =	shalt  }
0x73: {  	_ =	shalt  }
0x74: {  	_ =	shalt  }
0x75: {  	_ =	shalt  }
0x76: {  	_ =	shalt  }
0x77: {  	_ =	shalt  }
0x78: {  	_ =	shalt  }
0x79: {  	_ =	shalt  }
0x7a: {  	_ =	shalt  }
0x7b: {  	_ =	shalt  }
0x7c: {  	_ =	shalt  }
0x7d: {  	_ =	shalt  }
0x7e: {  	_ =	shalt  }
0x7f: {  	_ =	shalt  }
0x80: {  	_ =	shalt  }
0x81: {  	_ =	shalt  }
0x82: {  	_ =	shalt  }
0x83: {  	_ =	shalt  }
0x84: {  	_ =	shalt  }
0x85: {  	_ =	shalt  }
0x86: {  	_ =	shalt  }
0x87: {  	_ =	shalt  }
.Lfunc_end0:
.L_simem_size_0:
called_computation.2_lowered:
.L_overlay_start_0:
0x88: {  	s2 =	sld [smem:$0x3FD9]  }
0x89: {  	s3 =	sld [smem:$0x3FFE];
	_ =	sdelay $0x1  }
0x8a: {  	s1 =	srdreg.scid  }
0x8b: {  	s0 =	sand.u32 $0x1, s1  }
0x8c: {  	s14 =	sshll.u32 s0, $0xA;
	s2 =	sadd.s32 s3, s2  }
0x8d: {  	s2 =	sadd.s32 s2, s14  }
0x8e: {  	[smem:$0x3FC0] =	sst s2  }
0x8f: {  	_ = 	snop  }
0x90: {  	s2 =	sld [smem:$0x3FD0];
	_ =	sdelay $0x2  }
0x91: {  	s15 =	simm.s32 $0xA;
	s4 =	simm.s32 $0x10  }
0x92: {  	[smem:s4], [sflag:s15] =	dma.local [hbm:s2], $0x1  }
0x93: {  	_ =	swait.eq [sflag:s15], $0x1  }
0x94: {  	[sflag:s15] =	ssyncset.done $0x0  }
0x95: {  	s16 =	sld [smem:$0x10];
	[sflag:s15] =	ssyncadd.s32 $0xFFFFFFFF  }
0x96: {  	s17 =	sld [smem:$0x11];
	(tm) =	ssettm $0x1  }
0x97: {  	s18 =	sld [smem:$0x3FFB];
	_ =	sdelay $0x3  }
0x98: {  	_ =	strace s18  }
0x99: {  	s4 =	sld [smem:$0x3FFC];
	_ =	sdelay $0x3  }
0x9a: {  	_ =	strace s4  }
0x9b: {  	s4 =	sld [smem:$0x3FFD];
	_ =	sdelay $0x3  }
0x9c: {  	_ =	strace s4  }
0x9d: {  	_ =	strace $0x8FFFFFFF  }
0x9e: {  	s19 =	sld [smem:$0x3FDB];
	_ =	sdelay $0x1  }
0x9f: {  	s5 =	simm.s32 $_scs_section_size  }
0xa0: {  	s6 =	simm.s32 $_size__tile_overlayer_lowered;
	s7 =	simm.s32 $_tile_overlayer_lowered  }
0xa1: {  	s22 =	simm.s32 $0x1BFF;
	s21 =	sshll.u32 s7, $0x1;
	s4 =	sadd.s32 s5, s19  }
0xa2: {  	s8 =	simm.s32 $0x0;
	s20 =	sshll.u32 s6, $0x1;
	s6 =	sadd.s32 s21, s4  }
0xa3: {  	[timem:s8], [sflag:s22] =	dma.local [hbm:s6], s20  }
0xa4: {  	_ =	swait.ge [sflag:s22], s20  }
0xa5: {  	s5 =	ssub.s32 $0x0, s20;
	[sflag:s22] =	ssyncset.done $0x0  }
0xa6: {  	[sflag:s22] =	ssyncadd.s32 s5;
	_ =	sdelay $0x1  }
0xa7: {  	s23 =	simm.s32 $0x1B8B  }
0xa8: {  	_ =	swait.ge [sflag:s23], $0x1  }
0xa9: {  	[sflag:s23] =	ssyncset.done $0x0  }
0xaa: {  	s25 =	simm.s32 $0x1B8E;
	s24 =	sld [smem:$0x3FFE];
	[sflag:s23] =	ssyncadd.s32 $0xFFFFFFFF  }
0xab: {  	s26 =	simm.s32 $execute0_lowered;
	[smem:$0x3FD2] =	sst s25  }
0xac: {  	s6 =	sshll.u32 s26, $0x1;
	_ =	strace $0x8000004C;
	[dreg:$0x1] =	wrdreg $0xFFFFFFFF  }
0xad: {  	s28 =	simm.s32 $_size_execute0_lowered;
	s4 =	sadd.s32 s4, s6;
	[dreg:$0x0] =	wrdreg $0x0  }
0xae: {  	s6 =	sshll.u32 s28, $0x1;
	[dreg:$0x2] =	wrdreg s4  }
0xaf: {  	[dreg:$0x3] =	wrdreg s6  }
0xb0: {  	[dreg:$0x4] =	wrdreg $0xC0  }
0xb1: {  	_ =	task [dreg:s8], $0x5FFFF  }
0xb2: {  	[dreg:$0x1] =	wrdreg $0xFFFFFFFF  }
0xb3: {  	[dreg:$0x0] =	wrdreg $0x60  }
0xb4: {  	[dreg:$0x2] =	wrdreg s24  }
0xb5: {  	[dreg:$0x3] =	wrdreg s16  }
0xb6: {  	[dreg:$0x4] =	wrdreg s17  }
0xb7: {  	[dreg:$0x5] =	wrdreg $0x0  }
0xb8: {  	[dreg:$0x6] =	wrdreg $0x9  }
0xb9: {  	_ =	task.clear_ibuf [dreg:s8], $0x7FFFF;
	_ =	strace $0x9000004C  }
0xba: {  	s29 =	simm.s32 $0x9;
	_ =	strace $0x8000004E  }
0xbb: {  	_ =	swait.ge [sflag:s29], $0x1  }
0xbc: {  	[sflag:s29] =	ssyncadd.s32 $0xFFFFFFFF  }
0xbd: {  	_ =	strace $0x9000004E  }
0xbe: {  	_ =	sfence  }
0xbf: {  	s30 =	sld [smem:$0x0];
	_ =	sdelay $0x2  }
0xc0: {  	s31 =	sshll.u32 s1, $0xD;
	s1 =	sshrl.u32 s1, $0x2  }
0xc1: {  	s3 =	sand.u32 $0x4000, s31;
	s1 =	sadd.s32 s1, s30  }
0xc2: {  	s0 =	sor.u32 s3, s0;
	s1 =	sshll.u32 s1, $0x11  }
0xc3: {  	s0 =	sor.u32 s1, s0  }
0xc4: {  	s0 =	sadd.s32 $0x8F2B, s0  }
0xc5: {  	[sflag:s0] =	ssyncadd.remote.s32 $0x1  }
0xc6: {  	_ =	sfence.sel $0xFFFF  }
0xc7: {  	[dreg:$0x0] =	wrdreg $0xFFFFFFFF;
	(pc) =	sbr.abs _section_cstart, $3  }
0xc8: {  	[dreg:$0x1] =	wrdreg $0xFFFFFFFF  }
0xc9: {  	_ =	task.clear_ibuf [dreg:s8], $0x2FFFF;
	_ =	strace $0x9FFFFFFF  }
0xca: {  	(tm) =	ssettm $0x7FFFFFFF  }
0xcb: {  	_ =	shalt  }
tec
execute0_lowered:
.L_overlay_start_1:
0x0: {  	(tag) =	ssettag $0x1  }
0x1: {  	s1 =	rddreg [dreg:$0x0]  }
0x2: {  	s0 =	rddreg [dreg:$0x1]  }
0x3: {  	s3 =	rddreg [dreg:$0x2];
	s16 =	stileid.u32  }
0x4: {  	s2 =	srdreg.scid;
	s9 =	smul.u32 $0xA000, s16  }
0x5: {  	s4 =	rddreg [dreg:$0x3];
	s12 =	smul.u32 $0x28000, s16  }
0x6: {  	s5 =	simm.s32 $0x0;
	s28 =	simm.s32 $0xC200;
	s13 =	smul.u32 $0x2800, s16  }
0x7: {  	s29 =	simm.s32 $0xA100;
	s2 =	sand.u32 $0x1, s2;
	s17 =	smul.u32 $0x500, s16  }
0x8: {  	s30 =	simm.s32 $0x1;
	s31 =	simm.s32 $0x3;
	s7 =	smul.u32 $0xA0000, s2  }
0x9: {  	[smem:$0x7FF] =	sst s5;
	s6 =	sadd.s32 $0x66400, s1;
	s24 =	smul.u32 $0x28000, s2  }
0xa: {  	s25 =	sshll.u32 s16, $0x6;
	_ =	strace $0x8000004D;
	s26 =	smul.u32 $0x5000, s2  }
0xb: {  	s10 =	sshll.u32 s2, $0x4;
	s11 =	ssub.s32 $0x2, s2;
	s2 =	smul.u32 $0x500, s2  }
0xc: {  	s10 =	sor.u32 s16, s10;
	s22 =	sshrl.u32 s11, $0x1;
	s23 =	sshrl.u32 s12, $0x2  }
0xd: {  	s18 =	sadd.s32 s9, s4;
	s8 =	sadd.s32 s9, s7;
	s7 =	sadd.s32 $0x2A00, s1  }
0xe: {  	s10 =	smul.u32 $0x500, s10;
	s11 =	ssub.s32 s11, s22;
	s14 =	sadd.s32 s23, s4  }
0xf: {  	s23 =	smul.u32 $0x50, s16;
	s13 =	sadd.s32 s13, s24;
	s8 =	sshrl.u32 s8, $0x3  }
0x10: {  	s21 =	smax.u32 s11, $0x1;
	s22 =	sadd.s32 $0x2000, s14;
	s19 =	sadd.s32 $0x4000, s14  }
0x11: {  	s20 =	sadd.s32 $0x6000, s14;
	s11 =	simm.s32 $0x0;
	s1 =	sadd.s32 s8, s1  }
0x12: {  	s8 =	sor.u32 $0x1C05, s25;
	s15 =	sadd.s32 s7, s10;
	[dreg:$0x8] =	wrdreg s21  }
0x13: {  	s21 =	sadd.s32 $0x8000, s14;
	s10 =	sadd.s32 s26, s7;
	s2 =	sadd.s32 s23, s2  }
0x14: {  	s25 =	sshrl.u32 s14, $0x3;
	s26 =	sshrl.u32 s22, $0x3;
	s19 =	sshrl.u32 s19, $0x3  }
0x15: {  	s20 =	sshrl.u32 s20, $0x3;
	s22 =	simm.s32 $0xA000;
	[dreg:$0x5] =	wrdreg s15  }
0x16: {  	s23 =	simm.s32 $0x80;
	s15 =	sadd.s32 $0x10, s15;
	[dreg:$0xb] =	wrdreg s25  }
0x17: {  	s1 =	sadd.s32 $0x7A400, s1;
	s24 =	sor.u32 $0x1, s2;
	[dreg:$0xc] =	wrdreg s26  }
.Ltmp0:
0x18: {  	s21 =	sshrl.u32 s21, $0x3;
	[dreg:$0x6] =	wrdreg s15;
	(pc) =	sbr.rel .LBB2_1-.Ltmp0, $4  }
0x19: {  	s25 =	sshrl.u32 s18, $0x3;
	s26 =	simm.s32 $0xA080;
	[dreg:$0x7] =	wrdreg s1  }
0x1a: {  	s2 =	simm.s32 $0x2;
	s1 =	sadd.s32 s17, s10;
	[dreg:$0xa] =	wrdreg s24  }
0x1b: {  	s17 =	simm.s32 $0x5;
	s24 =	simm.s32 $0xA200;
	s1 =	sadd.s32 $0x9C50, s1  }
0x1c: {  	s10 =	simm.s32 $0x4;
	[dreg:$0x9] =	wrdreg s1;
	s1 =	simm.s32 $0xA180  }
.LBB2_4:
0x1d: {  	[bflag:$0x0] =	sbarrier.arrive $0xFFFF  }
0x1e: {  	s9 =	rddreg [dreg:$0x7]  }
0x1f: {  	[hbm:s9], [sflag:s8] =	dma.local [spmem:s25], $0x1400  }
0x20: {  	_ =	swait.ge [sflag:s17], $0x1400  }
0x21: {  	s11 =	sadd.s32 $0x1, s11;
	s18 =	rddreg [dreg:$0x8]  }
0x22: {  	p0 =	sne.s32 s11, s18  }
.Ltmp1:
0x23: {  	_ = 	snop;
	(pc) =	sbr.rel @!p0 .LBB2_5-.Ltmp1, $3  }
0x24: {  	_ =	sdelay $0x1  }
0x25: {  	[sflag:s17] =	ssyncset.done $0x0  }
0x26: {  	[sflag:s17] =	ssyncadd.s32 $0xFFFFEC00  }
.LBB2_1:
0x27: {  	s9 =	rddreg [dreg:$0xb]  }
0x28: {  	[spmem:s9], [sflag:s8] =	dma.local [hbm:s3], $0x400  }
0x29: {  	_ =	swait.ge [sflag:s17], $0x400  }
0x2a: {  	[sflag:s17] =	ssyncset.done $0x0  }
0x2b: {  	s15 =	rddreg [dreg:$0xc];
	[sflag:s17] =	ssyncadd.s32 $0xFFFFFC00  }
0x2c: {  	[spmem:s15], [sflag:s8] =	dma.local [hbm:s3], $0x400  }
0x2d: {  	_ =	swait.ge [sflag:s17], $0x400  }
0x2e: {  	[sflag:s17] =	ssyncset.done $0x0  }
0x2f: {  	[sflag:s17] =	ssyncadd.s32 $0xFFFFFC00  }
0x30: {  	[spmem:s19], [sflag:s8] =	dma.local [hbm:s3], $0x400  }
0x31: {  	_ =	swait.ge [sflag:s17], $0x400  }
0x32: {  	[sflag:s17] =	ssyncset.done $0x0  }
0x33: {  	[sflag:s17] =	ssyncadd.s32 $0xFFFFFC00  }
0x34: {  	[spmem:s20], [sflag:s8] =	dma.local [hbm:s3], $0x400  }
0x35: {  	_ =	swait.ge [sflag:s17], $0x400  }
0x36: {  	[sflag:s17] =	ssyncset.done $0x0  }
0x37: {  	[sflag:s17] =	ssyncadd.s32 $0xFFFFFC00  }
0x38: {  	[spmem:s21], [sflag:s8] =	dma.local [hbm:s3], $0x400  }
0x39: {  	_ =	swait.ge [sflag:s17], $0x400  }
0x3a: {  	[sflag:s17] =	ssyncset.done $0x0  }
0x3b: {  	[sflag:s17] =	ssyncadd.s32 $0xFFFFFC00  }
0x3c: {  	[bflag:$0x0] =	sbarrier.arrive $0xFFFF  }
0x3d: {  	s16 =	rddreg [dreg:$0x5]  }
0x3e: {  	[tilespmem:s22], [sflag:$0x5] =	stream.linear.gather [hbm4b:s16+s5], $0x80, $0x38;
	[tilespmem:$0xE200] =	vst v63  }
0x3f: {  	_ =	swait.ge [sflag:s17], $0x80  }
0x40: {  	[sflag:s17] =	ssyncset.done $0x0  }
0x41: {  	[sflag:s17] =	ssyncadd.s32 $0xFFFFFF80  }
0x42: {  	[tilespmem:s24], [sflag:$0x1] =	stream.indirect.gather [hbm4b:s6+s23], $0x40, s22, s23, $0xb8;
	[tilespmem:$0xE200] =	vst v63  }
0x43: {  	s18 =	rddreg [dreg:$0x6]  }
0x44: {  	[tilespmem:s26], [sflag:$0x5] =	stream.linear.gather [hbm4b:s18+s5], $0x80, $0x38;
	[tilespmem:$0xE200] =	vst v63  }
0x45: {  	_ =	swait.ge [sflag:s17], $0x80  }
0x46: {  	[sflag:s17] =	ssyncset.done $0x0;
	s15 =	rddreg [dreg:$0xa]  }
0x47: {  	s12 =	simm.s32 $0x0;
	s14 =	rddreg [dreg:$0x9];
	[sflag:s17] =	ssyncadd.s32 $0xFFFFFF80  }
0x48: {  	[tilespmem:s28], [sflag:$0x2] =	stream.indirect.gather [hbm4b:s6+s23], $0x40, s26, s23, $0xb8;
	[tilespmem:$0xE200] =	vst v63  }
.LBB2_2:
0x49: {  	s16 =	sadd.s32 $0xFFFFFFFF, s15  }
0x4a: {  	p0 =	sgt.u32 s16, $0x9C3  }
0x4b: {  	s9 =	sadd.s32 @p0 s12, s13  }
0x4c: {  	s9 =	sadd.s32 @p0 $0xFFFB3C00, s9  }
0x4d: {  	s9 =	sshrl.u32 @p0 s9, $0x3  }
0x4e: {  	s18 =	sadd.s32 @!p0 $0xFFFFFFF0, s14;
	s9 =	sadd.s32 @p0 s0, s9  }
0x4f: {  	s18 =	smov.u32 @p0 s9;
	p0 =	slt.s32 s16, $0x9FD  }
0x50: {  	[tilespmem:s29], [sflag:$0x5] =	stream.linear.gather [hbm4b:s18+s5], $0x80, $0x38;
	[tilespmem:$0xE200] =	vst v63  }
0x51: {  	p1 =	sgt.u32 s16, $0x9C1;
	s16 =	simm.s32 @!p0 $0x9FD;
	_ =	swait.ge [sflag:s17], $0x80  }
0x52: {  	s9 =	sadd.s32 $0x2, s16;
	[sflag:s17] =	ssyncset.done $0x0  }
0x53: {  	s16 =	sshll.u32 @p1 s9, $0x7;
	[sflag:s17] =	ssyncadd.s32 $0xFFFFFF80  }
0x54: {  	s16 =	sadd.s32 @p1 $0xFFFB1E00, s16;
	_ =	swait.ge [sflag:s30], $0x2000  }
0x55: {  	s9 =	sshll.u32 @!p1 s9, $0x4;
	s16 =	sshrl.u32 @p1 s16, $0x3;
	[sflag:s30] =	ssyncset.done $0x0  }
0x56: {  	s9 =	sadd.s32 @!p1 s7, s9;
	s16 =	sadd.s32 @p1 s0, s16;
	[sflag:s30] =	ssyncadd.s32 $0xFFFFE000  }
0x57: {  	[spmem:s4] =	stream.indirect.scatter.add.f32 [tilespmem:s24], [sflag:$0x3], $0x40, s29, s23, $0xb8;
	[tilespmem:$0xE200] =	vst v63  }
0x58: {  	s9 =	smov.u32 @p1 s16  }
0x59: {  	[tilespmem:s22], [sflag:$0x5] =	stream.linear.gather [hbm4b:s9+s5], $0x80, $0x38;
	[tilespmem:$0xE200] =	vst v63  }
0x5a: {  	_ =	swait.ge [sflag:s17], $0x80  }
0x5b: {  	[sflag:s17] =	ssyncset.done $0x0  }
0x5c: {  	[sflag:s17] =	ssyncadd.s32 $0xFFFFFF80  }
0x5d: {  	p0 =	seq.s32 s12, $0x2700;
	_ =	swait.ge [sflag:s31], $0x2000  }
0x5e: {  	s18 =	simm.s32 @!p0 $0xA200;
	[sflag:s31] =	ssyncset.done $0x0  }
0x5f: {  	s16 =	simm.s32 @!p0 $0xA000;
	s9 =	simm.s32 @!p0 $0x80;
	[sflag:s31] =	ssyncadd.s32 $0xFFFFE000  }
0x60: {  	[tilespmem:s18], [sflag:$0x1] =	stream.indirect.gather @!p0 [hbm4b:s6+s9], $0x40, s16, s9, $0xb8;
	[tilespmem:$0xE200] =	vst v63  }
0x61: {  	s18 =	sadd.s32 s12, s13  }
0x62: {  	s9 =	sadd.s32 $0xFFFB3C80, s18  }
0x63: {  	s9 =	sshrl.u32 s9, $0x3  }
0x64: {  	p1 =	slt.u32 s15, $0x9C4;
	s9 =	sadd.s32 s0, s9  }
0x65: {  	s9 =	smov.u32 @p1 s14  }
0x66: {  	[tilespmem:s1], [sflag:$0x5] =	stream.linear.gather [hbm4b:s9+s5], $0x80, $0x38;
	[tilespmem:$0xE200] =	vst v63  }
0x67: {  	p1 =	slt.s32 s15, $0x9FD;
	s9 =	smov.u32 s15  }
0x68: {  	_ =	swait.ge [sflag:s17], $0x80;
	s9 =	simm.s32 @!p1 $0x9FD  }
0x69: {  	p1 =	sgt.u32 s15, $0x9C1;
	[sflag:s17] =	ssyncset.done $0x0;
	s9 =	sadd.s32 $0x2, s9  }
0x6a: {  	[sflag:s17] =	ssyncadd.s32 $0xFFFFFF80;
	s16 =	sshll.u32 @p1 s9, $0x7  }
0x6b: {  	_ =	swait.ge [sflag:s2], $0x2000;
	s16 =	sadd.s32 @p1 $0xFFFB1E00, s16  }
0x6c: {  	s9 =	sshll.u32 @!p1 s9, $0x4;
	[sflag:s2] =	ssyncset.done $0x0;
	s16 =	sshrl.u32 @p1 s16, $0x3  }
0x6d: {  	s9 =	sadd.s32 @!p1 s7, s9;
	[sflag:s2] =	ssyncadd.s32 $0xFFFFE000;
	s16 =	sadd.s32 @p1 s0, s16  }
0x6e: {  	[spmem:s4] =	stream.indirect.scatter.add.f32 [tilespmem:s28], [sflag:$0x4], $0x40, s1, s23, $0xb8;
	[tilespmem:$0xE200] =	vst v63  }
0x6f: {  	s9 =	smov.u32 @p1 s16  }
0x70: {  	[tilespmem:s26], [sflag:$0x5] =	stream.linear.gather [hbm4b:s9+s5], $0x80, $0x38;
	[tilespmem:$0xE200] =	vst v63  }
0x71: {  	_ =	swait.ge [sflag:s17], $0x80  }
.Ltmp2:
0x72: {  	[sflag:s17] =	ssyncset.done $0x0;
	(pc) =	sbr.rel @p0 .LBB2_4-.Ltmp2, $4  }
0x73: {  	[sflag:s17] =	ssyncadd.s32 $0xFFFFFF80  }
0x74: {  	_ =	swait.ge [sflag:s10], $0x2000  }
0x75: {  	[sflag:s10] =	ssyncset.done $0x0  }
0x76: {  	[sflag:s10] =	ssyncadd.s32 $0xFFFFE000  }
.Ltmp3:
0x77: {  	(pc) =	sbr.rel .LBB2_2-.Ltmp3, $3  }
0x78: {  	_ =	sdelay $0x1  }
0x79: {  	[tilespmem:s28], [sflag:$0x2] =	stream.indirect.gather [hbm4b:s6+s23], $0x40, s26, s23, $0xb8;
	[tilespmem:$0xE200] =	vst v63  }
0x7a: {  	s12 =	sadd.s32 $0x100, s12;
	s14 =	sadd.s32 $0x20, s14;
	s15 =	sadd.s32 $0x2, s15  }
.LBB2_5:
0x7b: {  	_ =	sfence.sel $0x180000  }
0x7c: {  	[bflag:$0x0] =	sbarrier.arrive $0xFFFF  }
0x7d: {  	_ =	strace $0x9000004D  }
0x7e: {  	s0 =	stileid.u32;
	[bflag:$0x2] =	sbarrier.arrive $0xFFFF  }
0x7f: {  	p0 =	sne.s32 s0, $0x0;
	s0 =	rddreg [dreg:$0x4]  }
0x80: {  	s0 =	sadd.s32 @!p0 $0x100000, s0  }
0x81: {  	[sflag:s0] =	ssyncadd.tile.s32 @!p0 $0x1;
	_ =	shalt  }
.Lfunc_end2:
_tile_overlayer_lowered:
.L_overlay_start_2:
0x82: {  	(tag) =	ssettag $0x2  }
0x83: {  	s0 =	rddreg [dreg:$0x0];
	s2 =	stileid.u32  }
0x84: {  	s1 =	rddreg [dreg:$0x1];
	p0 =	sne.s32 s2, $0x0  }
0x85: {  	s3 =	rddreg [dreg:$0x2];
	[bflag:$0x3] =	sbarrier.arrive $0xFFFF;
	s2 =	simm.s32 @!p0 $0x1C05  }
0x86: {  	[timem:s3], [sflag:s2] =	dma.local @!p0 [hbm:s0], s1  }
0x87: {  	s0 =	simm.s32 @!p0 $0x5  }
0x88: {  	_ =	swait.ge @!p0 [sflag:s0], s1  }
0x89: {  	s1 =	ssub.s32 @!p0 $0x0, s1;
	[sflag:s0] =	ssyncset.done @!p0 $0x0  }
0x8a: {  	[sflag:s0] =	ssyncadd.s32 @!p0 s1  }
0x8b: {  	[bflag:$0x3] =	sbarrier.arrive $0xFFFF  }
0x8c: {  	_ =	shalt  }

// kernel: kernel.8.cloned.1.call-start
scs
__scs_entry_jumppad:
0x0: {  	(pc) =	sbr.rel $0x88, $3  }
0x1: {  	(tag) =	ssettag $0x0;
	lr =	simm.s32 $0x1  }
0x2: {  	[smem:$0x3F99] =	sst lr;
	_ =	strace $0xD0000000  }
0x3: {  	_ = 	snop  }
0x4: {  	_ = 	snop  }
0x5: {  	_ = 	snop  }
0x6: {  	_ = 	snop  }
0x7: {  	_ = 	snop  }
__scs_overlays_trampoline_lowered:
0x8: {  	[smem:$0x3FA8] =	sst s0  }
0x9: {  	[smem:$0x3FA9] =	sst s1  }
0xa: {  	[smem:$0x3FAA] =	sst s2  }
0xb: {  	[smem:$0x3FAB] =	sst s3  }
0xc: {  	[smem:$0x3FAC] =	sst s4  }
0xd: {  	[smem:$0x3FAD] =	sst s5  }
0xe: {  	[smem:$0x3FAE] =	sst s6  }
0xf: {  	[smem:$0x3FAF] =	sst s7  }
0x10: {  	[smem:$0x3FB0] =	sst s8  }
0x11: {  	[smem:$0x3FB1] =	sst s9;
	s0 =	simm.s32 @!p0 $0x0  }
0x12: {  	s1 =	sld [smem:$0x3F97];
	s0 =	simm.s32 @p0 $0x1  }
0x13: {  	[smem:$0x3FB2] =	sst s0;
	s0 =	simm.s32 @!p1 $0x0  }
0x14: {  	s2 =	sld [smem:$0x3F96];
	s0 =	simm.s32 @p1 $0x1  }
0x15: {  	[smem:$0x3FB3] =	sst s0;
	s0 =	simm.s32 @!p2 $0x0  }
0x16: {  	s3 =	sld [smem:$0x3FDB];
	s0 =	simm.s32 @p2 $0x1  }
0x17: {  	s4 =	simm.s32 $0x1BF5;
	[smem:$0x3FB5] =	sst s0  }
0x18: {  	s0 =	sld [smem:$0x3F98];
	_ =	swait.ge [sflag:s4], $0x0  }
0x19: {  	s7 =	sld [smem:$0x3F99]  }
0x1a: {  	s8 =	sadd.s32 $0xFFFFE003, lr  }
0x1b: {  	s9 =	sadd.s32 $0xFFFFFEF7, lr;
	s5 =	simm.s32 $0xFFFFFFFF;
	p2 =	slt.u32 s8, $0xFFFFF086  }
0x1c: {  	p1 =	slt.u32 s9, $0xF7A;
	s5 =	simm.s32 @!p2 $0x0  }
0x1d: {  	s5 =	simm.s32 @p1 $0x1;
	p0 =	seq.s32 s7, s2  }
0x1e: {  	s7 =	smul.u32 @!p0 $0xF7A, s2;
	p2 =	seq.s32 @!p0 s5, $0x0  }
0x1f: {  	s9 =	smul.u32 $0xF7A, s1;
	s8 =	simm.s32 @!p0 $0x1BF5;
	p2 =	por !p2, p0  }
0x20: {  	[sflag:s8] =	ssyncset.s32 @!p0 $0xFFFFF086;
	s6 =	sadd.s32 @!p0 s3, s7;
	s7 =	simm.s32 @!p0 $0x108  }
0x21: {  	s3 =	sadd.s32 s3, s9;
	s6 =	sadd.s32 @!p0 $0x88, s6;
	s7 =	simm.s32 @p2 $0x1082  }
0x22: {  	[simem:s7], [sflag:s8] =	dma.local @!p0 [hbm:s6], $0xF7A  }
0x23: {  	s9 =	sor.u32 $0xD0000000, s2;
	s6 =	simm.s32 $0x108;
	_ =	swait.ge @!p0 [sflag:s8], $0x0  }
0x24: {  	s3 =	sadd.s32 $0x88, s3;
	s6 =	simm.s32 @!p1 $0x1082;
	[sflag:s4] =	ssyncset.s32 $0xFFFFF086  }
0x25: {  	[simem:s6], [sflag:s4] =	dma.local [hbm:s3], $0xF7A  }
0x26: {  	[smem:$0x3F99] =	sst s1;
	(tag) =	ssettag s2;
	_ =	strace s9  }
0x27: {  	s1 =	sld [smem:$0x3FA9]  }
0x28: {  	s2 =	sld [smem:$0x3FAA]  }
0x29: {  	s4 =	sld [smem:$0x3FAC]  }
0x2a: {  	p0 =	seq.s32 s5, $0x0;
	s5 =	sld [smem:$0x3FAD]  }
0x2b: {  	s6 =	sld [smem:$0x3FAE]  }
0x2c: {  	s7 =	sld [smem:$0x3FAF]  }
0x2d: {  	s3 =	simm.s32 $0x108;
	s8 =	sld [smem:$0x3FB0]  }
0x2e: {  	s3 =	simm.s32 @!p0 $0x1082;
	s9 =	sld [smem:$0x3FB1]  }
0x2f: {  	lr =	sadd.s32 s0, s3;
	s0 =	sld [smem:$0x3FA8]  }
0x30: {  	s3 =	sld [smem:$0x3FAB]  }
0x31: {  	[smem:$0x3FB4] =	sst s10  }
0x32: {  	s10 =	sld [smem:$0x3FB2];
	_ =	sdelay $0x3  }
0x33: {  	p0 =	seq.s32 s10, $0x1;
	s10 =	sld [smem:$0x3FB4];
	_ =	sdelay $0x3  }
0x34: {  	[smem:$0x3FB4] =	sst s10  }
0x35: {  	s10 =	sld [smem:$0x3FB3];
	_ =	sdelay $0x3  }
0x36: {  	p1 =	seq.s32 s10, $0x1;
	s10 =	sld [smem:$0x3FB4];
	_ =	sdelay $0x3  }
0x37: {  	[smem:$0x3FB4] =	sst s10  }
0x38: {  	s10 =	sld [smem:$0x3FB5]  }
0x39: {  	_ = 	snop;
	(pc) =	sbr.ind lr, $3  }
0x3a: {  	_ = 	snop  }
0x3b: {  	_ = 	snop  }
0x3c: {  	p2 =	seq.s32 s10, $0x1;
	s10 =	sld [smem:$0x3FB4]  }
0x3d: {  	_ =	shalt  }
0x3e: {  	_ =	shalt  }
0x3f: {  	_ =	shalt  }
0x40: {  	_ =	shalt  }
0x41: {  	_ =	shalt  }
0x42: {  	_ =	shalt  }
0x43: {  	_ =	shalt  }
0x44: {  	_ =	shalt  }
0x45: {  	_ =	shalt  }
0x46: {  	_ =	shalt  }
0x47: {  	_ =	shalt  }
0x48: {  	_ =	shalt  }
0x49: {  	_ =	shalt  }
0x4a: {  	_ =	shalt  }
0x4b: {  	_ =	shalt  }
0x4c: {  	_ =	shalt  }
0x4d: {  	_ =	shalt  }
0x4e: {  	_ =	shalt  }
0x4f: {  	_ =	shalt  }
0x50: {  	_ =	shalt  }
0x51: {  	_ =	shalt  }
0x52: {  	_ =	shalt  }
0x53: {  	_ =	shalt  }
0x54: {  	_ =	shalt  }
0x55: {  	_ =	shalt  }
0x56: {  	_ =	shalt  }
0x57: {  	_ =	shalt  }
0x58: {  	_ =	shalt  }
0x59: {  	_ =	shalt  }
0x5a: {  	_ =	shalt  }
0x5b: {  	_ =	shalt  }
0x5c: {  	_ =	shalt  }
0x5d: {  	_ =	shalt  }
0x5e: {  	_ =	shalt  }
0x5f: {  	_ =	shalt  }
0x60: {  	_ =	shalt  }
0x61: {  	_ =	shalt  }
0x62: {  	_ =	shalt  }
0x63: {  	_ =	shalt  }
0x64: {  	_ =	shalt  }
0x65: {  	_ =	shalt  }
0x66: {  	_ =	shalt  }
0x67: {  	_ =	shalt  }
0x68: {  	_ =	shalt  }
0x69: {  	_ =	shalt  }
0x6a: {  	_ =	shalt  }
0x6b: {  	_ =	shalt  }
0x6c: {  	_ =	shalt  }
0x6d: {  	_ =	shalt  }
0x6e: {  	_ =	shalt  }
0x6f: {  	_ =	shalt  }
0x70: {  	_ =	shalt  }
0x71: {  	_ =	shalt  }
0x72: {  	_ =	shalt  }
0x73: {  	_ =	shalt  }
0x74: {  	_ =	shalt  }
0x75: {  	_ =	shalt  }
0x76: {  	_ =	shalt  }
0x77: {  	_ =	shalt  }
0x78: {  	_ =	shalt  }
0x79: {  	_ =	shalt  }
0x7a: {  	_ =	shalt  }
0x7b: {  	_ =	shalt  }
0x7c: {  	_ =	shalt  }
0x7d: {  	_ =	shalt  }
0x7e: {  	_ =	shalt  }
0x7f: {  	_ =	shalt  }
0x80: {  	_ =	shalt  }
0x81: {  	_ =	shalt  }
0x82: {  	_ =	shalt  }
0x83: {  	_ =	shalt  }
0x84: {  	_ =	shalt  }
0x85: {  	_ =	shalt  }
0x86: {  	_ =	shalt  }
0x87: {  	_ =	shalt  }
.Lfunc_end0:
.L_simem_size_0:
called_computation_lowered:
.L_overlay_start_0:
0x88: {  	s2 =	sld [smem:$0x3FD9]  }
0x89: {  	s3 =	sld [smem:$0x3FFE];
	_ =	sdelay $0x1  }
0x8a: {  	s1 =	srdreg.scid  }
0x8b: {  	s0 =	sand.u32 $0x1, s1  }
0x8c: {  	s14 =	sshll.u32 s0, $0xA;
	s2 =	sadd.s32 s3, s2  }
0x8d: {  	s2 =	sadd.s32 s2, s14  }
0x8e: {  	[smem:$0x3FC0] =	sst s2  }
0x8f: {  	_ = 	snop  }
0x90: {  	s2 =	sld [smem:$0x3FD0];
	_ =	sdelay $0x2  }
0x91: {  	s15 =	simm.s32 $0xA;
	s4 =	simm.s32 $0x10  }
0x92: {  	[smem:s4], [sflag:s15] =	dma.local [hbm:s2], $0x1  }
0x93: {  	_ =	swait.eq [sflag:s15], $0x1  }
0x94: {  	[sflag:s15] =	ssyncset.done $0x0  }
0x95: {  	s16 =	sld [smem:$0x10];
	[sflag:s15] =	ssyncadd.s32 $0xFFFFFFFF  }
0x96: {  	s17 =	sld [smem:$0x11];
	(tm) =	ssettm $0x1  }
0x97: {  	s18 =	sld [smem:$0x3FFB];
	_ =	sdelay $0x3  }
0x98: {  	_ =	strace s18  }
0x99: {  	s4 =	sld [smem:$0x3FFC];
	_ =	sdelay $0x3  }
0x9a: {  	_ =	strace s4  }
0x9b: {  	s4 =	sld [smem:$0x3FFD];
	_ =	sdelay $0x3  }
0x9c: {  	_ =	strace s4  }
0x9d: {  	_ =	strace $0x8FFFFFFF  }
0x9e: {  	s19 =	sld [smem:$0x3FDB];
	_ =	sdelay $0x1  }
0x9f: {  	s5 =	simm.s32 $_scs_section_size  }
0xa0: {  	s6 =	simm.s32 $_size__tile_overlayer_lowered;
	s7 =	simm.s32 $_tile_overlayer_lowered  }
0xa1: {  	s22 =	simm.s32 $0x1BFF;
	s21 =	sshll.u32 s7, $0x1;
	s4 =	sadd.s32 s5, s19  }
0xa2: {  	s8 =	simm.s32 $0x0;
	s20 =	sshll.u32 s6, $0x1;
	s6 =	sadd.s32 s21, s4  }
0xa3: {  	[timem:s8], [sflag:s22] =	dma.local [hbm:s6], s20  }
0xa4: {  	_ =	swait.ge [sflag:s22], s20  }
0xa5: {  	s5 =	ssub.s32 $0x0, s20;
	[sflag:s22] =	ssyncset.done $0x0  }
0xa6: {  	[sflag:s22] =	ssyncadd.s32 s5;
	_ =	sdelay $0x1  }
0xa7: {  	s23 =	simm.s32 $0x1B8B  }
0xa8: {  	_ =	swait.ge [sflag:s23], $0x1  }
0xa9: {  	[sflag:s23] =	ssyncset.done $0x0  }
0xaa: {  	s25 =	simm.s32 $0x1B8E;
	s24 =	sld [smem:$0x3FFE];
	[sflag:s23] =	ssyncadd.s32 $0xFFFFFFFF  }
0xab: {  	s26 =	simm.s32 $execute0_lowered;
	[smem:$0x3FD2] =	sst s25  }
0xac: {  	s6 =	sshll.u32 s26, $0x1;
	_ =	strace $0x80000046;
	[dreg:$0x1] =	wrdreg $0xFFFFFFFF  }
0xad: {  	s28 =	simm.s32 $_size_execute0_lowered;
	s4 =	sadd.s32 s4, s6;
	[dreg:$0x0] =	wrdreg $0x0  }
0xae: {  	s6 =	sshll.u32 s28, $0x1;
	[dreg:$0x2] =	wrdreg s4  }
0xaf: {  	[dreg:$0x3] =	wrdreg s6  }
0xb0: {  	[dreg:$0x4] =	wrdreg $0xC0  }
0xb1: {  	_ =	task [dreg:s8], $0x5FFFF  }
0xb2: {  	[dreg:$0x1] =	wrdreg $0xFFFFFFFF  }
0xb3: {  	[dreg:$0x0] =	wrdreg $0x60  }
0xb4: {  	[dreg:$0x2] =	wrdreg s24  }
0xb5: {  	[dreg:$0x3] =	wrdreg s16  }
0xb6: {  	[dreg:$0x4] =	wrdreg s17  }
0xb7: {  	[dreg:$0x5] =	wrdreg $0x0  }
0xb8: {  	[dreg:$0x6] =	wrdreg $0x9  }
0xb9: {  	_ =	task.clear_ibuf [dreg:s8], $0x7FFFF;
	_ =	strace $0x90000046  }
0xba: {  	s29 =	simm.s32 $0x9;
	_ =	strace $0x80000048  }
0xbb: {  	_ =	swait.ge [sflag:s29], $0x1  }
0xbc: {  	[sflag:s29] =	ssyncadd.s32 $0xFFFFFFFF  }
0xbd: {  	_ =	strace $0x90000048  }
0xbe: {  	_ =	sfence  }
0xbf: {  	s30 =	sld [smem:$0x0];
	_ =	sdelay $0x2  }
0xc0: {  	s31 =	sshll.u32 s1, $0xD;
	s1 =	sshrl.u32 s1, $0x2  }
0xc1: {  	s3 =	sand.u32 $0x4000, s31;
	s1 =	sadd.s32 s1, s30  }
0xc2: {  	s0 =	sor.u32 s3, s0;
	s1 =	sshll.u32 s1, $0x11  }
0xc3: {  	s0 =	sor.u32 s1, s0  }
0xc4: {  	s0 =	sadd.s32 $0x8F2B, s0  }
0xc5: {  	[sflag:s0] =	ssyncadd.remote.s32 $0x1  }
0xc6: {  	_ =	sfence.sel $0xFFFF  }
0xc7: {  	[dreg:$0x0] =	wrdreg $0xFFFFFFFF;
	(pc) =	sbr.abs _section_cstart, $3  }
0xc8: {  	[dreg:$0x1] =	wrdreg $0xFFFFFFFF  }
0xc9: {  	_ =	task.clear_ibuf [dreg:s8], $0x2FFFF;
	_ =	strace $0x9FFFFFFF  }
0xca: {  	(tm) =	ssettm $0x7FFFFFFF  }
0xcb: {  	_ =	shalt  }
tec
execute0_lowered:
.L_overlay_start_1:
0x0: {  	(tag) =	ssettag $0x1  }
0x1: {  	s0 =	rddreg [dreg:$0x0]  }
0x2: {  	s1 =	rddreg [dreg:$0x1]  }
0x3: {  	s10 =	rddreg [dreg:$0x2];
	s4 =	stileid.u32  }
0x4: {  	s2 =	rddreg [dreg:$0x3];
	s3 =	simm.s32 $0x0;
	s8 =	smul.u32 $0x5000, s4  }
0x5: {  	s5 =	srdreg.scid;
	s28 =	simm.s32 $0x0;
	s16 =	smul.u32 $0x1400, s4  }
0x6: {  	[smem:$0x7FF] =	sst s3;
	s12 =	sadd.s32 $0x2A00, s0;
	s18 =	smul.u32 $0x50, s4  }
0x7: {  	s13 =	sand.u32 $0x1, s5;
	s25 =	sadd.s32 $0x16600, s0;
	s22 =	smul.u32 $0x500, s4  }
0x8: {  	s6 =	sadd.s32 $0x16400, s0;
	s29 =	sshll.u32 s4, $0x6;
	s26 =	smul.u32 $0x14000, s13  }
0x9: {  	_ =	strace $0x80000047;
	[dreg:$0x5] =	wrdreg s25;
	s31 =	smul.u32 $0x500, s13  }
0xa: {  	s7 =	sshll.u32 s13, $0x4;
	s9 =	ssub.s32 $0x2, s13;
	s25 =	smul.u32 $0x28000, s13  }
0xb: {  	s13 =	smul.u32 $0x5000, s13;
	s7 =	sor.u32 s4, s7;
	s11 =	sshrl.u32 s9, $0x1  }
0xc: {  	s8 =	sshrl.u32 s8, $0x2;
	s7 =	smul.u32 $0x2800, s7;
	s11 =	ssub.s32 s9, s11  }
0xd: {  	s15 =	sadd.s32 s8, s2;
	s17 =	sadd.s32 s16, s26;
	s9 =	sadd.s32 $0xC640, s0  }
0xe: {  	s26 =	sadd.s32 s16, s2;
	s13 =	sadd.s32 s13, s12;
	s16 =	simm.s32 $0x2  }
0xf: {  	s24 =	sshrl.u32 s17, $0x3;
	s11 =	smax.u32 s11, $0x1;
	s19 =	sadd.s32 $0x400, s15  }
0x10: {  	s20 =	sadd.s32 $0x800, s15;
	s21 =	sadd.s32 $0xC00, s15;
	s14 =	sshrl.u32 s7, $0x3  }
0x11: {  	s7 =	sor.u32 $0x1C02, s29;
	s10 =	sadd.s32 s10, s24;
	s29 =	smul.u32 $0x2800, s4  }
0x12: {  	s17 =	sshrl.u32 s19, $0x3;
	s19 =	sshrl.u32 s21, $0x3;
	s21 =	simm.s32 $0x1500  }
0x13: {  	s24 =	simm.s32 $0x1480;
	s30 =	sadd.s32 s12, s14;
	s14 =	sadd.s32 s18, s31  }
0x14: {  	s31 =	sadd.s32 s22, s13;
	s18 =	sshrl.u32 s20, $0x3;
	s22 =	simm.s32 $0x1400  }
0x15: {  	s23 =	sadd.s32 $0x9C40, s30;
	s12 =	sor.u32 $0x1, s14;
	s30 =	sadd.s32 s29, s25  }
0x16: {  	s14 =	sadd.s32 $0x9C50, s31;
	s25 =	sshrl.u32 s26, $0x3;
	s26 =	simm.s32 $0x1  }
0x17: {  	[dreg:$0x6] =	wrdreg s23;
	s23 =	sadd.s32 $0x1000, s15;
	s13 =	sadd.s32 $0xFFFB3C80, s30  }
0x18: {  	s15 =	sshrl.u32 s15, $0x3;
	s20 =	sshrl.u32 s23, $0x3;
	s23 =	simm.s32 $0x80  }
.LBB2_1:
0x19: {  	[spmem:s15], [sflag:s7] =	dma.local [hbm:s6], $0x80  }
0x1a: {  	_ =	swait.ge [sflag:s16], $0x80  }
0x1b: {  	[sflag:s16] =	ssyncset.done $0x0  }
0x1c: {  	[sflag:s16] =	ssyncadd.s32 $0xFFFFFF80  }
0x1d: {  	[spmem:s17], [sflag:s7] =	dma.local [hbm:s6], $0x80  }
0x1e: {  	_ =	swait.ge [sflag:s16], $0x80  }
0x1f: {  	[sflag:s16] =	ssyncset.done $0x0  }
0x20: {  	[sflag:s16] =	ssyncadd.s32 $0xFFFFFF80  }
0x21: {  	[spmem:s18], [sflag:s7] =	dma.local [hbm:s6], $0x80  }
0x22: {  	_ =	swait.ge [sflag:s16], $0x80  }
0x23: {  	[sflag:s16] =	ssyncset.done $0x0  }
0x24: {  	[sflag:s16] =	ssyncadd.s32 $0xFFFFFF80  }
0x25: {  	[spmem:s19], [sflag:s7] =	dma.local [hbm:s6], $0x80  }
0x26: {  	_ =	swait.ge [sflag:s16], $0x80  }
0x27: {  	[sflag:s16] =	ssyncset.done $0x0  }
0x28: {  	[sflag:s16] =	ssyncadd.s32 $0xFFFFFF80  }
0x29: {  	[spmem:s20], [sflag:s7] =	dma.local [hbm:s6], $0x80  }
0x2a: {  	_ =	swait.ge [sflag:s16], $0x80  }
0x2b: {  	[sflag:s16] =	ssyncset.done $0x0  }
0x2c: {  	s0 =	rddreg [dreg:$0x5];
	[sflag:s16] =	ssyncadd.s32 $0xFFFFFF80  }
0x2d: {  	[tilespmem:s21], [sflag:$0x2] =	stream.linear.gather [hbm4b:s0+s3], $0x400, $0x38;
	[tilespmem:$0x1900] =	vst v63  }
0x2e: {  	_ =	swait.ge [sflag:s16], $0x400  }
0x2f: {  	[sflag:s16] =	ssyncset.done $0x0  }
0x30: {  	[sflag:s16] =	ssyncadd.s32 $0xFFFFFC00  }
0x31: {  	[bflag:$0x0] =	sbarrier.arrive $0xFFFF  }
0x32: {  	s5 =	rddreg [dreg:$0x6]  }
0x33: {  	[tilespmem:s22], [sflag:$0x2] =	stream.linear.gather [hbm4b:s5+s3], $0x80, $0x38;
	[tilespmem:$0x1900] =	vst v63  }
0x34: {  	s8 =	sadd.s32 $0xFFFFFFFF, s12;
	_ =	swait.ge [sflag:s16], $0x80  }
0x35: {  	s29 =	sshrl.u32 s13, $0x3;
	s30 =	sadd.s32 $0x0, s14;
	[sflag:s16] =	ssyncset.done $0x0  }
0x36: {  	p0 =	slt.u32 s8, $0x9C4;
	s0 =	sadd.s32 s1, s29;
	[sflag:s16] =	ssyncadd.s32 $0xFFFFFF80  }
0x37: {  	[spmem:s2] =	stream.indirect.scatter.add.f32 [tilespmem:s21], [sflag:$0x1], $0x8, s22, s23, $0xb8;
	[tilespmem:$0x1900] =	vst v63  }
0x38: {  	s0 =	smov.u32 @p0 s30  }
0x39: {  	[tilespmem:s24], [sflag:$0x2] =	stream.linear.gather [hbm4b:s0+s3], $0x80, $0x38;
	[tilespmem:$0x1900] =	vst v63  }
0x3a: {  	p0 =	slt.s32 s12, $0x9FE;
	s0 =	smov.u32 s12  }
0x3b: {  	_ =	swait.ge [sflag:s16], $0x80;
	s0 =	simm.s32 @!p0 $0x9FE  }
0x3c: {  	p0 =	sgt.u32 s12, $0x9C2;
	[sflag:s16] =	ssyncset.done $0x0;
	s0 =	sadd.s32 $0x1, s0  }
0x3d: {  	[sflag:s16] =	ssyncadd.s32 $0xFFFFFF80;
	s29 =	sshll.u32 @p0 s0, $0x7  }
0x3e: {  	_ =	swait.ge [sflag:s26], $0x400;
	s29 =	sadd.s32 @p0 $0xFFFB3C00, s29  }
0x3f: {  	s0 =	sshll.u32 @!p0 s0, $0x4;
	[sflag:s26] =	ssyncset.done $0x0;
	s29 =	sshrl.u32 @p0 s29, $0x3  }
0x40: {  	s0 =	sadd.s32 @!p0 s0, s9;
	[sflag:s26] =	ssyncadd.s32 $0xFFFFFC00;
	s29 =	sadd.s32 @p0 s1, s29  }
0x41: {  	[spmem:s2] =	stream.indirect.scatter.add.f32 [tilespmem:s21], [sflag:$0x1], $0x8, s24, s23, $0xb8;
	[tilespmem:$0x1900] =	vst v63  }
0x42: {  	s0 =	smov.u32 @p0 s29  }
0x43: {  	[tilespmem:s22], [sflag:$0x2] =	stream.linear.gather [hbm4b:s0+s3], $0x80, $0x38;
	[tilespmem:$0x1900] =	vst v63  }
0x44: {  	_ =	swait.ge [sflag:s16], $0x80  }
0x45: {  	s31 =	simm.s32 $0x40;
	s30 =	sadd.s32 $0x100, s13;
	[sflag:s16] =	ssyncset.done $0x0  }
0x46: {  	s29 =	sadd.s32 $0x2, s12;
	s0 =	sadd.s32 $0x20, s14;
	[sflag:s16] =	ssyncadd.s32 $0xFFFFFF80  }
.LBB2_2:
0x47: {  	s4 =	sadd.s32 $0xFFFFFFFF, s29  }
0x48: {  	s5 =	sshrl.u32 s30, $0x3;
	_ =	swait.ge [sflag:s26], $0x400;
	s8 =	smov.u32 s31  }
0x49: {  	p0 =	slt.u32 s4, $0x9C4;
	s4 =	sadd.s32 s1, s5;
	[sflag:s26] =	ssyncset.done $0x0  }
0x4a: {  	s31 =	sadd.s32 $0x20, s31;
	s4 =	smov.u32 @p0 s0;
	[sflag:s26] =	ssyncadd.s32 $0xFFFFFC00  }
0x4b: {  	[spmem:s2] =	stream.indirect.scatter.add.f32 [tilespmem:s21], [sflag:$0x1], $0x8, s22, s23, $0xb8;
	[tilespmem:$0x1900] =	vst v63  }
0x4c: {  	p1 =	slt.s32 s29, $0x9FE;
	p0 =	sne.s32 s31, $0x500;
	s0 =	smov.u32 s29  }
0x4d: {  	[tilespmem:s24], [sflag:$0x2] =	stream.linear.gather [hbm4b:s4+s3], $0x80, $0x38;
	[tilespmem:$0x1900] =	vst v63  }
0x4e: {  	s0 =	simm.s32 @!p1 $0x9FE;
	_ =	swait.ge [sflag:s16], $0x80  }
0x4f: {  	p1 =	sgt.u32 s29, $0x9C2;
	s0 =	sadd.s32 $0x1, s0;
	[sflag:s16] =	ssyncset.done $0x0  }
0x50: {  	s4 =	sshll.u32 @p1 s0, $0x7;
	s0 =	sshll.u32 @!p1 s0, $0x4;
	[sflag:s16] =	ssyncadd.s32 $0xFFFFFF80  }
0x51: {  	s4 =	sadd.s32 @p1 $0xFFFB3C00, s4;
	_ =	swait.ge [sflag:s26], $0x400  }
0x52: {  	s4 =	sshrl.u32 @p1 s4, $0x3;
	[sflag:s26] =	ssyncset.done $0x0  }
0x53: {  	s0 =	sadd.s32 @!p1 s0, s9;
	s4 =	sadd.s32 @p1 s1, s4;
	[sflag:s26] =	ssyncadd.s32 $0xFFFFFC00  }
0x54: {  	[spmem:s2] =	stream.indirect.scatter.add.f32 [tilespmem:s21], [sflag:$0x1], $0x8, s24, s23, $0xb8;
	[tilespmem:$0x1900] =	vst v63  }
.Ltmp0:
0x55: {  	s0 =	smov.u32 @p1 s4;
	(pc) =	sbr.rel @p0 .LBB2_2-.Ltmp0, $4  }
0x56: {  	[tilespmem:s22], [sflag:$0x2] =	stream.linear.gather [hbm4b:s0+s3], $0x80, $0x38;
	[tilespmem:$0x1900] =	vst v63  }
0x57: {  	_ =	swait.ge [sflag:s16], $0x80  }
0x58: {  	s30 =	sadd.s32 $0x100, s30;
	[sflag:s16] =	ssyncset.done $0x0  }
0x59: {  	s29 =	sadd.s32 $0x2, s29;
	s0 =	sadd.s32 s8, s14;
	[sflag:s16] =	ssyncadd.s32 $0xFFFFFF80  }
0x5a: {  	_ =	swait.ge [sflag:s26], $0x400  }
0x5b: {  	s4 =	sadd.s32 $0xFFFFFFFF, s29;
	s5 =	sshrl.u32 s30, $0x3;
	[sflag:s26] =	ssyncset.done $0x0  }
0x5c: {  	p0 =	slt.u32 s4, $0x9C4;
	s4 =	sadd.s32 s1, s5;
	[sflag:s26] =	ssyncadd.s32 $0xFFFFFC00  }
0x5d: {  	[spmem:s2] =	stream.indirect.scatter.add.f32 [tilespmem:s21], [sflag:$0x1], $0x8, s22, s23, $0xb8;
	[tilespmem:$0x1900] =	vst v63  }
0x5e: {  	p1 =	slt.s32 s29, $0x9FE;
	s4 =	smov.u32 @p0 s0  }
0x5f: {  	[tilespmem:s24], [sflag:$0x2] =	stream.linear.gather [hbm4b:s4+s3], $0x80, $0x38;
	[tilespmem:$0x1900] =	vst v63  }
0x60: {  	p0 =	sgt.u32 s29, $0x9C2;
	s29 =	simm.s32 @!p1 $0x9FE;
	_ =	swait.ge [sflag:s16], $0x80  }
0x61: {  	s0 =	sadd.s32 $0x1, s29;
	[sflag:s16] =	ssyncset.done $0x0  }
0x62: {  	s4 =	sshll.u32 @p0 s0, $0x7;
	[sflag:s16] =	ssyncadd.s32 $0xFFFFFF80  }
0x63: {  	s4 =	sadd.s32 @p0 $0xFFFB3C00, s4;
	_ =	swait.ge [sflag:s26], $0x400  }
0x64: {  	s0 =	sshll.u32 @!p0 s0, $0x4;
	s4 =	sshrl.u32 @p0 s4, $0x3;
	[sflag:s26] =	ssyncset.done $0x0  }
0x65: {  	s0 =	sadd.s32 @!p0 s0, s9;
	s4 =	sadd.s32 @p0 s1, s4;
	[sflag:s26] =	ssyncadd.s32 $0xFFFFFC00  }
0x66: {  	[spmem:s2] =	stream.indirect.scatter.add.f32 [tilespmem:s21], [sflag:$0x1], $0x8, s24, s23, $0xb8;
	[tilespmem:$0x1900] =	vst v63  }
0x67: {  	s0 =	smov.u32 @p0 s4  }
0x68: {  	[tilespmem:s22], [sflag:$0x2] =	stream.linear.gather [hbm4b:s0+s3], $0x80, $0x38;
	[tilespmem:$0x1900] =	vst v63  }
0x69: {  	_ =	swait.ge [sflag:s16], $0x80  }
0x6a: {  	[sflag:s16] =	ssyncset.done $0x0  }
0x6b: {  	[sflag:s16] =	ssyncadd.s32 $0xFFFFFF80  }
0x6c: {  	_ =	swait.ge [sflag:s26], $0x400  }
0x6d: {  	s28 =	sadd.s32 $0x1, s28;
	[sflag:s26] =	ssyncset.done $0x0  }
0x6e: {  	p0 =	sne.s32 s28, s11;
	[sflag:s26] =	ssyncadd.s32 $0xFFFFFC00  }
.Ltmp1:
0x6f: {  	[bflag:$0x0] =	sbarrier.arrive $0xFFFF;
	(pc) =	sbr.rel @p0 .LBB2_1-.Ltmp1, $4  }
0x70: {  	[hbm:s10], [sflag:s7] =	dma.local [spmem:s25], $0x280  }
0x71: {  	_ =	swait.ge [sflag:s16], $0x280  }
0x72: {  	[sflag:s16] =	ssyncset.done $0x0  }
0x73: {  	[sflag:s16] =	ssyncadd.s32 $0xFFFFFD80  }
0x74: {  	_ =	sfence.sel $0x180000  }
0x75: {  	[bflag:$0x0] =	sbarrier.arrive $0xFFFF  }
0x76: {  	_ =	strace $0x90000047  }
0x77: {  	s0 =	stileid.u32;
	[bflag:$0x2] =	sbarrier.arrive $0xFFFF  }
0x78: {  	p0 =	sne.s32 s0, $0x0;
	s0 =	rddreg [dreg:$0x4]  }
0x79: {  	s0 =	sadd.s32 @!p0 $0x100000, s0  }
0x7a: {  	[sflag:s0] =	ssyncadd.tile.s32 @!p0 $0x1;
	_ =	shalt  }
.Lfunc_end2:
_tile_overlayer_lowered:
.L_overlay_start_2:
0x7b: {  	(tag) =	ssettag $0x2  }
0x7c: {  	s0 =	rddreg [dreg:$0x0];
	s2 =	stileid.u32  }
0x7d: {  	s1 =	rddreg [dreg:$0x1];
	p0 =	sne.s32 s2, $0x0  }
0x7e: {  	s3 =	rddreg [dreg:$0x2];
	[bflag:$0x3] =	sbarrier.arrive $0xFFFF;
	s2 =	simm.s32 @!p0 $0x1C02  }
0x7f: {  	[timem:s3], [sflag:s2] =	dma.local @!p0 [hbm:s0], s1  }
0x80: {  	s0 =	simm.s32 @!p0 $0x2  }
0x81: {  	_ =	swait.ge @!p0 [sflag:s0], s1  }
0x82: {  	s1 =	ssub.s32 @!p0 $0x0, s1;
	[sflag:s0] =	ssyncset.done @!p0 $0x0  }
0x83: {  	[sflag:s0] =	ssyncadd.s32 @!p0 s1  }
0x84: {  	[bflag:$0x3] =	sbarrier.arrive $0xFFFF  }
0x85: {  	_ =	shalt  }

</sc_bundles>
